<compile_context>
chip_gen: v7x
topology: tpu7x:2x2x1
jax: 0.10.2.dev20260603
libtpu: 0.0.44.dev20260713+nightly
codegen_flags: <defaults>
</compile_context>

<pallas_src>
import jax
import jax.numpy as jnp
from jax import lax
from jax.experimental import pallas as pl
from jax.experimental.pallas import tpu as pltpu
from jax.experimental.pallas import tpu_sc as plsc

CHUNK = 128
LANES = 16
DEG_Q = 8


def _sc_geometry(n2, e2):
  info = plsc.get_sparse_core_info()
  nc, ns = info.num_cores, info.num_subcores
  nw = nc * ns
  assert e2 % (CHUNK * nw) == 0 and n2 % 8 == 0
  j = e2 // (CHUNK * nw)
  rows_per_tile = 8 * ((n2 // 8 + ns - 1) // ns)
  assert n2 >= rows_per_tile
  return nc, ns, nw, j, rows_per_tile


def _fill(ref, nrows, ncols, val):
  per_row = ncols // LANES

  def st(i, _):
    r = i // per_row
    c = (i % per_row) * LANES
    ref[r, pl.ds(c, LANES)] = jnp.full((LANES,), val, jnp.float32)
    return 0

  lax.fori_loop(0, nrows * per_row, st, 0)


def _zero_acc(rows, acc, row0, rows_per_tile):
  done = 0
  for _ in range((rows_per_tile + CHUNK - 1) // CHUNK):
    cnt = min(CHUNK, rows_per_tile - done)
    pltpu.sync_copy(rows.at[pl.ds(0, cnt)], acc.at[pl.ds(row0 + done, cnt)])
    done += cnt


def _seg_sum_sc(n2, d, e2):
  nc, ns, nw, j_per_w, rows_per_tile = _sc_geometry(n2, e2)
  phases = 2
  assert d % LANES == 0 and j_per_w % (2 * phases) == 0
  j_ph = j_per_w // phases
  pairs = j_ph // 2
  mesh = plsc.VectorSubcoreMesh(core_axis_name="c", subcore_axis_name="s")

  def body(table, src, dst, out, acc, sidx, didx, rows_a, rows_b,
           ga, gb, sa, sb):
    cid = lax.axis_index("c")
    sid = lax.axis_index("s")
    wid = sid * nc + cid

    _fill(rows_a, CHUNK, d, 0.0)
    row0 = jnp.minimum(sid * rows_per_tile, n2 - rows_per_tile)
    _zero_acc(rows_a, acc, row0, rows_per_tile)
    plsc.subcore_barrier()

    for phase in range(phases):
      c0 = wid * j_per_w + phase * j_ph
      pltpu.sync_copy(src.at[pl.ds(c0, j_ph)], sidx)
      pltpu.sync_copy(dst.at[pl.ds(c0, j_ph)], didx)

      pltpu.async_copy(table.at[sidx.at[0]], rows_a, ga)

      def pair(k, _):
        j0 = 2 * k
        pltpu.make_async_copy(table.at[pl.ds(0, CHUNK)], rows_a, ga).wait()
        pltpu.async_copy(rows_a, acc.at[didx.at[j0]], sa, add=True)

        @pl.when(k > 0)
        def _():
          pltpu.make_async_copy(rows_b, acc.at[pl.ds(0, CHUNK)], sb).wait()

        pltpu.async_copy(table.at[sidx.at[j0 + 1]], rows_b, gb)
        pltpu.make_async_copy(table.at[pl.ds(0, CHUNK)], rows_b, gb).wait()
        pltpu.async_copy(rows_b, acc.at[didx.at[j0 + 1]], sb, add=True)

        @pl.when(k < pairs - 1)
        def _():
          pltpu.make_async_copy(rows_a, acc.at[pl.ds(0, CHUNK)], sa).wait()
          pltpu.async_copy(table.at[sidx.at[j0 + 2]], rows_a, ga)

        return 0

      lax.fori_loop(0, pairs, pair, 0)
      pltpu.make_async_copy(rows_a, acc.at[pl.ds(0, CHUNK)], sa).wait()
      pltpu.make_async_copy(rows_b, acc.at[pl.ds(0, CHUNK)], sb).wait()
    plsc.subcore_barrier()

    pltpu.sync_copy(acc.at[pl.ds(row0, rows_per_tile)],
                    out.at[cid, pl.ds(row0, rows_per_tile)])

  return pl.kernel(
      body,
      out_type=[jax.ShapeDtypeStruct((nc, n2, d), jnp.float32)],
      mesh=mesh,
      scratch_types=[
          pltpu.VMEM_SHARED((n2, d), jnp.float32),
          pltpu.VMEM((j_ph, CHUNK), jnp.int32),
          pltpu.VMEM((j_ph, CHUNK), jnp.int32),
          pltpu.VMEM((CHUNK, d), jnp.float32),
          pltpu.VMEM((CHUNK, d), jnp.float32),
          pltpu.SemaphoreType.DMA,
          pltpu.SemaphoreType.DMA,
          pltpu.SemaphoreType.DMA,
          pltpu.SemaphoreType.DMA,
      ],
  )


def _deg_hist_sc(n2, d, e2, real_chunks):
  nc, ns, nw, j_per_w, rows_per_tile = _sc_geometry(n2, e2)
  assert j_per_w % DEG_Q == 0
  mesh = plsc.VectorSubcoreMesh(core_axis_name="c", subcore_axis_name="s")

  def body(dst, out, acc, didx, rows, ssem):
    cid = lax.axis_index("c")
    sid = lax.axis_index("s")
    wid = sid * nc + cid

    _fill(rows, CHUNK, d, 0.0)
    row0 = jnp.minimum(sid * rows_per_tile, n2 - rows_per_tile)
    _zero_acc(rows, acc, row0, rows_per_tile)
    _fill(rows, CHUNK, d, 1.0)
    pltpu.sync_copy(dst.at[pl.ds(wid * j_per_w, j_per_w)], didx)
    plsc.subcore_barrier()

    def batch(g, _):
      for b in range(DEG_Q):
        @pl.when(wid * j_per_w + g * DEG_Q + b < real_chunks)
        def _():
          pltpu.async_copy(rows, acc.at[didx.at[g * DEG_Q + b]], ssem,
                           add=True)
      for b in range(DEG_Q):
        @pl.when(wid * j_per_w + g * DEG_Q + b < real_chunks)
        def _():
          pltpu.make_async_copy(rows, acc.at[pl.ds(0, CHUNK)], ssem).wait()
      return 0

    lax.fori_loop(0, j_per_w // DEG_Q, batch, 0)
    plsc.subcore_barrier()

    pltpu.sync_copy(acc.at[pl.ds(row0, rows_per_tile)],
                    out.at[cid, pl.ds(row0, rows_per_tile)])

  return pl.kernel(
      body,
      out_type=[jax.ShapeDtypeStruct((nc, n2, d), jnp.float32)],
      mesh=mesh,
      scratch_types=[
          pltpu.VMEM_SHARED((n2, d), jnp.float32),
          pltpu.VMEM((j_per_w, CHUNK), jnp.int32),
          pltpu.VMEM((CHUNK, d), jnp.float32),
          pltpu.SemaphoreType.DMA,
      ],
  )


def _tc_pre(x, Wl, Wr, b, br):
  n, d = x.shape

  def body(x_ref, wl_ref, wr_ref, b_ref, z_ref, y_ref):
    xb = x_ref[...]
    z_ref[...] = jnp.dot(xb, wl_ref[...],
                         preferred_element_type=jnp.float32) + b_ref[...]
    y_ref[...] = jnp.dot(xb, wr_ref[...], preferred_element_type=jnp.float32)

  return pl.pallas_call(
      body,
      grid=(n // br,),
      in_specs=[
          pl.BlockSpec((br, d), lambda i: (i, 0)),
          pl.BlockSpec((d, d), lambda i: (0, 0)),
          pl.BlockSpec((d, d), lambda i: (0, 0)),
          pl.BlockSpec((1, d), lambda i: (0, 0)),
      ],
      out_specs=[
          pl.BlockSpec((br, d), lambda i: (i, 0)),
          pl.BlockSpec((br, d), lambda i: (i, 0)),
      ],
      out_shape=[jax.ShapeDtypeStruct((n, d), jnp.float32)] * 2,
  )(x, Wl, Wr, b.reshape(1, d))


def _tc_mid(z1, p1, pdeg, Wl, Wr, b, br):
  n, d = z1.shape

  dw = pdeg.shape[2]

  def body(z1_ref, p_ref, pd_ref, wl_ref, wr_ref, b_ref, z2_ref, y2_ref):
    s = p_ref[0] + p_ref[1]
    deg = pd_ref[0, :, 0:1] + pd_ref[1, :, 0:1]
    inv = 1.0 / jnp.maximum(deg, 1.0)
    h = jnp.maximum(z1_ref[...] + s * inv, 0.0)
    z2_ref[...] = jnp.dot(h, wl_ref[...],
                          preferred_element_type=jnp.float32) + b_ref[...]
    y2_ref[...] = jnp.dot(h, wr_ref[...], preferred_element_type=jnp.float32)

  return pl.pallas_call(
      body,
      grid=(n // br,),
      in_specs=[
          pl.BlockSpec((br, d), lambda i: (i, 0)),
          pl.BlockSpec((2, br, d), lambda i: (0, i, 0)),
          pl.BlockSpec((2, br, dw), lambda i: (0, i, 0)),
          pl.BlockSpec((d, d), lambda i: (0, 0)),
          pl.BlockSpec((d, d), lambda i: (0, 0)),
          pl.BlockSpec((1, d), lambda i: (0, 0)),
      ],
      out_specs=[
          pl.BlockSpec((br, d), lambda i: (i, 0)),
          pl.BlockSpec((br, d), lambda i: (i, 0)),
      ],
      out_shape=[jax.ShapeDtypeStruct((n, d), jnp.float32)] * 2,
  )(z1, p1, pdeg, Wl, Wr, b.reshape(1, d))


def _tc_post(z2, p2, pdeg, br):
  n, d = z2.shape

  dw = pdeg.shape[2]

  def body(z2_ref, p_ref, pd_ref, out_ref):
    s = p_ref[0] + p_ref[1]
    deg = pd_ref[0, :, 0:1] + pd_ref[1, :, 0:1]
    out_ref[...] = z2_ref[...] + s * (1.0 / jnp.maximum(deg, 1.0))

  return pl.pallas_call(
      body,
      grid=(n // br,),
      in_specs=[
          pl.BlockSpec((br, d), lambda i: (i, 0)),
          pl.BlockSpec((2, br, d), lambda i: (0, i, 0)),
          pl.BlockSpec((2, br, dw), lambda i: (0, i, 0)),
      ],
      out_specs=pl.BlockSpec((br, d), lambda i: (i, 0)),
      out_shape=jax.ShapeDtypeStruct((n, d), jnp.float32),
  )(z2, p2, pdeg)


def kernel(x, edge_index, W1l, W1r, b1, W2l, W2r, b2):
  n, d = x.shape
  e = edge_index.shape[1]
  br = 1000 if n % 1000 == 0 else 8
  nw = 32
  n2 = n + 240
  e2 = -(-e // (2 * CHUNK * nw)) * (2 * CHUNK * nw)
  src = edge_index[0]
  dst = edge_index[1]
  pad = e2 - e
  assert e % CHUNK == 0
  src2 = jnp.concatenate(
      [src, jnp.arange(pad, dtype=jnp.int32) % n]).reshape(
          e2 // CHUNK, CHUNK)
  dst2 = jnp.concatenate(
      [dst, n + (jnp.arange(pad, dtype=jnp.int32) % (n2 - n))]).reshape(
          e2 // CHUNK, CHUNK)

  seg = _seg_sum_sc(n2, d, e2)
  pdeg, = _deg_hist_sc(n2, d, e2, e // CHUNK)(dst2)
  z1, y1 = _tc_pre(x, W1l, W1r, b1, br)
  p1, = seg(y1, src2, dst2)
  z2, y2 = _tc_mid(z1, p1, pdeg, W2l, W2r, b2, br)
  p2, = seg(y2, src2, dst2)
  return _tc_post(z2, p2, pdeg, br)

# --- scband reference (transcript-rebuilt; emitter-appended) ---
"""Pipeline reference for scband-mqsage-77154792505947 (READ-ONLY COPY).

The authoritative reference and input builder live on the scoring server;
editing this copy changes nothing except your own understanding.
"""

import jax, jax.numpy as jnp
import numpy as np

N = 10000
E = 320000
D_IN = 128
D_H = 128
D_OUT = 128


def setup_inputs(seed: int = 0) -> dict:
    key = jax.random.key(seed)
    ks = jax.random.split(key, 9)
    x = jax.random.normal(ks[0], (N, D_IN), dtype=jnp.float32)
    edge_index = jax.random.randint(ks[1], (2, E), 0, N, dtype=jnp.int32)
    s1 = 1.0 / np.sqrt(D_IN)
    s2 = 1.0 / np.sqrt(D_H)
    W1l = jax.random.normal(ks[2], (D_IN, D_H), dtype=jnp.float32) * s1
    W1r = jax.random.normal(ks[3], (D_IN, D_H), dtype=jnp.float32) * s1
    b1 = jnp.zeros((D_H,), dtype=jnp.float32)
    W2l = jax.random.normal(ks[4], (D_H, D_OUT), dtype=jnp.float32) * s2
    W2r = jax.random.normal(ks[5], (D_H, D_OUT), dtype=jnp.float32) * s2
    b2 = jnp.zeros((D_OUT,), dtype=jnp.float32)
    return {"x": x, "edge_index": edge_index, "W1l": W1l, "W1r": W1r, "b1": b1,
            "W2l": W2l, "W2r": W2r, "b2": b2}


def _sage_conv(x, edge_index, Wl, Wr, b):
    # GraphSAGE with mean aggregation: out = x @ Wl + mean_{j in N(i)} x_j @ Wr + b
    src = edge_index[0]
    dst = edge_index[1]
    msg = jnp.take(x, src, axis=0)  # gather: [E, d]
    agg = jax.ops.segment_sum(msg, dst, num_segments=x.shape[0])  # scatter-add: [N, d]
    deg = jax.ops.segment_sum(jnp.ones((edge_index.shape[1],), dtype=x.dtype), dst,
                              num_segments=x.shape[0])
    mean_agg = agg / jnp.maximum(deg, 1.0)[:, None]
    return x @ Wl + mean_agg @ Wr + b


def reference(x, edge_index, W1l, W1r, b1, W2l, W2r, b2):
    # MQSAGE forward: sage_1 -> ReLU -> sage_2 (fake-quant layers act as identity pass-through on values)
    h = _sage_conv(x, edge_index, W1l, W1r, b1)
    h = jax.nn.relu(h)
    out = _sage_conv(h, edge_index, W2l, W2r, b2)
    return out

if __name__ == "__main__":
    import jax
    _d = setup_inputs()
    print(jax.jit(kernel)(*tuple(_d.values())))

</pallas_src>

<mosaic_0001>
#map = affine_map<(d0, d1) -> (0, 0)>
#map1 = affine_map<(d0, d1) -> (0, 0, 0)>
module attributes {stable_mosaic.version = 14 : i64} {
  func.func @body(%arg0: i32, %arg1: i32, %arg2: memref<2560x128xi32, #tpu.memory_space<hbm>>, %arg3: memref<2x10240x128xf32, #tpu.memory_space<hbm>>, %arg4: memref<10240x128xf32, #tpu.memory_space<vmem_shared>>, %arg5: memref<80x128xi32, #tpu.memory_space<vmem>>, %arg6: memref<128x128xf32, #tpu.memory_space<vmem>>, %arg7: memref<!tpu.dma_semaphore, #tpu.memory_space<semaphore_mem>>) attributes {dimension_semantics = [#tpu.dimension_semantics<core_parallel>, #tpu.dimension_semantics<subcore_parallel>], iteration_bounds = array<i64: 2, 16>, scalar_prefetch = 0 : i64, scratch_operands = 4 : i64, tpu.core_type = #tpu.core_type<sc_vector_subcore>, window_params = [{transform_indices = #map}, {transform_indices = #map1}]} {
    %mul3A = arith.constant 2 : i32
    %mul3A_0 = arith.muli %arg1, %mul3A : i32
    %add3A = arith.addi %mul3A_0, %arg0 : i32
    %scan3A = arith.constant 0 : i32
    %scan3A_1 = arith.constant 0 : i32
    %scan3A_2 = arith.constant 1024 : i32
    %scan3A_3 = arith.addi %scan3A_1, %scan3A_2 : i32
    %scan3A_4 = arith.constant 1 : i32
    %scan3A_5 = scf.for %scan3A_37 = %scan3A_1 to %scan3A_3 step %scan3A_4 iter_args(%scan3A_38 = %scan3A) -> (i32)  : i32 {
      %jit3A = arith.constant 8 : i32
      %div3A = arith.divsi %scan3A_37, %jit3A : i32
      %sign3A = arith.constant 0 : i32
      %sign3A_39 = arith.cmpi sgt, %scan3A_37, %sign3A : i32
      %sign3A_40 = arith.extui %sign3A_39 : i1 to i32
      %sign3A_41 = arith.constant 0 : i32
      %sign3A_42 = arith.cmpi slt, %scan3A_37, %sign3A_41 : i32
      %sign3A_43 = arith.extui %sign3A_42 : i1 to i32
      %sign3A_44 = arith.subi %sign3A_40, %sign3A_43 : i32
      %sign3A_45 = arith.constant 0 : i32
      %sign3A_46 = arith.cmpi sgt, %jit3A, %sign3A_45 : i32
      %sign3A_47 = arith.extui %sign3A_46 : i1 to i32
      %sign3A_48 = arith.constant 0 : i32
      %sign3A_49 = arith.cmpi slt, %jit3A, %sign3A_48 : i32
      %sign3A_50 = arith.extui %sign3A_49 : i1 to i32
      %sign3A_51 = arith.subi %sign3A_47, %sign3A_50 : i32
      %ne3A = arith.cmpi ne, %sign3A_44, %sign3A_51 : i32
      %rem3A = arith.remsi %scan3A_37, %jit3A : i32
      %ne3A_52 = arith.constant 0 : i32
      %ne3A_53 = arith.cmpi ne, %rem3A, %ne3A_52 : i32
      %and3A = arith.andi %ne3A, %ne3A_53 : i1
      %sub3A = arith.constant 1 : i32
      %sub3A_54 = arith.subi %div3A, %sub3A : i32
      %select_n3A = arith.select %and3A, %sub3A_54, %div3A : i32
      %jit3A_55 = arith.constant 8 : i32
      %eq3A = arith.constant 0 : i32
      %eq3A_56 = arith.cmpi eq, %jit3A_55, %eq3A : i32
      %jit3A_57 = arith.constant 1 : i32
      %select_n3A_58 = arith.select %eq3A_56, %jit3A_57, %jit3A_55 : i32
      %rem3A_59 = arith.remsi %scan3A_37, %select_n3A_58 : i32
      %ne3A_60 = arith.constant 0 : i32
      %ne3A_61 = arith.cmpi ne, %rem3A_59, %ne3A_60 : i32
      %lt3A = arith.constant 0 : i32
      %lt3A_62 = arith.cmpi slt, %rem3A_59, %lt3A : i32
      %lt3A_63 = arith.constant 0 : i32
      %lt3A_64 = arith.cmpi slt, %select_n3A_58, %lt3A_63 : i32
      %ne3A_65 = arith.xori %lt3A_62, %lt3A_64 : i1
      %and3A_66 = arith.andi %ne3A_65, %ne3A_61 : i1
      %add3A_67 = arith.addi %rem3A_59, %select_n3A_58 : i32
      %select_n3A_68 = arith.select %and3A_66, %add3A_67, %rem3A_59 : i32
      %mul3A_69 = arith.constant 16 : i32
      %mul3A_70 = arith.muli %select_n3A_68, %mul3A_69 : i32
      %broadcast_in_dim3A = arith.constant 0.000000e+00 : f32
      %broadcast_in_dim3A_71 = vector.broadcast %broadcast_in_dim3A : f32 to vector<16xf32>
      %swap3A = arith.index_cast %select_n3A : i32 to index
      %swap3A_72 = arith.index_cast %mul3A_70 : i32 to index
      %swap3A_73 = tpu.vector_load %arg6[%swap3A, %swap3A_72] {strides = array<i32>} : memref<128x128xf32, #tpu.memory_space<vmem>>, vector<1x16xf32>,
      %swap3A_74 = vector.shape_cast %swap3A_73 : vector<1x16xf32> to vector<16xf32>
      %swap3A_75 = vector.shape_cast %broadcast_in_dim3A_71 : vector<16xf32> to vector<1x16xf32>
      tpu.vector_store %arg6[%swap3A, %swap3A_72], %swap3A_75 {strides = array<i32>} : memref<128x128xf32, #tpu.memory_space<vmem>>, vector<1x16xf32>,
      %scan3A_76 = arith.constant 0 : i32
      scf.yield %scan3A_76 : i32
    }
    %scan3A_6 = arith.constant 1024 : i32
    %mul3A_7 = arith.constant 640 : i32
    %mul3A_8 = arith.muli %arg1, %mul3A_7 : i32
    %min3A = arith.constant 9600 : i32
    %min3A_9 = arith.minsi %mul3A_8, %min3A : i32
    %add3A_10 = arith.constant 0 : i32
    %add3A_11 = arith.addi %min3A_9, %add3A_10 : i32
    "tpu.region"() ({
      %run_scoped3A = tpu.sem_alloc : memref<!tpu.dma_semaphore, #tpu.memory_space<semaphore_mem>>
      %dma_start3A = arith.constant 0 : i32
      %dma_start3A_37 = arith.constant 0 : i32
      %dma_start3A_38 = tpu.memref_slice %arg6[%dma_start3A, %dma_start3A_37] : memref<128x128xf32, #tpu.memory_space<vmem>> -> memref<128x128xf32, #tpu.memory_space<vmem>>
      %dma_start3A_39 = arith.constant 0 : i32
      %dma_start3A_40 = tpu.memref_slice %arg4[%add3A_11, %dma_start3A_39] : memref<10240x128xf32, #tpu.memory_space<vmem_shared>> -> memref<128x128xf32, #tpu.memory_space<vmem_shared>>
      %dma_start3A_41 = arith.constant 0 : i32
      %dma_start3A_42 = tpu.memref_slice %arg4[%add3A_11, %dma_start3A_41] : memref<10240x128xf32, #tpu.memory_space<vmem_shared>> -> memref<128x128xf32, #tpu.memory_space<vmem_shared>>
      %dma_start3A_43 = arith.constant 0 : i32
      %dma_start3A_44 = arith.constant 0 : i32
      %dma_start3A_45 = tpu.memref_slice %arg6[%dma_start3A_43, %dma_start3A_44] : memref<128x128xf32, #tpu.memory_space<vmem>> -> memref<128x128xf32, #tpu.memory_space<vmem>>
      tpu.enqueue_dma source(%dma_start3A_45 : memref<128x128xf32, #tpu.memory_space<vmem>>) target(%dma_start3A_42 : memref<128x128xf32, #tpu.memory_space<vmem_shared>>) target_semaphore(%run_scoped3A : memref<!tpu.dma_semaphore, #tpu.memory_space<semaphore_mem>>)
      %dma_wait3A = arith.constant 0 : i32
      %dma_wait3A_46 = arith.constant 0 : i32
      %dma_wait3A_47 = tpu.memref_slice %arg6[%dma_wait3A, %dma_wait3A_46] : memref<128x128xf32, #tpu.memory_space<vmem>> -> memref<128x128xf32, #tpu.memory_space<vmem>>
      %dma_wait3A_48 = arith.constant 0 : i32
      %dma_wait3A_49 = tpu.memref_slice %arg4[%add3A_11, %dma_wait3A_48] : memref<10240x128xf32, #tpu.memory_space<vmem_shared>> -> memref<128x128xf32, #tpu.memory_space<vmem_shared>>
      %dma_wait3A_50 = arith.constant 0 : i32
      %dma_wait3A_51 = tpu.memref_slice %arg4[%add3A_11, %dma_wait3A_50] : memref<10240x128xf32, #tpu.memory_space<vmem_shared>> -> memref<128x128xf32, #tpu.memory_space<vmem_shared>>
      %dma_wait3A_52 = arith.constant 0 : i32
      %dma_wait3A_53 = arith.constant 0 : i32
      %dma_wait3A_54 = tpu.memref_slice %arg6[%dma_wait3A_52, %dma_wait3A_53] : memref<128x128xf32, #tpu.memory_space<vmem>> -> memref<128x128xf32, #tpu.memory_space<vmem>>
      tpu.wait_dma2 semaphore(%run_scoped3A : memref<!tpu.dma_semaphore, #tpu.memory_space<semaphore_mem>>) src(%dma_wait3A_54 : memref<128x128xf32, #tpu.memory_space<vmem>>) dst(%dma_wait3A_51 : memref<128x128xf32, #tpu.memory_space<vmem_shared>>)
      tpu.yield
    }) : () -> ()
    %add3A_12 = arith.constant 128 : i32
    %add3A_13 = arith.addi %min3A_9, %add3A_12 : i32
    "tpu.region"() ({
      %run_scoped3A = tpu.sem_alloc : memref<!tpu.dma_semaphore, #tpu.memory_space<semaphore_mem>>
      %dma_start3A = arith.constant 0 : i32
      %dma_start3A_37 = arith.constant 0 : i32
      %dma_start3A_38 = tpu.memref_slice %arg6[%dma_start3A, %dma_start3A_37] : memref<128x128xf32, #tpu.memory_space<vmem>> -> memref<128x128xf32, #tpu.memory_space<vmem>>
      %dma_start3A_39 = arith.constant 0 : i32
      %dma_start3A_40 = tpu.memref_slice %arg4[%add3A_13, %dma_start3A_39] : memref<10240x128xf32, #tpu.memory_space<vmem_shared>> -> memref<128x128xf32, #tpu.memory_space<vmem_shared>>
      %dma_start3A_41 = arith.constant 0 : i32
      %dma_start3A_42 = tpu.memref_slice %arg4[%add3A_13, %dma_start3A_41] : memref<10240x128xf32, #tpu.memory_space<vmem_shared>> -> memref<128x128xf32, #tpu.memory_space<vmem_shared>>
      %dma_start3A_43 = arith.constant 0 : i32
      %dma_start3A_44 = arith.constant 0 : i32
      %dma_start3A_45 = tpu.memref_slice %arg6[%dma_start3A_43, %dma_start3A_44] : memref<128x128xf32, #tpu.memory_space<vmem>> -> memref<128x128xf32, #tpu.memory_space<vmem>>
      tpu.enqueue_dma source(%dma_start3A_45 : memref<128x128xf32, #tpu.memory_space<vmem>>) target(%dma_start3A_42 : memref<128x128xf32, #tpu.memory_space<vmem_shared>>) target_semaphore(%run_scoped3A : memref<!tpu.dma_semaphore, #tpu.memory_space<semaphore_mem>>)
      %dma_wait3A = arith.constant 0 : i32
      %dma_wait3A_46 = arith.constant 0 : i32
      %dma_wait3A_47 = tpu.memref_slice %arg6[%dma_wait3A, %dma_wait3A_46] : memref<128x128xf32, #tpu.memory_space<vmem>> -> memref<128x128xf32, #tpu.memory_space<vmem>>
      %dma_wait3A_48 = arith.constant 0 : i32
      %dma_wait3A_49 = tpu.memref_slice %arg4[%add3A_13, %dma_wait3A_48] : memref<10240x128xf32, #tpu.memory_space<vmem_shared>> -> memref<128x128xf32, #tpu.memory_space<vmem_shared>>
      %dma_wait3A_50 = arith.constant 0 : i32
      %dma_wait3A_51 = tpu.memref_slice %arg4[%add3A_13, %dma_wait3A_50] : memref<10240x128xf32, #tpu.memory_space<vmem_shared>> -> memref<128x128xf32, #tpu.memory_space<vmem_shared>>
      %dma_wait3A_52 = arith.constant 0 : i32
      %dma_wait3A_53 = arith.constant 0 : i32
      %dma_wait3A_54 = tpu.memref_slice %arg6[%dma_wait3A_52, %dma_wait3A_53] : memref<128x128xf32, #tpu.memory_space<vmem>> -> memref<128x128xf32, #tpu.memory_space<vmem>>
      tpu.wait_dma2 semaphore(%run_scoped3A : memref<!tpu.dma_semaphore, #tpu.memory_space<semaphore_mem>>) src(%dma_wait3A_54 : memref<128x128xf32, #tpu.memory_space<vmem>>) dst(%dma_wait3A_51 : memref<128x128xf32, #tpu.memory_space<vmem_shared>>)
      tpu.yield
    }) : () -> ()
    %add3A_14 = arith.constant 256 : i32
    %add3A_15 = arith.addi %min3A_9, %add3A_14 : i32
    "tpu.region"() ({
      %run_scoped3A = tpu.sem_alloc : memref<!tpu.dma_semaphore, #tpu.memory_space<semaphore_mem>>
      %dma_start3A = arith.constant 0 : i32
      %dma_start3A_37 = arith.constant 0 : i32
      %dma_start3A_38 = tpu.memref_slice %arg6[%dma_start3A, %dma_start3A_37] : memref<128x128xf32, #tpu.memory_space<vmem>> -> memref<128x128xf32, #tpu.memory_space<vmem>>
      %dma_start3A_39 = arith.constant 0 : i32
      %dma_start3A_40 = tpu.memref_slice %arg4[%add3A_15, %dma_start3A_39] : memref<10240x128xf32, #tpu.memory_space<vmem_shared>> -> memref<128x128xf32, #tpu.memory_space<vmem_shared>>
      %dma_start3A_41 = arith.constant 0 : i32
      %dma_start3A_42 = tpu.memref_slice %arg4[%add3A_15, %dma_start3A_41] : memref<10240x128xf32, #tpu.memory_space<vmem_shared>> -> memref<128x128xf32, #tpu.memory_space<vmem_shared>>
      %dma_start3A_43 = arith.constant 0 : i32
      %dma_start3A_44 = arith.constant 0 : i32
      %dma_start3A_45 = tpu.memref_slice %arg6[%dma_start3A_43, %dma_start3A_44] : memref<128x128xf32, #tpu.memory_space<vmem>> -> memref<128x128xf32, #tpu.memory_space<vmem>>
      tpu.enqueue_dma source(%dma_start3A_45 : memref<128x128xf32, #tpu.memory_space<vmem>>) target(%dma_start3A_42 : memref<128x128xf32, #tpu.memory_space<vmem_shared>>) target_semaphore(%run_scoped3A : memref<!tpu.dma_semaphore, #tpu.memory_space<semaphore_mem>>)
      %dma_wait3A = arith.constant 0 : i32
      %dma_wait3A_46 = arith.constant 0 : i32
      %dma_wait3A_47 = tpu.memref_slice %arg6[%dma_wait3A, %dma_wait3A_46] : memref<128x128xf32, #tpu.memory_space<vmem>> -> memref<128x128xf32, #tpu.memory_space<vmem>>
      %dma_wait3A_48 = arith.constant 0 : i32
      %dma_wait3A_49 = tpu.memref_slice %arg4[%add3A_15, %dma_wait3A_48] : memref<10240x128xf32, #tpu.memory_space<vmem_shared>> -> memref<128x128xf32, #tpu.memory_space<vmem_shared>>
      %dma_wait3A_50 = arith.constant 0 : i32
      %dma_wait3A_51 = tpu.memref_slice %arg4[%add3A_15, %dma_wait3A_50] : memref<10240x128xf32, #tpu.memory_space<vmem_shared>> -> memref<128x128xf32, #tpu.memory_space<vmem_shared>>
      %dma_wait3A_52 = arith.constant 0 : i32
      %dma_wait3A_53 = arith.constant 0 : i32
      %dma_wait3A_54 = tpu.memref_slice %arg6[%dma_wait3A_52, %dma_wait3A_53] : memref<128x128xf32, #tpu.memory_space<vmem>> -> memref<128x128xf32, #tpu.memory_space<vmem>>
      tpu.wait_dma2 semaphore(%run_scoped3A : memref<!tpu.dma_semaphore, #tpu.memory_space<semaphore_mem>>) src(%dma_wait3A_54 : memref<128x128xf32, #tpu.memory_space<vmem>>) dst(%dma_wait3A_51 : memref<128x128xf32, #tpu.memory_space<vmem_shared>>)
      tpu.yield
    }) : () -> ()
    %add3A_16 = arith.constant 384 : i32
    %add3A_17 = arith.addi %min3A_9, %add3A_16 : i32
    "tpu.region"() ({
      %run_scoped3A = tpu.sem_alloc : memref<!tpu.dma_semaphore, #tpu.memory_space<semaphore_mem>>
      %dma_start3A = arith.constant 0 : i32
      %dma_start3A_37 = arith.constant 0 : i32
      %dma_start3A_38 = tpu.memref_slice %arg6[%dma_start3A, %dma_start3A_37] : memref<128x128xf32, #tpu.memory_space<vmem>> -> memref<128x128xf32, #tpu.memory_space<vmem>>
      %dma_start3A_39 = arith.constant 0 : i32
      %dma_start3A_40 = tpu.memref_slice %arg4[%add3A_17, %dma_start3A_39] : memref<10240x128xf32, #tpu.memory_space<vmem_shared>> -> memref<128x128xf32, #tpu.memory_space<vmem_shared>>
      %dma_start3A_41 = arith.constant 0 : i32
      %dma_start3A_42 = tpu.memref_slice %arg4[%add3A_17, %dma_start3A_41] : memref<10240x128xf32, #tpu.memory_space<vmem_shared>> -> memref<128x128xf32, #tpu.memory_space<vmem_shared>>
      %dma_start3A_43 = arith.constant 0 : i32
      %dma_start3A_44 = arith.constant 0 : i32
      %dma_start3A_45 = tpu.memref_slice %arg6[%dma_start3A_43, %dma_start3A_44] : memref<128x128xf32, #tpu.memory_space<vmem>> -> memref<128x128xf32, #tpu.memory_space<vmem>>
      tpu.enqueue_dma source(%dma_start3A_45 : memref<128x128xf32, #tpu.memory_space<vmem>>) target(%dma_start3A_42 : memref<128x128xf32, #tpu.memory_space<vmem_shared>>) target_semaphore(%run_scoped3A : memref<!tpu.dma_semaphore, #tpu.memory_space<semaphore_mem>>)
      %dma_wait3A = arith.constant 0 : i32
      %dma_wait3A_46 = arith.constant 0 : i32
      %dma_wait3A_47 = tpu.memref_slice %arg6[%dma_wait3A, %dma_wait3A_46] : memref<128x128xf32, #tpu.memory_space<vmem>> -> memref<128x128xf32, #tpu.memory_space<vmem>>
      %dma_wait3A_48 = arith.constant 0 : i32
      %dma_wait3A_49 = tpu.memref_slice %arg4[%add3A_17, %dma_wait3A_48] : memref<10240x128xf32, #tpu.memory_space<vmem_shared>> -> memref<128x128xf32, #tpu.memory_space<vmem_shared>>
      %dma_wait3A_50 = arith.constant 0 : i32
      %dma_wait3A_51 = tpu.memref_slice %arg4[%add3A_17, %dma_wait3A_50] : memref<10240x128xf32, #tpu.memory_space<vmem_shared>> -> memref<128x128xf32, #tpu.memory_space<vmem_shared>>
      %dma_wait3A_52 = arith.constant 0 : i32
      %dma_wait3A_53 = arith.constant 0 : i32
      %dma_wait3A_54 = tpu.memref_slice %arg6[%dma_wait3A_52, %dma_wait3A_53] : memref<128x128xf32, #tpu.memory_space<vmem>> -> memref<128x128xf32, #tpu.memory_space<vmem>>
      tpu.wait_dma2 semaphore(%run_scoped3A : memref<!tpu.dma_semaphore, #tpu.memory_space<semaphore_mem>>) src(%dma_wait3A_54 : memref<128x128xf32, #tpu.memory_space<vmem>>) dst(%dma_wait3A_51 : memref<128x128xf32, #tpu.memory_space<vmem_shared>>)
      tpu.yield
    }) : () -> ()
    %add3A_18 = arith.constant 512 : i32
    %add3A_19 = arith.addi %min3A_9, %add3A_18 : i32
    "tpu.region"() ({
      %run_scoped3A = tpu.sem_alloc : memref<!tpu.dma_semaphore, #tpu.memory_space<semaphore_mem>>
      %dma_start3A = arith.constant 0 : i32
      %dma_start3A_37 = arith.constant 0 : i32
      %dma_start3A_38 = tpu.memref_slice %arg6[%dma_start3A, %dma_start3A_37] : memref<128x128xf32, #tpu.memory_space<vmem>> -> memref<128x128xf32, #tpu.memory_space<vmem>>
      %dma_start3A_39 = arith.constant 0 : i32
      %dma_start3A_40 = tpu.memref_slice %arg4[%add3A_19, %dma_start3A_39] : memref<10240x128xf32, #tpu.memory_space<vmem_shared>> -> memref<128x128xf32, #tpu.memory_space<vmem_shared>>
      %dma_start3A_41 = arith.constant 0 : i32
      %dma_start3A_42 = tpu.memref_slice %arg4[%add3A_19, %dma_start3A_41] : memref<10240x128xf32, #tpu.memory_space<vmem_shared>> -> memref<128x128xf32, #tpu.memory_space<vmem_shared>>
      %dma_start3A_43 = arith.constant 0 : i32
      %dma_start3A_44 = arith.constant 0 : i32
      %dma_start3A_45 = tpu.memref_slice %arg6[%dma_start3A_43, %dma_start3A_44] : memref<128x128xf32, #tpu.memory_space<vmem>> -> memref<128x128xf32, #tpu.memory_space<vmem>>
      tpu.enqueue_dma source(%dma_start3A_45 : memref<128x128xf32, #tpu.memory_space<vmem>>) target(%dma_start3A_42 : memref<128x128xf32, #tpu.memory_space<vmem_shared>>) target_semaphore(%run_scoped3A : memref<!tpu.dma_semaphore, #tpu.memory_space<semaphore_mem>>)
      %dma_wait3A = arith.constant 0 : i32
      %dma_wait3A_46 = arith.constant 0 : i32
      %dma_wait3A_47 = tpu.memref_slice %arg6[%dma_wait3A, %dma_wait3A_46] : memref<128x128xf32, #tpu.memory_space<vmem>> -> memref<128x128xf32, #tpu.memory_space<vmem>>
      %dma_wait3A_48 = arith.constant 0 : i32
      %dma_wait3A_49 = tpu.memref_slice %arg4[%add3A_19, %dma_wait3A_48] : memref<10240x128xf32, #tpu.memory_space<vmem_shared>> -> memref<128x128xf32, #tpu.memory_space<vmem_shared>>
      %dma_wait3A_50 = arith.constant 0 : i32
      %dma_wait3A_51 = tpu.memref_slice %arg4[%add3A_19, %dma_wait3A_50] : memref<10240x128xf32, #tpu.memory_space<vmem_shared>> -> memref<128x128xf32, #tpu.memory_space<vmem_shared>>
      %dma_wait3A_52 = arith.constant 0 : i32
      %dma_wait3A_53 = arith.constant 0 : i32
      %dma_wait3A_54 = tpu.memref_slice %arg6[%dma_wait3A_52, %dma_wait3A_53] : memref<128x128xf32, #tpu.memory_space<vmem>> -> memref<128x128xf32, #tpu.memory_space<vmem>>
      tpu.wait_dma2 semaphore(%run_scoped3A : memref<!tpu.dma_semaphore, #tpu.memory_space<semaphore_mem>>) src(%dma_wait3A_54 : memref<128x128xf32, #tpu.memory_space<vmem>>) dst(%dma_wait3A_51 : memref<128x128xf32, #tpu.memory_space<vmem_shared>>)
      tpu.yield
    }) : () -> ()
    %scan3A_20 = arith.constant 0 : i32
    %scan3A_21 = arith.constant 0 : i32
    %scan3A_22 = arith.constant 1024 : i32
    %scan3A_23 = arith.addi %scan3A_21, %scan3A_22 : i32
    %scan3A_24 = arith.constant 1 : i32
    %scan3A_25 = scf.for %scan3A_37 = %scan3A_21 to %scan3A_23 step %scan3A_24 iter_args(%scan3A_38 = %scan3A_20) -> (i32)  : i32 {
      %jit3A = arith.constant 8 : i32
      %div3A = arith.divsi %scan3A_37, %jit3A : i32
      %sign3A = arith.constant 0 : i32
      %sign3A_39 = arith.cmpi sgt, %scan3A_37, %sign3A : i32
      %sign3A_40 = arith.extui %sign3A_39 : i1 to i32
      %sign3A_41 = arith.constant 0 : i32
      %sign3A_42 = arith.cmpi slt, %scan3A_37, %sign3A_41 : i32
      %sign3A_43 = arith.extui %sign3A_42 : i1 to i32
      %sign3A_44 = arith.subi %sign3A_40, %sign3A_43 : i32
      %sign3A_45 = arith.constant 0 : i32
      %sign3A_46 = arith.cmpi sgt, %jit3A, %sign3A_45 : i32
      %sign3A_47 = arith.extui %sign3A_46 : i1 to i32
      %sign3A_48 = arith.constant 0 : i32
      %sign3A_49 = arith.cmpi slt, %jit3A, %sign3A_48 : i32
      %sign3A_50 = arith.extui %sign3A_49 : i1 to i32
      %sign3A_51 = arith.subi %sign3A_47, %sign3A_50 : i32
      %ne3A = arith.cmpi ne, %sign3A_44, %sign3A_51 : i32
      %rem3A = arith.remsi %scan3A_37, %jit3A : i32
      %ne3A_52 = arith.constant 0 : i32
      %ne3A_53 = arith.cmpi ne, %rem3A, %ne3A_52 : i32
      %and3A = arith.andi %ne3A, %ne3A_53 : i1
      %sub3A = arith.constant 1 : i32
      %sub3A_54 = arith.subi %div3A, %sub3A : i32
      %select_n3A = arith.select %and3A, %sub3A_54, %div3A : i32
      %jit3A_55 = arith.constant 8 : i32
      %eq3A = arith.constant 0 : i32
      %eq3A_56 = arith.cmpi eq, %jit3A_55, %eq3A : i32
      %jit3A_57 = arith.constant 1 : i32
      %select_n3A_58 = arith.select %eq3A_56, %jit3A_57, %jit3A_55 : i32
      %rem3A_59 = arith.remsi %scan3A_37, %select_n3A_58 : i32
      %ne3A_60 = arith.constant 0 : i32
      %ne3A_61 = arith.cmpi ne, %rem3A_59, %ne3A_60 : i32
      %lt3A = arith.constant 0 : i32
      %lt3A_62 = arith.cmpi slt, %rem3A_59, %lt3A : i32
      %lt3A_63 = arith.constant 0 : i32
      %lt3A_64 = arith.cmpi slt, %select_n3A_58, %lt3A_63 : i32
      %ne3A_65 = arith.xori %lt3A_62, %lt3A_64 : i1
      %and3A_66 = arith.andi %ne3A_65, %ne3A_61 : i1
      %add3A_67 = arith.addi %rem3A_59, %select_n3A_58 : i32
      %select_n3A_68 = arith.select %and3A_66, %add3A_67, %rem3A_59 : i32
      %mul3A_69 = arith.constant 16 : i32
      %mul3A_70 = arith.muli %select_n3A_68, %mul3A_69 : i32
      %broadcast_in_dim3A = arith.constant 1.000000e+00 : f32
      %broadcast_in_dim3A_71 = vector.broadcast %broadcast_in_dim3A : f32 to vector<16xf32>
      %swap3A = arith.index_cast %select_n3A : i32 to index
      %swap3A_72 = arith.index_cast %mul3A_70 : i32 to index
      %swap3A_73 = tpu.vector_load %arg6[%swap3A, %swap3A_72] {strides = array<i32>} : memref<128x128xf32, #tpu.memory_space<vmem>>, vector<1x16xf32>,
      %swap3A_74 = vector.shape_cast %swap3A_73 : vector<1x16xf32> to vector<16xf32>
      %swap3A_75 = vector.shape_cast %broadcast_in_dim3A_71 : vector<16xf32> to vector<1x16xf32>
      tpu.vector_store %arg6[%swap3A, %swap3A_72], %swap3A_75 {strides = array<i32>} : memref<128x128xf32, #tpu.memory_space<vmem>>, vector<1x16xf32>,
      %scan3A_76 = arith.constant 0 : i32
      scf.yield %scan3A_76 : i32
    }
    %scan3A_26 = arith.constant 1024 : i32
    %mul3A_27 = arith.constant 80 : i32
    %mul3A_28 = arith.muli %add3A, %mul3A_27 : i32
    "tpu.region"() ({
      %run_scoped3A = tpu.sem_alloc : memref<!tpu.dma_semaphore, #tpu.memory_space<semaphore_mem>>
      %dma_start3A = arith.constant 0 : i32
      %dma_start3A_37 = tpu.memref_slice %arg2[%mul3A_28, %dma_start3A] : memref<2560x128xi32, #tpu.memory_space<hbm>> -> memref<80x128xi32, #tpu.memory_space<hbm>>
      %dma_start3A_38 = arith.constant 0 : i32
      %dma_start3A_39 = tpu.memref_slice %arg2[%mul3A_28, %dma_start3A_38] : memref<2560x128xi32, #tpu.memory_space<hbm>> -> memref<80x128xi32, #tpu.memory_space<hbm>>
      tpu.enqueue_dma source(%dma_start3A_39 : memref<80x128xi32, #tpu.memory_space<hbm>>) target(%arg5 : memref<80x128xi32, #tpu.memory_space<vmem>>) target_semaphore(%run_scoped3A : memref<!tpu.dma_semaphore, #tpu.memory_space<semaphore_mem>>)
      %dma_wait3A = arith.constant 0 : i32
      %dma_wait3A_40 = tpu.memref_slice %arg2[%mul3A_28, %dma_wait3A] : memref<2560x128xi32, #tpu.memory_space<hbm>> -> memref<80x128xi32, #tpu.memory_space<hbm>>
      %dma_wait3A_41 = arith.constant 0 : i32
      %dma_wait3A_42 = tpu.memref_slice %arg2[%mul3A_28, %dma_wait3A_41] : memref<2560x128xi32, #tpu.memory_space<hbm>> -> memref<80x128xi32, #tpu.memory_space<hbm>>
      tpu.wait_dma2 semaphore(%run_scoped3A : memref<!tpu.dma_semaphore, #tpu.memory_space<semaphore_mem>>) src(%dma_wait3A_42 : memref<80x128xi32, #tpu.memory_space<hbm>>) dst(%arg5 : memref<80x128xi32, #tpu.memory_space<vmem>>)
      tpu.yield
    }) : () -> ()
    %barrier3A = arith.constant 0 : index
    tpu.barrier barrier_id(%barrier3A)
    %scan3A_29 = arith.constant 0 : i32
    %scan3A_30 = arith.constant 0 : i32
    %scan3A_31 = arith.constant 10 : i32
    %scan3A_32 = arith.addi %scan3A_30, %scan3A_31 : i32
    %scan3A_33 = arith.constant 1 : i32
    %scan3A_34 = scf.for %scan3A_37 = %scan3A_30 to %scan3A_32 step %scan3A_33 iter_args(%scan3A_38 = %scan3A_29) -> (i32)  : i32 {
      %mul3A_39 = arith.constant 80 : i32
      %mul3A_40 = arith.muli %add3A, %mul3A_39 : i32
      %mul3A_41 = arith.constant 8 : i32
      %mul3A_42 = arith.muli %scan3A_37, %mul3A_41 : i32
      %add3A_43 = arith.addi %mul3A_40, %mul3A_42 : i32
      %add3A_44 = arith.constant 0 : i32
      %add3A_45 = arith.addi %add3A_43, %add3A_44 : i32
      %lt3A = arith.constant 2500 : i32
      %lt3A_46 = arith.cmpi slt, %add3A_45, %lt3A : i32
      %convert_element_type3A = arith.extui %lt3A_46 : i1 to i32
      %cond3A = arith.constant 0 : i32
      %cond3A_47 = arith.cmpi ne, %convert_element_type3A, %cond3A : i32
      scf.if %cond3A_47 {
        %mul3A_229 = arith.constant 8 : i32
        %mul3A_230 = arith.muli %scan3A_37, %mul3A_229 : i32
        %add3A_231 = arith.constant 0 : i32
        %add3A_232 = arith.addi %mul3A_230, %add3A_231 : i32
        %dma_start3A = arith.constant 0 : i32
        %dma_start3A_233 = tpu.memref_slice %arg5[%add3A_232, %dma_start3A] : memref<80x128xi32, #tpu.memory_space<vmem>> -> memref<1x128xi32, #tpu.memory_space<vmem>>
        %dma_start3A_234 = tpu.memref_squeeze %dma_start3A_233 : memref<1x128xi32, #tpu.memory_space<vmem>> -> memref<128xi32, #tpu.memory_space<vmem>>
        %dma_start3A_235 = arith.constant 0 : i32
        %dma_start3A_236 = arith.constant 0 : i32
        %dma_start3A_237 = tpu.memref_slice %arg4[%dma_start3A_235, %dma_start3A_236] : memref<10240x128xf32, #tpu.memory_space<vmem_shared>> -> memref<10240x128xf32, #tpu.memory_space<vmem_shared>>
        tpu.enqueue_indirect_dma source(%arg6 : memref<128x128xf32, #tpu.memory_space<vmem>>) target(%dma_start3A_237 : memref<10240x128xf32, #tpu.memory_space<vmem_shared>>) offsets(%dma_start3A_234 : memref<128xi32, #tpu.memory_space<vmem>>) semaphore(%arg7 : memref<!tpu.dma_semaphore, #tpu.memory_space<semaphore_mem>>) {add = true}
      } else {
      }
      %mul3A_48 = arith.constant 80 : i32
      %mul3A_49 = arith.muli %add3A, %mul3A_48 : i32
      %mul3A_50 = arith.constant 8 : i32
      %mul3A_51 = arith.muli %scan3A_37, %mul3A_50 : i32
      %add3A_52 = arith.addi %mul3A_49, %mul3A_51 : i32
      %add3A_53 = arith.constant 1 : i32
      %add3A_54 = arith.addi %add3A_52, %add3A_53 : i32
      %lt3A_55 = arith.constant 2500 : i32
      %lt3A_56 = arith.cmpi slt, %add3A_54, %lt3A_55 : i32
      %convert_element_type3A_57 = arith.extui %lt3A_56 : i1 to i32
      %cond3A_58 = arith.constant 0 : i32
      %cond3A_59 = arith.cmpi ne, %convert_element_type3A_57, %cond3A_58 : i32
      scf.if %cond3A_59 {
        %mul3A_229 = arith.constant 8 : i32
        %mul3A_230 = arith.muli %scan3A_37, %mul3A_229 : i32
        %add3A_231 = arith.constant 1 : i32
        %add3A_232 = arith.addi %mul3A_230, %add3A_231 : i32
        %dma_start3A = arith.constant 0 : i32
        %dma_start3A_233 = tpu.memref_slice %arg5[%add3A_232, %dma_start3A] : memref<80x128xi32, #tpu.memory_space<vmem>> -> memref<1x128xi32, #tpu.memory_space<vmem>>
        %dma_start3A_234 = tpu.memref_squeeze %dma_start3A_233 : memref<1x128xi32, #tpu.memory_space<vmem>> -> memref<128xi32, #tpu.memory_space<vmem>>
        %dma_start3A_235 = arith.constant 0 : i32
        %dma_start3A_236 = arith.constant 0 : i32
        %dma_start3A_237 = tpu.memref_slice %arg4[%dma_start3A_235, %dma_start3A_236] : memref<10240x128xf32, #tpu.memory_space<vmem_shared>> -> memref<10240x128xf32, #tpu.memory_space<vmem_shared>>
        tpu.enqueue_indirect_dma source(%arg6 : memref<128x128xf32, #tpu.memory_space<vmem>>) target(%dma_start3A_237 : memref<10240x128xf32, #tpu.memory_space<vmem_shared>>) offsets(%dma_start3A_234 : memref<128xi32, #tpu.memory_space<vmem>>) semaphore(%arg7 : memref<!tpu.dma_semaphore, #tpu.memory_space<semaphore_mem>>) {add = true}
      } else {
      }
      %mul3A_60 = arith.constant 80 : i32
      %mul3A_61 = arith.muli %add3A, %mul3A_60 : i32
      %mul3A_62 = arith.constant 8 : i32
      %mul3A_63 = arith.muli %scan3A_37, %mul3A_62 : i32
      %add3A_64 = arith.addi %mul3A_61, %mul3A_63 : i32
      %add3A_65 = arith.constant 2 : i32
      %add3A_66 = arith.addi %add3A_64, %add3A_65 : i32
      %lt3A_67 = arith.constant 2500 : i32
      %lt3A_68 = arith.cmpi slt, %add3A_66, %lt3A_67 : i32
      %convert_element_type3A_69 = arith.extui %lt3A_68 : i1 to i32
      %cond3A_70 = arith.constant 0 : i32
      %cond3A_71 = arith.cmpi ne, %convert_element_type3A_69, %cond3A_70 : i32
      scf.if %cond3A_71 {
        %mul3A_229 = arith.constant 8 : i32
        %mul3A_230 = arith.muli %scan3A_37, %mul3A_229 : i32
        %add3A_231 = arith.constant 2 : i32
        %add3A_232 = arith.addi %mul3A_230, %add3A_231 : i32
        %dma_start3A = arith.constant 0 : i32
        %dma_start3A_233 = tpu.memref_slice %arg5[%add3A_232, %dma_start3A] : memref<80x128xi32, #tpu.memory_space<vmem>> -> memref<1x128xi32, #tpu.memory_space<vmem>>
        %dma_start3A_234 = tpu.memref_squeeze %dma_start3A_233 : memref<1x128xi32, #tpu.memory_space<vmem>> -> memref<128xi32, #tpu.memory_space<vmem>>
        %dma_start3A_235 = arith.constant 0 : i32
        %dma_start3A_236 = arith.constant 0 : i32
        %dma_start3A_237 = tpu.memref_slice %arg4[%dma_start3A_235, %dma_start3A_236] : memref<10240x128xf32, #tpu.memory_space<vmem_shared>> -> memref<10240x128xf32, #tpu.memory_space<vmem_shared>>
        tpu.enqueue_indirect_dma source(%arg6 : memref<128x128xf32, #tpu.memory_space<vmem>>) target(%dma_start3A_237 : memref<10240x128xf32, #tpu.memory_space<vmem_shared>>) offsets(%dma_start3A_234 : memref<128xi32, #tpu.memory_space<vmem>>) semaphore(%arg7 : memref<!tpu.dma_semaphore, #tpu.memory_space<semaphore_mem>>) {add = true}
      } else {
      }
      %mul3A_72 = arith.constant 80 : i32
      %mul3A_73 = arith.muli %add3A, %mul3A_72 : i32
      %mul3A_74 = arith.constant 8 : i32
      %mul3A_75 = arith.muli %scan3A_37, %mul3A_74 : i32
      %add3A_76 = arith.addi %mul3A_73, %mul3A_75 : i32
      %add3A_77 = arith.constant 3 : i32
      %add3A_78 = arith.addi %add3A_76, %add3A_77 : i32
      %lt3A_79 = arith.constant 2500 : i32
      %lt3A_80 = arith.cmpi slt, %add3A_78, %lt3A_79 : i32
      %convert_element_type3A_81 = arith.extui %lt3A_80 : i1 to i32
      %cond3A_82 = arith.constant 0 : i32
      %cond3A_83 = arith.cmpi ne, %convert_element_type3A_81, %cond3A_82 : i32
      scf.if %cond3A_83 {
        %mul3A_229 = arith.constant 8 : i32
        %mul3A_230 = arith.muli %scan3A_37, %mul3A_229 : i32
        %add3A_231 = arith.constant 3 : i32
        %add3A_232 = arith.addi %mul3A_230, %add3A_231 : i32
        %dma_start3A = arith.constant 0 : i32
        %dma_start3A_233 = tpu.memref_slice %arg5[%add3A_232, %dma_start3A] : memref<80x128xi32, #tpu.memory_space<vmem>> -> memref<1x128xi32, #tpu.memory_space<vmem>>
        %dma_start3A_234 = tpu.memref_squeeze %dma_start3A_233 : memref<1x128xi32, #tpu.memory_space<vmem>> -> memref<128xi32, #tpu.memory_space<vmem>>
        %dma_start3A_235 = arith.constant 0 : i32
        %dma_start3A_236 = arith.constant 0 : i32
        %dma_start3A_237 = tpu.memref_slice %arg4[%dma_start3A_235, %dma_start3A_236] : memref<10240x128xf32, #tpu.memory_space<vmem_shared>> -> memref<10240x128xf32, #tpu.memory_space<vmem_shared>>
        tpu.enqueue_indirect_dma source(%arg6 : memref<128x128xf32, #tpu.memory_space<vmem>>) target(%dma_start3A_237 : memref<10240x128xf32, #tpu.memory_space<vmem_shared>>) offsets(%dma_start3A_234 : memref<128xi32, #tpu.memory_space<vmem>>) semaphore(%arg7 : memref<!tpu.dma_semaphore, #tpu.memory_space<semaphore_mem>>) {add = true}
      } else {
      }
      %mul3A_84 = arith.constant 80 : i32
      %mul3A_85 = arith.muli %add3A, %mul3A_84 : i32
      %mul3A_86 = arith.constant 8 : i32
      %mul3A_87 = arith.muli %scan3A_37, %mul3A_86 : i32
      %add3A_88 = arith.addi %mul3A_85, %mul3A_87 : i32
      %add3A_89 = arith.constant 4 : i32
      %add3A_90 = arith.addi %add3A_88, %add3A_89 : i32
      %lt3A_91 = arith.constant 2500 : i32
      %lt3A_92 = arith.cmpi slt, %add3A_90, %lt3A_91 : i32
      %convert_element_type3A_93 = arith.extui %lt3A_92 : i1 to i32
      %cond3A_94 = arith.constant 0 : i32
      %cond3A_95 = arith.cmpi ne, %convert_element_type3A_93, %cond3A_94 : i32
      scf.if %cond3A_95 {
        %mul3A_229 = arith.constant 8 : i32
        %mul3A_230 = arith.muli %scan3A_37, %mul3A_229 : i32
        %add3A_231 = arith.constant 4 : i32
        %add3A_232 = arith.addi %mul3A_230, %add3A_231 : i32
        %dma_start3A = arith.constant 0 : i32
        %dma_start3A_233 = tpu.memref_slice %arg5[%add3A_232, %dma_start3A] : memref<80x128xi32, #tpu.memory_space<vmem>> -> memref<1x128xi32, #tpu.memory_space<vmem>>
        %dma_start3A_234 = tpu.memref_squeeze %dma_start3A_233 : memref<1x128xi32, #tpu.memory_space<vmem>> -> memref<128xi32, #tpu.memory_space<vmem>>
        %dma_start3A_235 = arith.constant 0 : i32
        %dma_start3A_236 = arith.constant 0 : i32
        %dma_start3A_237 = tpu.memref_slice %arg4[%dma_start3A_235, %dma_start3A_236] : memref<10240x128xf32, #tpu.memory_space<vmem_shared>> -> memref<10240x128xf32, #tpu.memory_space<vmem_shared>>
        tpu.enqueue_indirect_dma source(%arg6 : memref<128x128xf32, #tpu.memory_space<vmem>>) target(%dma_start3A_237 : memref<10240x128xf32, #tpu.memory_space<vmem_shared>>) offsets(%dma_start3A_234 : memref<128xi32, #tpu.memory_space<vmem>>) semaphore(%arg7 : memref<!tpu.dma_semaphore, #tpu.memory_space<semaphore_mem>>) {add = true}
      } else {
      }
      %mul3A_96 = arith.constant 80 : i32
      %mul3A_97 = arith.muli %add3A, %mul3A_96 : i32
      %mul3A_98 = arith.constant 8 : i32
      %mul3A_99 = arith.muli %scan3A_37, %mul3A_98 : i32
      %add3A_100 = arith.addi %mul3A_97, %mul3A_99 : i32
      %add3A_101 = arith.constant 5 : i32
      %add3A_102 = arith.addi %add3A_100, %add3A_101 : i32
      %lt3A_103 = arith.constant 2500 : i32
      %lt3A_104 = arith.cmpi slt, %add3A_102, %lt3A_103 : i32
      %convert_element_type3A_105 = arith.extui %lt3A_104 : i1 to i32
      %cond3A_106 = arith.constant 0 : i32
      %cond3A_107 = arith.cmpi ne, %convert_element_type3A_105, %cond3A_106 : i32
      scf.if %cond3A_107 {
        %mul3A_229 = arith.constant 8 : i32
        %mul3A_230 = arith.muli %scan3A_37, %mul3A_229 : i32
        %add3A_231 = arith.constant 5 : i32
        %add3A_232 = arith.addi %mul3A_230, %add3A_231 : i32
        %dma_start3A = arith.constant 0 : i32
        %dma_start3A_233 = tpu.memref_slice %arg5[%add3A_232, %dma_start3A] : memref<80x128xi32, #tpu.memory_space<vmem>> -> memref<1x128xi32, #tpu.memory_space<vmem>>
        %dma_start3A_234 = tpu.memref_squeeze %dma_start3A_233 : memref<1x128xi32, #tpu.memory_space<vmem>> -> memref<128xi32, #tpu.memory_space<vmem>>
        %dma_start3A_235 = arith.constant 0 : i32
        %dma_start3A_236 = arith.constant 0 : i32
        %dma_start3A_237 = tpu.memref_slice %arg4[%dma_start3A_235, %dma_start3A_236] : memref<10240x128xf32, #tpu.memory_space<vmem_shared>> -> memref<10240x128xf32, #tpu.memory_space<vmem_shared>>
        tpu.enqueue_indirect_dma source(%arg6 : memref<128x128xf32, #tpu.memory_space<vmem>>) target(%dma_start3A_237 : memref<10240x128xf32, #tpu.memory_space<vmem_shared>>) offsets(%dma_start3A_234 : memref<128xi32, #tpu.memory_space<vmem>>) semaphore(%arg7 : memref<!tpu.dma_semaphore, #tpu.memory_space<semaphore_mem>>) {add = true}
      } else {
      }
      %mul3A_108 = arith.constant 80 : i32
      %mul3A_109 = arith.muli %add3A, %mul3A_108 : i32
      %mul3A_110 = arith.constant 8 : i32
      %mul3A_111 = arith.muli %scan3A_37, %mul3A_110 : i32
      %add3A_112 = arith.addi %mul3A_109, %mul3A_111 : i32
      %add3A_113 = arith.constant 6 : i32
      %add3A_114 = arith.addi %add3A_112, %add3A_113 : i32
      %lt3A_115 = arith.constant 2500 : i32
      %lt3A_116 = arith.cmpi slt, %add3A_114, %lt3A_115 : i32
      %convert_element_type3A_117 = arith.extui %lt3A_116 : i1 to i32
      %cond3A_118 = arith.constant 0 : i32
      %cond3A_119 = arith.cmpi ne, %convert_element_type3A_117, %cond3A_118 : i32
      scf.if %cond3A_119 {
        %mul3A_229 = arith.constant 8 : i32
        %mul3A_230 = arith.muli %scan3A_37, %mul3A_229 : i32
        %add3A_231 = arith.constant 6 : i32
        %add3A_232 = arith.addi %mul3A_230, %add3A_231 : i32
        %dma_start3A = arith.constant 0 : i32
        %dma_start3A_233 = tpu.memref_slice %arg5[%add3A_232, %dma_start3A] : memref<80x128xi32, #tpu.memory_space<vmem>> -> memref<1x128xi32, #tpu.memory_space<vmem>>
        %dma_start3A_234 = tpu.memref_squeeze %dma_start3A_233 : memref<1x128xi32, #tpu.memory_space<vmem>> -> memref<128xi32, #tpu.memory_space<vmem>>
        %dma_start3A_235 = arith.constant 0 : i32
        %dma_start3A_236 = arith.constant 0 : i32
        %dma_start3A_237 = tpu.memref_slice %arg4[%dma_start3A_235, %dma_start3A_236] : memref<10240x128xf32, #tpu.memory_space<vmem_shared>> -> memref<10240x128xf32, #tpu.memory_space<vmem_shared>>
        tpu.enqueue_indirect_dma source(%arg6 : memref<128x128xf32, #tpu.memory_space<vmem>>) target(%dma_start3A_237 : memref<10240x128xf32, #tpu.memory_space<vmem_shared>>) offsets(%dma_start3A_234 : memref<128xi32, #tpu.memory_space<vmem>>) semaphore(%arg7 : memref<!tpu.dma_semaphore, #tpu.memory_space<semaphore_mem>>) {add = true}
      } else {
      }
      %mul3A_120 = arith.constant 80 : i32
      %mul3A_121 = arith.muli %add3A, %mul3A_120 : i32
      %mul3A_122 = arith.constant 8 : i32
      %mul3A_123 = arith.muli %scan3A_37, %mul3A_122 : i32
      %add3A_124 = arith.addi %mul3A_121, %mul3A_123 : i32
      %add3A_125 = arith.constant 7 : i32
      %add3A_126 = arith.addi %add3A_124, %add3A_125 : i32
      %lt3A_127 = arith.constant 2500 : i32
      %lt3A_128 = arith.cmpi slt, %add3A_126, %lt3A_127 : i32
      %convert_element_type3A_129 = arith.extui %lt3A_128 : i1 to i32
      %cond3A_130 = arith.constant 0 : i32
      %cond3A_131 = arith.cmpi ne, %convert_element_type3A_129, %cond3A_130 : i32
      scf.if %cond3A_131 {
        %mul3A_229 = arith.constant 8 : i32
        %mul3A_230 = arith.muli %scan3A_37, %mul3A_229 : i32
        %add3A_231 = arith.constant 7 : i32
        %add3A_232 = arith.addi %mul3A_230, %add3A_231 : i32
        %dma_start3A = arith.constant 0 : i32
        %dma_start3A_233 = tpu.memref_slice %arg5[%add3A_232, %dma_start3A] : memref<80x128xi32, #tpu.memory_space<vmem>> -> memref<1x128xi32, #tpu.memory_space<vmem>>
        %dma_start3A_234 = tpu.memref_squeeze %dma_start3A_233 : memref<1x128xi32, #tpu.memory_space<vmem>> -> memref<128xi32, #tpu.memory_space<vmem>>
        %dma_start3A_235 = arith.constant 0 : i32
        %dma_start3A_236 = arith.constant 0 : i32
        %dma_start3A_237 = tpu.memref_slice %arg4[%dma_start3A_235, %dma_start3A_236] : memref<10240x128xf32, #tpu.memory_space<vmem_shared>> -> memref<10240x128xf32, #tpu.memory_space<vmem_shared>>
        tpu.enqueue_indirect_dma source(%arg6 : memref<128x128xf32, #tpu.memory_space<vmem>>) target(%dma_start3A_237 : memref<10240x128xf32, #tpu.memory_space<vmem_shared>>) offsets(%dma_start3A_234 : memref<128xi32, #tpu.memory_space<vmem>>) semaphore(%arg7 : memref<!tpu.dma_semaphore, #tpu.memory_space<semaphore_mem>>) {add = true}
      } else {
      }
      %mul3A_132 = arith.constant 80 : i32
      %mul3A_133 = arith.muli %add3A, %mul3A_132 : i32
      %mul3A_134 = arith.constant 8 : i32
      %mul3A_135 = arith.muli %scan3A_37, %mul3A_134 : i32
      %add3A_136 = arith.addi %mul3A_133, %mul3A_135 : i32
      %add3A_137 = arith.constant 0 : i32
      %add3A_138 = arith.addi %add3A_136, %add3A_137 : i32
      %lt3A_139 = arith.constant 2500 : i32
      %lt3A_140 = arith.cmpi slt, %add3A_138, %lt3A_139 : i32
      %convert_element_type3A_141 = arith.extui %lt3A_140 : i1 to i32
      %cond3A_142 = arith.constant 0 : i32
      %cond3A_143 = arith.cmpi ne, %convert_element_type3A_141, %cond3A_142 : i32
      scf.if %cond3A_143 {
        %dma_wait3A = arith.constant 0 : i32
        %dma_wait3A_229 = arith.constant 0 : i32
        %dma_wait3A_230 = tpu.memref_slice %arg4[%dma_wait3A, %dma_wait3A_229] : memref<10240x128xf32, #tpu.memory_space<vmem_shared>> -> memref<128x128xf32, #tpu.memory_space<vmem_shared>>
        %dma_wait3A_231 = arith.constant 0 : i32
        %dma_wait3A_232 = arith.constant 0 : i32
        %dma_wait3A_233 = tpu.memref_slice %arg4[%dma_wait3A_231, %dma_wait3A_232] : memref<10240x128xf32, #tpu.memory_space<vmem_shared>> -> memref<128x128xf32, #tpu.memory_space<vmem_shared>>
        tpu.wait_dma2 semaphore(%arg7 : memref<!tpu.dma_semaphore, #tpu.memory_space<semaphore_mem>>) src(%arg6 : memref<128x128xf32, #tpu.memory_space<vmem>>) dst(%dma_wait3A_233 : memref<128x128xf32, #tpu.memory_space<vmem_shared>>)
      } else {
      }
      %mul3A_144 = arith.constant 80 : i32
      %mul3A_145 = arith.muli %add3A, %mul3A_144 : i32
      %mul3A_146 = arith.constant 8 : i32
      %mul3A_147 = arith.muli %scan3A_37, %mul3A_146 : i32
      %add3A_148 = arith.addi %mul3A_145, %mul3A_147 : i32
      %add3A_149 = arith.constant 1 : i32
      %add3A_150 = arith.addi %add3A_148, %add3A_149 : i32
      %lt3A_151 = arith.constant 2500 : i32
      %lt3A_152 = arith.cmpi slt, %add3A_150, %lt3A_151 : i32
      %convert_element_type3A_153 = arith.extui %lt3A_152 : i1 to i32
      %cond3A_154 = arith.constant 0 : i32
      %cond3A_155 = arith.cmpi ne, %convert_element_type3A_153, %cond3A_154 : i32
      scf.if %cond3A_155 {
        %dma_wait3A = arith.constant 0 : i32
        %dma_wait3A_229 = arith.constant 0 : i32
        %dma_wait3A_230 = tpu.memref_slice %arg4[%dma_wait3A, %dma_wait3A_229] : memref<10240x128xf32, #tpu.memory_space<vmem_shared>> -> memref<128x128xf32, #tpu.memory_space<vmem_shared>>
        %dma_wait3A_231 = arith.constant 0 : i32
        %dma_wait3A_232 = arith.constant 0 : i32
        %dma_wait3A_233 = tpu.memref_slice %arg4[%dma_wait3A_231, %dma_wait3A_232] : memref<10240x128xf32, #tpu.memory_space<vmem_shared>> -> memref<128x128xf32, #tpu.memory_space<vmem_shared>>
        tpu.wait_dma2 semaphore(%arg7 : memref<!tpu.dma_semaphore, #tpu.memory_space<semaphore_mem>>) src(%arg6 : memref<128x128xf32, #tpu.memory_space<vmem>>) dst(%dma_wait3A_233 : memref<128x128xf32, #tpu.memory_space<vmem_shared>>)
      } else {
      }
      %mul3A_156 = arith.constant 80 : i32
      %mul3A_157 = arith.muli %add3A, %mul3A_156 : i32
      %mul3A_158 = arith.constant 8 : i32
      %mul3A_159 = arith.muli %scan3A_37, %mul3A_158 : i32
      %add3A_160 = arith.addi %mul3A_157, %mul3A_159 : i32
      %add3A_161 = arith.constant 2 : i32
      %add3A_162 = arith.addi %add3A_160, %add3A_161 : i32
      %lt3A_163 = arith.constant 2500 : i32
      %lt3A_164 = arith.cmpi slt, %add3A_162, %lt3A_163 : i32
      %convert_element_type3A_165 = arith.extui %lt3A_164 : i1 to i32
      %cond3A_166 = arith.constant 0 : i32
      %cond3A_167 = arith.cmpi ne, %convert_element_type3A_165, %cond3A_166 : i32
      scf.if %cond3A_167 {
        %dma_wait3A = arith.constant 0 : i32
        %dma_wait3A_229 = arith.constant 0 : i32
        %dma_wait3A_230 = tpu.memref_slice %arg4[%dma_wait3A, %dma_wait3A_229] : memref<10240x128xf32, #tpu.memory_space<vmem_shared>> -> memref<128x128xf32, #tpu.memory_space<vmem_shared>>
        %dma_wait3A_231 = arith.constant 0 : i32
        %dma_wait3A_232 = arith.constant 0 : i32
        %dma_wait3A_233 = tpu.memref_slice %arg4[%dma_wait3A_231, %dma_wait3A_232] : memref<10240x128xf32, #tpu.memory_space<vmem_shared>> -> memref<128x128xf32, #tpu.memory_space<vmem_shared>>
        tpu.wait_dma2 semaphore(%arg7 : memref<!tpu.dma_semaphore, #tpu.memory_space<semaphore_mem>>) src(%arg6 : memref<128x128xf32, #tpu.memory_space<vmem>>) dst(%dma_wait3A_233 : memref<128x128xf32, #tpu.memory_space<vmem_shared>>)
      } else {
      }
      %mul3A_168 = arith.constant 80 : i32
      %mul3A_169 = arith.muli %add3A, %mul3A_168 : i32
      %mul3A_170 = arith.constant 8 : i32
      %mul3A_171 = arith.muli %scan3A_37, %mul3A_170 : i32
      %add3A_172 = arith.addi %mul3A_169, %mul3A_171 : i32
      %add3A_173 = arith.constant 3 : i32
      %add3A_174 = arith.addi %add3A_172, %add3A_173 : i32
      %lt3A_175 = arith.constant 2500 : i32
      %lt3A_176 = arith.cmpi slt, %add3A_174, %lt3A_175 : i32
      %convert_element_type3A_177 = arith.extui %lt3A_176 : i1 to i32
      %cond3A_178 = arith.constant 0 : i32
      %cond3A_179 = arith.cmpi ne, %convert_element_type3A_177, %cond3A_178 : i32
      scf.if %cond3A_179 {
        %dma_wait3A = arith.constant 0 : i32
        %dma_wait3A_229 = arith.constant 0 : i32
        %dma_wait3A_230 = tpu.memref_slice %arg4[%dma_wait3A, %dma_wait3A_229] : memref<10240x128xf32, #tpu.memory_space<vmem_shared>> -> memref<128x128xf32, #tpu.memory_space<vmem_shared>>
        %dma_wait3A_231 = arith.constant 0 : i32
        %dma_wait3A_232 = arith.constant 0 : i32
        %dma_wait3A_233 = tpu.memref_slice %arg4[%dma_wait3A_231, %dma_wait3A_232] : memref<10240x128xf32, #tpu.memory_space<vmem_shared>> -> memref<128x128xf32, #tpu.memory_space<vmem_shared>>
        tpu.wait_dma2 semaphore(%arg7 : memref<!tpu.dma_semaphore, #tpu.memory_space<semaphore_mem>>) src(%arg6 : memref<128x128xf32, #tpu.memory_space<vmem>>) dst(%dma_wait3A_233 : memref<128x128xf32, #tpu.memory_space<vmem_shared>>)
      } else {
      }
      %mul3A_180 = arith.constant 80 : i32
      %mul3A_181 = arith.muli %add3A, %mul3A_180 : i32
      %mul3A_182 = arith.constant 8 : i32
      %mul3A_183 = arith.muli %scan3A_37, %mul3A_182 : i32
      %add3A_184 = arith.addi %mul3A_181, %mul3A_183 : i32
      %add3A_185 = arith.constant 4 : i32
      %add3A_186 = arith.addi %add3A_184, %add3A_185 : i32
      %lt3A_187 = arith.constant 2500 : i32
      %lt3A_188 = arith.cmpi slt, %add3A_186, %lt3A_187 : i32
      %convert_element_type3A_189 = arith.extui %lt3A_188 : i1 to i32
      %cond3A_190 = arith.constant 0 : i32
      %cond3A_191 = arith.cmpi ne, %convert_element_type3A_189, %cond3A_190 : i32
      scf.if %cond3A_191 {
        %dma_wait3A = arith.constant 0 : i32
        %dma_wait3A_229 = arith.constant 0 : i32
        %dma_wait3A_230 = tpu.memref_slice %arg4[%dma_wait3A, %dma_wait3A_229] : memref<10240x128xf32, #tpu.memory_space<vmem_shared>> -> memref<128x128xf32, #tpu.memory_space<vmem_shared>>
        %dma_wait3A_231 = arith.constant 0 : i32
        %dma_wait3A_232 = arith.constant 0 : i32
        %dma_wait3A_233 = tpu.memref_slice %arg4[%dma_wait3A_231, %dma_wait3A_232] : memref<10240x128xf32, #tpu.memory_space<vmem_shared>> -> memref<128x128xf32, #tpu.memory_space<vmem_shared>>
        tpu.wait_dma2 semaphore(%arg7 : memref<!tpu.dma_semaphore, #tpu.memory_space<semaphore_mem>>) src(%arg6 : memref<128x128xf32, #tpu.memory_space<vmem>>) dst(%dma_wait3A_233 : memref<128x128xf32, #tpu.memory_space<vmem_shared>>)
      } else {
      }
      %mul3A_192 = arith.constant 80 : i32
      %mul3A_193 = arith.muli %add3A, %mul3A_192 : i32
      %mul3A_194 = arith.constant 8 : i32
      %mul3A_195 = arith.muli %scan3A_37, %mul3A_194 : i32
      %add3A_196 = arith.addi %mul3A_193, %mul3A_195 : i32
      %add3A_197 = arith.constant 5 : i32
      %add3A_198 = arith.addi %add3A_196, %add3A_197 : i32
      %lt3A_199 = arith.constant 2500 : i32
      %lt3A_200 = arith.cmpi slt, %add3A_198, %lt3A_199 : i32
      %convert_element_type3A_201 = arith.extui %lt3A_200 : i1 to i32
      %cond3A_202 = arith.constant 0 : i32
      %cond3A_203 = arith.cmpi ne, %convert_element_type3A_201, %cond3A_202 : i32
      scf.if %cond3A_203 {
        %dma_wait3A = arith.constant 0 : i32
        %dma_wait3A_229 = arith.constant 0 : i32
        %dma_wait3A_230 = tpu.memref_slice %arg4[%dma_wait3A, %dma_wait3A_229] : memref<10240x128xf32, #tpu.memory_space<vmem_shared>> -> memref<128x128xf32, #tpu.memory_space<vmem_shared>>
        %dma_wait3A_231 = arith.constant 0 : i32
        %dma_wait3A_232 = arith.constant 0 : i32
        %dma_wait3A_233 = tpu.memref_slice %arg4[%dma_wait3A_231, %dma_wait3A_232] : memref<10240x128xf32, #tpu.memory_space<vmem_shared>> -> memref<128x128xf32, #tpu.memory_space<vmem_shared>>
        tpu.wait_dma2 semaphore(%arg7 : memref<!tpu.dma_semaphore, #tpu.memory_space<semaphore_mem>>) src(%arg6 : memref<128x128xf32, #tpu.memory_space<vmem>>) dst(%dma_wait3A_233 : memref<128x128xf32, #tpu.memory_space<vmem_shared>>)
      } else {
      }
      %mul3A_204 = arith.constant 80 : i32
      %mul3A_205 = arith.muli %add3A, %mul3A_204 : i32
      %mul3A_206 = arith.constant 8 : i32
      %mul3A_207 = arith.muli %scan3A_37, %mul3A_206 : i32
      %add3A_208 = arith.addi %mul3A_205, %mul3A_207 : i32
      %add3A_209 = arith.constant 6 : i32
      %add3A_210 = arith.addi %add3A_208, %add3A_209 : i32
      %lt3A_211 = arith.constant 2500 : i32
      %lt3A_212 = arith.cmpi slt, %add3A_210, %lt3A_211 : i32
      %convert_element_type3A_213 = arith.extui %lt3A_212 : i1 to i32
      %cond3A_214 = arith.constant 0 : i32
      %cond3A_215 = arith.cmpi ne, %convert_element_type3A_213, %cond3A_214 : i32
      scf.if %cond3A_215 {
        %dma_wait3A = arith.constant 0 : i32
        %dma_wait3A_229 = arith.constant 0 : i32
        %dma_wait3A_230 = tpu.memref_slice %arg4[%dma_wait3A, %dma_wait3A_229] : memref<10240x128xf32, #tpu.memory_space<vmem_shared>> -> memref<128x128xf32, #tpu.memory_space<vmem_shared>>
        %dma_wait3A_231 = arith.constant 0 : i32
        %dma_wait3A_232 = arith.constant 0 : i32
        %dma_wait3A_233 = tpu.memref_slice %arg4[%dma_wait3A_231, %dma_wait3A_232] : memref<10240x128xf32, #tpu.memory_space<vmem_shared>> -> memref<128x128xf32, #tpu.memory_space<vmem_shared>>
        tpu.wait_dma2 semaphore(%arg7 : memref<!tpu.dma_semaphore, #tpu.memory_space<semaphore_mem>>) src(%arg6 : memref<128x128xf32, #tpu.memory_space<vmem>>) dst(%dma_wait3A_233 : memref<128x128xf32, #tpu.memory_space<vmem_shared>>)
      } else {
      }
      %mul3A_216 = arith.constant 80 : i32
      %mul3A_217 = arith.muli %add3A, %mul3A_216 : i32
      %mul3A_218 = arith.constant 8 : i32
      %mul3A_219 = arith.muli %scan3A_37, %mul3A_218 : i32
      %add3A_220 = arith.addi %mul3A_217, %mul3A_219 : i32
      %add3A_221 = arith.constant 7 : i32
      %add3A_222 = arith.addi %add3A_220, %add3A_221 : i32
      %lt3A_223 = arith.constant 2500 : i32
      %lt3A_224 = arith.cmpi slt, %add3A_222, %lt3A_223 : i32
      %convert_element_type3A_225 = arith.extui %lt3A_224 : i1 to i32
      %cond3A_226 = arith.constant 0 : i32
      %cond3A_227 = arith.cmpi ne, %convert_element_type3A_225, %cond3A_226 : i32
      scf.if %cond3A_227 {
        %dma_wait3A = arith.constant 0 : i32
        %dma_wait3A_229 = arith.constant 0 : i32
        %dma_wait3A_230 = tpu.memref_slice %arg4[%dma_wait3A, %dma_wait3A_229] : memref<10240x128xf32, #tpu.memory_space<vmem_shared>> -> memref<128x128xf32, #tpu.memory_space<vmem_shared>>
        %dma_wait3A_231 = arith.constant 0 : i32
        %dma_wait3A_232 = arith.constant 0 : i32
        %dma_wait3A_233 = tpu.memref_slice %arg4[%dma_wait3A_231, %dma_wait3A_232] : memref<10240x128xf32, #tpu.memory_space<vmem_shared>> -> memref<128x128xf32, #tpu.memory_space<vmem_shared>>
        tpu.wait_dma2 semaphore(%arg7 : memref<!tpu.dma_semaphore, #tpu.memory_space<semaphore_mem>>) src(%arg6 : memref<128x128xf32, #tpu.memory_space<vmem>>) dst(%dma_wait3A_233 : memref<128x128xf32, #tpu.memory_space<vmem_shared>>)
      } else {
      }
      %scan3A_228 = arith.constant 0 : i32
      scf.yield %scan3A_228 : i32
    }
    %scan3A_35 = arith.constant 10 : i32
    %barrier3A_36 = arith.constant 0 : index
    tpu.barrier barrier_id(%barrier3A_36)
    "tpu.region"() ({
      %run_scoped3A = tpu.sem_alloc : memref<!tpu.dma_semaphore, #tpu.memory_space<semaphore_mem>>
      %dma_start3A = arith.constant 0 : i32
      %dma_start3A_37 = tpu.memref_slice %arg3[%arg0, %min3A_9, %dma_start3A] : memref<2x10240x128xf32, #tpu.memory_space<hbm>> -> memref<1x640x128xf32, #tpu.memory_space<hbm>>
      %dma_start3A_38 = tpu.memref_squeeze %dma_start3A_37 : memref<1x640x128xf32, #tpu.memory_space<hbm>> -> memref<640x128xf32, #tpu.memory_space<hbm>>
      %dma_start3A_39 = arith.constant 0 : i32
      %dma_start3A_40 = tpu.memref_slice %arg4[%min3A_9, %dma_start3A_39] : memref<10240x128xf32, #tpu.memory_space<vmem_shared>> -> memref<640x128xf32, #tpu.memory_space<vmem_shared>>
      tpu.enqueue_dma source(%dma_start3A_40 : memref<640x128xf32, #tpu.memory_space<vmem_shared>>) target(%dma_start3A_38 : memref<640x128xf32, #tpu.memory_space<hbm>>) target_semaphore(%run_scoped3A : memref<!tpu.dma_semaphore, #tpu.memory_space<semaphore_mem>>)
      %dma_wait3A = arith.constant 0 : i32
      %dma_wait3A_41 = tpu.memref_slice %arg3[%arg0, %min3A_9, %dma_wait3A] : memref<2x10240x128xf32, #tpu.memory_space<hbm>> -> memref<1x640x128xf32, #tpu.memory_space<hbm>>
      %dma_wait3A_42 = tpu.memref_squeeze %dma_wait3A_41 : memref<1x640x128xf32, #tpu.memory_space<hbm>> -> memref<640x128xf32, #tpu.memory_space<hbm>>
      %dma_wait3A_43 = arith.constant 0 : i32
      %dma_wait3A_44 = tpu.memref_slice %arg4[%min3A_9, %dma_wait3A_43] : memref<10240x128xf32, #tpu.memory_space<vmem_shared>> -> memref<640x128xf32, #tpu.memory_space<vmem_shared>>
      tpu.wait_dma2 semaphore(%run_scoped3A : memref<!tpu.dma_semaphore, #tpu.memory_space<semaphore_mem>>) src(%dma_wait3A_44 : memref<640x128xf32, #tpu.memory_space<vmem_shared>>) dst(%dma_wait3A_42 : memref<640x128xf32, #tpu.memory_space<hbm>>)
      tpu.yield
    }) : () -> ()
    return
  }
}

#map = affine_map<(d0, d1) -> (0, 0)>
#map1 = affine_map<(d0, d1) -> (0, 0, 0)>
module attributes {stable_mosaic.version = 14 : i64} {
  func.func @body(%arg0: i32, %arg1: i32, %arg2: memref<10000x128xf32, #tpu.memory_space<hbm>>, %arg3: memref<2560x128xi32, #tpu.memory_space<hbm>>, %arg4: memref<2560x128xi32, #tpu.memory_space<hbm>>, %arg5: memref<2x10240x128xf32, #tpu.memory_space<hbm>>, %arg6: memref<10240x128xf32, #tpu.memory_space<vmem_shared>>, %arg7: memref<40x128xi32, #tpu.memory_space<vmem>>, %arg8: memref<40x128xi32, #tpu.memory_space<vmem>>, %arg9: memref<128x128xf32, #tpu.memory_space<vmem>>, %arg10: memref<128x128xf32, #tpu.memory_space<vmem>>, %arg11: memref<!tpu.dma_semaphore, #tpu.memory_space<semaphore_mem>>, %arg12: memref<!tpu.dma_semaphore, #tpu.memory_space<semaphore_mem>>, %arg13: memref<!tpu.dma_semaphore, #tpu.memory_space<semaphore_mem>>, %arg14: memref<!tpu.dma_semaphore, #tpu.memory_space<semaphore_mem>>) attributes {dimension_semantics = [#tpu.dimension_semantics<core_parallel>, #tpu.dimension_semantics<subcore_parallel>], iteration_bounds = array<i64: 2, 16>, scalar_prefetch = 0 : i64, scratch_operands = 9 : i64, tpu.core_type = #tpu.core_type<sc_vector_subcore>, window_params = [{transform_indices = #map}, {transform_indices = #map}, {transform_indices = #map}, {transform_indices = #map1}]} {
    %mul3A = arith.constant 2 : i32
    %mul3A_0 = arith.muli %arg1, %mul3A : i32
    %add3A = arith.addi %mul3A_0, %arg0 : i32
    %scan3A = arith.constant 0 : i32
    %scan3A_1 = arith.constant 0 : i32
    %scan3A_2 = arith.constant 1024 : i32
    %scan3A_3 = arith.addi %scan3A_1, %scan3A_2 : i32
    %scan3A_4 = arith.constant 1 : i32
    %scan3A_5 = scf.for %scan3A_79 = %scan3A_1 to %scan3A_3 step %scan3A_4 iter_args(%scan3A_80 = %scan3A) -> (i32)  : i32 {
      %jit3A = arith.constant 8 : i32
      %div3A = arith.divsi %scan3A_79, %jit3A : i32
      %sign3A = arith.constant 0 : i32
      %sign3A_81 = arith.cmpi sgt, %scan3A_79, %sign3A : i32
      %sign3A_82 = arith.extui %sign3A_81 : i1 to i32
      %sign3A_83 = arith.constant 0 : i32
      %sign3A_84 = arith.cmpi slt, %scan3A_79, %sign3A_83 : i32
      %sign3A_85 = arith.extui %sign3A_84 : i1 to i32
      %sign3A_86 = arith.subi %sign3A_82, %sign3A_85 : i32
      %sign3A_87 = arith.constant 0 : i32
      %sign3A_88 = arith.cmpi sgt, %jit3A, %sign3A_87 : i32
      %sign3A_89 = arith.extui %sign3A_88 : i1 to i32
      %sign3A_90 = arith.constant 0 : i32
      %sign3A_91 = arith.cmpi slt, %jit3A, %sign3A_90 : i32
      %sign3A_92 = arith.extui %sign3A_91 : i1 to i32
      %sign3A_93 = arith.subi %sign3A_89, %sign3A_92 : i32
      %ne3A = arith.cmpi ne, %sign3A_86, %sign3A_93 : i32
      %rem3A = arith.remsi %scan3A_79, %jit3A : i32
      %ne3A_94 = arith.constant 0 : i32
      %ne3A_95 = arith.cmpi ne, %rem3A, %ne3A_94 : i32
      %and3A = arith.andi %ne3A, %ne3A_95 : i1
      %sub3A = arith.constant 1 : i32
      %sub3A_96 = arith.subi %div3A, %sub3A : i32
      %select_n3A = arith.select %and3A, %sub3A_96, %div3A : i32
      %jit3A_97 = arith.constant 8 : i32
      %eq3A = arith.constant 0 : i32
      %eq3A_98 = arith.cmpi eq, %jit3A_97, %eq3A : i32
      %jit3A_99 = arith.constant 1 : i32
      %select_n3A_100 = arith.select %eq3A_98, %jit3A_99, %jit3A_97 : i32
      %rem3A_101 = arith.remsi %scan3A_79, %select_n3A_100 : i32
      %ne3A_102 = arith.constant 0 : i32
      %ne3A_103 = arith.cmpi ne, %rem3A_101, %ne3A_102 : i32
      %lt3A = arith.constant 0 : i32
      %lt3A_104 = arith.cmpi slt, %rem3A_101, %lt3A : i32
      %lt3A_105 = arith.constant 0 : i32
      %lt3A_106 = arith.cmpi slt, %select_n3A_100, %lt3A_105 : i32
      %ne3A_107 = arith.xori %lt3A_104, %lt3A_106 : i1
      %and3A_108 = arith.andi %ne3A_107, %ne3A_103 : i1
      %add3A_109 = arith.addi %rem3A_101, %select_n3A_100 : i32
      %select_n3A_110 = arith.select %and3A_108, %add3A_109, %rem3A_101 : i32
      %mul3A_111 = arith.constant 16 : i32
      %mul3A_112 = arith.muli %select_n3A_110, %mul3A_111 : i32
      %broadcast_in_dim3A = arith.constant 0.000000e+00 : f32
      %broadcast_in_dim3A_113 = vector.broadcast %broadcast_in_dim3A : f32 to vector<16xf32>
      %swap3A = arith.index_cast %select_n3A : i32 to index
      %swap3A_114 = arith.index_cast %mul3A_112 : i32 to index
      %swap3A_115 = tpu.vector_load %arg9[%swap3A, %swap3A_114] {strides = array<i32>} : memref<128x128xf32, #tpu.memory_space<vmem>>, vector<1x16xf32>,
      %swap3A_116 = vector.shape_cast %swap3A_115 : vector<1x16xf32> to vector<16xf32>
      %swap3A_117 = vector.shape_cast %broadcast_in_dim3A_113 : vector<16xf32> to vector<1x16xf32>
      tpu.vector_store %arg9[%swap3A, %swap3A_114], %swap3A_117 {strides = array<i32>} : memref<128x128xf32, #tpu.memory_space<vmem>>, vector<1x16xf32>,
      %scan3A_118 = arith.constant 0 : i32
      scf.yield %scan3A_118 : i32
    }
    %scan3A_6 = arith.constant 1024 : i32
    %mul3A_7 = arith.constant 640 : i32
    %mul3A_8 = arith.muli %arg1, %mul3A_7 : i32
    %min3A = arith.constant 9600 : i32
    %min3A_9 = arith.minsi %mul3A_8, %min3A : i32
    %add3A_10 = arith.constant 0 : i32
    %add3A_11 = arith.addi %min3A_9, %add3A_10 : i32
    "tpu.region"() ({
      %run_scoped3A = tpu.sem_alloc : memref<!tpu.dma_semaphore, #tpu.memory_space<semaphore_mem>>
      %dma_start3A_79 = arith.constant 0 : i32
      %dma_start3A_80 = arith.constant 0 : i32
      %dma_start3A_81 = tpu.memref_slice %arg9[%dma_start3A_79, %dma_start3A_80] : memref<128x128xf32, #tpu.memory_space<vmem>> -> memref<128x128xf32, #tpu.memory_space<vmem>>
      %dma_start3A_82 = arith.constant 0 : i32
      %dma_start3A_83 = tpu.memref_slice %arg6[%add3A_11, %dma_start3A_82] : memref<10240x128xf32, #tpu.memory_space<vmem_shared>> -> memref<128x128xf32, #tpu.memory_space<vmem_shared>>
      %dma_start3A_84 = arith.constant 0 : i32
      %dma_start3A_85 = tpu.memref_slice %arg6[%add3A_11, %dma_start3A_84] : memref<10240x128xf32, #tpu.memory_space<vmem_shared>> -> memref<128x128xf32, #tpu.memory_space<vmem_shared>>
      %dma_start3A_86 = arith.constant 0 : i32
      %dma_start3A_87 = arith.constant 0 : i32
      %dma_start3A_88 = tpu.memref_slice %arg9[%dma_start3A_86, %dma_start3A_87] : memref<128x128xf32, #tpu.memory_space<vmem>> -> memref<128x128xf32, #tpu.memory_space<vmem>>
      tpu.enqueue_dma source(%dma_start3A_88 : memref<128x128xf32, #tpu.memory_space<vmem>>) target(%dma_start3A_85 : memref<128x128xf32, #tpu.memory_space<vmem_shared>>) target_semaphore(%run_scoped3A : memref<!tpu.dma_semaphore, #tpu.memory_space<semaphore_mem>>)
      %dma_wait3A_89 = arith.constant 0 : i32
      %dma_wait3A_90 = arith.constant 0 : i32
      %dma_wait3A_91 = tpu.memref_slice %arg9[%dma_wait3A_89, %dma_wait3A_90] : memref<128x128xf32, #tpu.memory_space<vmem>> -> memref<128x128xf32, #tpu.memory_space<vmem>>
      %dma_wait3A_92 = arith.constant 0 : i32
      %dma_wait3A_93 = tpu.memref_slice %arg6[%add3A_11, %dma_wait3A_92] : memref<10240x128xf32, #tpu.memory_space<vmem_shared>> -> memref<128x128xf32, #tpu.memory_space<vmem_shared>>
      %dma_wait3A_94 = arith.constant 0 : i32
      %dma_wait3A_95 = tpu.memref_slice %arg6[%add3A_11, %dma_wait3A_94] : memref<10240x128xf32, #tpu.memory_space<vmem_shared>> -> memref<128x128xf32, #tpu.memory_space<vmem_shared>>
      %dma_wait3A_96 = arith.constant 0 : i32
      %dma_wait3A_97 = arith.constant 0 : i32
      %dma_wait3A_98 = tpu.memref_slice %arg9[%dma_wait3A_96, %dma_wait3A_97] : memref<128x128xf32, #tpu.memory_space<vmem>> -> memref<128x128xf32, #tpu.memory_space<vmem>>
      tpu.wait_dma2 semaphore(%run_scoped3A : memref<!tpu.dma_semaphore, #tpu.memory_space<semaphore_mem>>) src(%dma_wait3A_98 : memref<128x128xf32, #tpu.memory_space<vmem>>) dst(%dma_wait3A_95 : memref<128x128xf32, #tpu.memory_space<vmem_shared>>)
      tpu.yield
    }) : () -> ()
    %add3A_12 = arith.constant 128 : i32
    %add3A_13 = arith.addi %min3A_9, %add3A_12 : i32
    "tpu.region"() ({
      %run_scoped3A = tpu.sem_alloc : memref<!tpu.dma_semaphore, #tpu.memory_space<semaphore_mem>>
      %dma_start3A_79 = arith.constant 0 : i32
      %dma_start3A_80 = arith.constant 0 : i32
      %dma_start3A_81 = tpu.memref_slice %arg9[%dma_start3A_79, %dma_start3A_80] : memref<128x128xf32, #tpu.memory_space<vmem>> -> memref<128x128xf32, #tpu.memory_space<vmem>>
      %dma_start3A_82 = arith.constant 0 : i32
      %dma_start3A_83 = tpu.memref_slice %arg6[%add3A_13, %dma_start3A_82] : memref<10240x128xf32, #tpu.memory_space<vmem_shared>> -> memref<128x128xf32, #tpu.memory_space<vmem_shared>>
      %dma_start3A_84 = arith.constant 0 : i32
      %dma_start3A_85 = tpu.memref_slice %arg6[%add3A_13, %dma_start3A_84] : memref<10240x128xf32, #tpu.memory_space<vmem_shared>> -> memref<128x128xf32, #tpu.memory_space<vmem_shared>>
      %dma_start3A_86 = arith.constant 0 : i32
      %dma_start3A_87 = arith.constant 0 : i32
      %dma_start3A_88 = tpu.memref_slice %arg9[%dma_start3A_86, %dma_start3A_87] : memref<128x128xf32, #tpu.memory_space<vmem>> -> memref<128x128xf32, #tpu.memory_space<vmem>>
      tpu.enqueue_dma source(%dma_start3A_88 : memref<128x128xf32, #tpu.memory_space<vmem>>) target(%dma_start3A_85 : memref<128x128xf32, #tpu.memory_space<vmem_shared>>) target_semaphore(%run_scoped3A : memref<!tpu.dma_semaphore, #tpu.memory_space<semaphore_mem>>)
      %dma_wait3A_89 = arith.constant 0 : i32
      %dma_wait3A_90 = arith.constant 0 : i32
      %dma_wait3A_91 = tpu.memref_slice %arg9[%dma_wait3A_89, %dma_wait3A_90] : memref<128x128xf32, #tpu.memory_space<vmem>> -> memref<128x128xf32, #tpu.memory_space<vmem>>
      %dma_wait3A_92 = arith.constant 0 : i32
      %dma_wait3A_93 = tpu.memref_slice %arg6[%add3A_13, %dma_wait3A_92] : memref<10240x128xf32, #tpu.memory_space<vmem_shared>> -> memref<128x128xf32, #tpu.memory_space<vmem_shared>>
      %dma_wait3A_94 = arith.constant 0 : i32
      %dma_wait3A_95 = tpu.memref_slice %arg6[%add3A_13, %dma_wait3A_94] : memref<10240x128xf32, #tpu.memory_space<vmem_shared>> -> memref<128x128xf32, #tpu.memory_space<vmem_shared>>
      %dma_wait3A_96 = arith.constant 0 : i32
      %dma_wait3A_97 = arith.constant 0 : i32
      %dma_wait3A_98 = tpu.memref_slice %arg9[%dma_wait3A_96, %dma_wait3A_97] : memref<128x128xf32, #tpu.memory_space<vmem>> -> memref<128x128xf32, #tpu.memory_space<vmem>>
      tpu.wait_dma2 semaphore(%run_scoped3A : memref<!tpu.dma_semaphore, #tpu.memory_space<semaphore_mem>>) src(%dma_wait3A_98 : memref<128x128xf32, #tpu.memory_space<vmem>>) dst(%dma_wait3A_95 : memref<128x128xf32, #tpu.memory_space<vmem_shared>>)
      tpu.yield
    }) : () -> ()
    %add3A_14 = arith.constant 256 : i32
    %add3A_15 = arith.addi %min3A_9, %add3A_14 : i32
    "tpu.region"() ({
      %run_scoped3A = tpu.sem_alloc : memref<!tpu.dma_semaphore, #tpu.memory_space<semaphore_mem>>
      %dma_start3A_79 = arith.constant 0 : i32
      %dma_start3A_80 = arith.constant 0 : i32
      %dma_start3A_81 = tpu.memref_slice %arg9[%dma_start3A_79, %dma_start3A_80] : memref<128x128xf32, #tpu.memory_space<vmem>> -> memref<128x128xf32, #tpu.memory_space<vmem>>
      %dma_start3A_82 = arith.constant 0 : i32
      %dma_start3A_83 = tpu.memref_slice %arg6[%add3A_15, %dma_start3A_82] : memref<10240x128xf32, #tpu.memory_space<vmem_shared>> -> memref<128x128xf32, #tpu.memory_space<vmem_shared>>
      %dma_start3A_84 = arith.constant 0 : i32
      %dma_start3A_85 = tpu.memref_slice %arg6[%add3A_15, %dma_start3A_84] : memref<10240x128xf32, #tpu.memory_space<vmem_shared>> -> memref<128x128xf32, #tpu.memory_space<vmem_shared>>
      %dma_start3A_86 = arith.constant 0 : i32
      %dma_start3A_87 = arith.constant 0 : i32
      %dma_start3A_88 = tpu.memref_slice %arg9[%dma_start3A_86, %dma_start3A_87] : memref<128x128xf32, #tpu.memory_space<vmem>> -> memref<128x128xf32, #tpu.memory_space<vmem>>
      tpu.enqueue_dma source(%dma_start3A_88 : memref<128x128xf32, #tpu.memory_space<vmem>>) target(%dma_start3A_85 : memref<128x128xf32, #tpu.memory_space<vmem_shared>>) target_semaphore(%run_scoped3A : memref<!tpu.dma_semaphore, #tpu.memory_space<semaphore_mem>>)
      %dma_wait3A_89 = arith.constant 0 : i32
      %dma_wait3A_90 = arith.constant 0 : i32
      %dma_wait3A_91 = tpu.memref_slice %arg9[%dma_wait3A_89, %dma_wait3A_90] : memref<128x128xf32, #tpu.memory_space<vmem>> -> memref<128x128xf32, #tpu.memory_space<vmem>>
      %dma_wait3A_92 = arith.constant 0 : i32
      %dma_wait3A_93 = tpu.memref_slice %arg6[%add3A_15, %dma_wait3A_92] : memref<10240x128xf32, #tpu.memory_space<vmem_shared>> -> memref<128x128xf32, #tpu.memory_space<vmem_shared>>
      %dma_wait3A_94 = arith.constant 0 : i32
      %dma_wait3A_95 = tpu.memref_slice %arg6[%add3A_15, %dma_wait3A_94] : memref<10240x128xf32, #tpu.memory_space<vmem_shared>> -> memref<128x128xf32, #tpu.memory_space<vmem_shared>>
      %dma_wait3A_96 = arith.constant 0 : i32
      %dma_wait3A_97 = arith.constant 0 : i32
      %dma_wait3A_98 = tpu.memref_slice %arg9[%dma_wait3A_96, %dma_wait3A_97] : memref<128x128xf32, #tpu.memory_space<vmem>> -> memref<128x128xf32, #tpu.memory_space<vmem>>
      tpu.wait_dma2 semaphore(%run_scoped3A : memref<!tpu.dma_semaphore, #tpu.memory_space<semaphore_mem>>) src(%dma_wait3A_98 : memref<128x128xf32, #tpu.memory_space<vmem>>) dst(%dma_wait3A_95 : memref<128x128xf32, #tpu.memory_space<vmem_shared>>)
      tpu.yield
    }) : () -> ()
    %add3A_16 = arith.constant 384 : i32
    %add3A_17 = arith.addi %min3A_9, %add3A_16 : i32
    "tpu.region"() ({
      %run_scoped3A = tpu.sem_alloc : memref<!tpu.dma_semaphore, #tpu.memory_space<semaphore_mem>>
      %dma_start3A_79 = arith.constant 0 : i32
      %dma_start3A_80 = arith.constant 0 : i32
      %dma_start3A_81 = tpu.memref_slice %arg9[%dma_start3A_79, %dma_start3A_80] : memref<128x128xf32, #tpu.memory_space<vmem>> -> memref<128x128xf32, #tpu.memory_space<vmem>>
      %dma_start3A_82 = arith.constant 0 : i32
      %dma_start3A_83 = tpu.memref_slice %arg6[%add3A_17, %dma_start3A_82] : memref<10240x128xf32, #tpu.memory_space<vmem_shared>> -> memref<128x128xf32, #tpu.memory_space<vmem_shared>>
      %dma_start3A_84 = arith.constant 0 : i32
      %dma_start3A_85 = tpu.memref_slice %arg6[%add3A_17, %dma_start3A_84] : memref<10240x128xf32, #tpu.memory_space<vmem_shared>> -> memref<128x128xf32, #tpu.memory_space<vmem_shared>>
      %dma_start3A_86 = arith.constant 0 : i32
      %dma_start3A_87 = arith.constant 0 : i32
      %dma_start3A_88 = tpu.memref_slice %arg9[%dma_start3A_86, %dma_start3A_87] : memref<128x128xf32, #tpu.memory_space<vmem>> -> memref<128x128xf32, #tpu.memory_space<vmem>>
      tpu.enqueue_dma source(%dma_start3A_88 : memref<128x128xf32, #tpu.memory_space<vmem>>) target(%dma_start3A_85 : memref<128x128xf32, #tpu.memory_space<vmem_shared>>) target_semaphore(%run_scoped3A : memref<!tpu.dma_semaphore, #tpu.memory_space<semaphore_mem>>)
      %dma_wait3A_89 = arith.constant 0 : i32
      %dma_wait3A_90 = arith.constant 0 : i32
      %dma_wait3A_91 = tpu.memref_slice %arg9[%dma_wait3A_89, %dma_wait3A_90] : memref<128x128xf32, #tpu.memory_space<vmem>> -> memref<128x128xf32, #tpu.memory_space<vmem>>
      %dma_wait3A_92 = arith.constant 0 : i32
      %dma_wait3A_93 = tpu.memref_slice %arg6[%add3A_17, %dma_wait3A_92] : memref<10240x128xf32, #tpu.memory_space<vmem_shared>> -> memref<128x128xf32, #tpu.memory_space<vmem_shared>>
      %dma_wait3A_94 = arith.constant 0 : i32
      %dma_wait3A_95 = tpu.memref_slice %arg6[%add3A_17, %dma_wait3A_94] : memref<10240x128xf32, #tpu.memory_space<vmem_shared>> -> memref<128x128xf32, #tpu.memory_space<vmem_shared>>
      %dma_wait3A_96 = arith.constant 0 : i32
      %dma_wait3A_97 = arith.constant 0 : i32
      %dma_wait3A_98 = tpu.memref_slice %arg9[%dma_wait3A_96, %dma_wait3A_97] : memref<128x128xf32, #tpu.memory_space<vmem>> -> memref<128x128xf32, #tpu.memory_space<vmem>>
      tpu.wait_dma2 semaphore(%run_scoped3A : memref<!tpu.dma_semaphore, #tpu.memory_space<semaphore_mem>>) src(%dma_wait3A_98 : memref<128x128xf32, #tpu.memory_space<vmem>>) dst(%dma_wait3A_95 : memref<128x128xf32, #tpu.memory_space<vmem_shared>>)
      tpu.yield
    }) : () -> ()
    %add3A_18 = arith.constant 512 : i32
    %add3A_19 = arith.addi %min3A_9, %add3A_18 : i32
    "tpu.region"() ({
      %run_scoped3A = tpu.sem_alloc : memref<!tpu.dma_semaphore, #tpu.memory_space<semaphore_mem>>
      %dma_start3A_79 = arith.constant 0 : i32
      %dma_start3A_80 = arith.constant 0 : i32
      %dma_start3A_81 = tpu.memref_slice %arg9[%dma_start3A_79, %dma_start3A_80] : memref<128x128xf32, #tpu.memory_space<vmem>> -> memref<128x128xf32, #tpu.memory_space<vmem>>
      %dma_start3A_82 = arith.constant 0 : i32
      %dma_start3A_83 = tpu.memref_slice %arg6[%add3A_19, %dma_start3A_82] : memref<10240x128xf32, #tpu.memory_space<vmem_shared>> -> memref<128x128xf32, #tpu.memory_space<vmem_shared>>
      %dma_start3A_84 = arith.constant 0 : i32
      %dma_start3A_85 = tpu.memref_slice %arg6[%add3A_19, %dma_start3A_84] : memref<10240x128xf32, #tpu.memory_space<vmem_shared>> -> memref<128x128xf32, #tpu.memory_space<vmem_shared>>
      %dma_start3A_86 = arith.constant 0 : i32
      %dma_start3A_87 = arith.constant 0 : i32
      %dma_start3A_88 = tpu.memref_slice %arg9[%dma_start3A_86, %dma_start3A_87] : memref<128x128xf32, #tpu.memory_space<vmem>> -> memref<128x128xf32, #tpu.memory_space<vmem>>
      tpu.enqueue_dma source(%dma_start3A_88 : memref<128x128xf32, #tpu.memory_space<vmem>>) target(%dma_start3A_85 : memref<128x128xf32, #tpu.memory_space<vmem_shared>>) target_semaphore(%run_scoped3A : memref<!tpu.dma_semaphore, #tpu.memory_space<semaphore_mem>>)
      %dma_wait3A_89 = arith.constant 0 : i32
      %dma_wait3A_90 = arith.constant 0 : i32
      %dma_wait3A_91 = tpu.memref_slice %arg9[%dma_wait3A_89, %dma_wait3A_90] : memref<128x128xf32, #tpu.memory_space<vmem>> -> memref<128x128xf32, #tpu.memory_space<vmem>>
      %dma_wait3A_92 = arith.constant 0 : i32
      %dma_wait3A_93 = tpu.memref_slice %arg6[%add3A_19, %dma_wait3A_92] : memref<10240x128xf32, #tpu.memory_space<vmem_shared>> -> memref<128x128xf32, #tpu.memory_space<vmem_shared>>
      %dma_wait3A_94 = arith.constant 0 : i32
      %dma_wait3A_95 = tpu.memref_slice %arg6[%add3A_19, %dma_wait3A_94] : memref<10240x128xf32, #tpu.memory_space<vmem_shared>> -> memref<128x128xf32, #tpu.memory_space<vmem_shared>>
      %dma_wait3A_96 = arith.constant 0 : i32
      %dma_wait3A_97 = arith.constant 0 : i32
      %dma_wait3A_98 = tpu.memref_slice %arg9[%dma_wait3A_96, %dma_wait3A_97] : memref<128x128xf32, #tpu.memory_space<vmem>> -> memref<128x128xf32, #tpu.memory_space<vmem>>
      tpu.wait_dma2 semaphore(%run_scoped3A : memref<!tpu.dma_semaphore, #tpu.memory_space<semaphore_mem>>) src(%dma_wait3A_98 : memref<128x128xf32, #tpu.memory_space<vmem>>) dst(%dma_wait3A_95 : memref<128x128xf32, #tpu.memory_space<vmem_shared>>)
      tpu.yield
    }) : () -> ()
    %barrier3A = arith.constant 0 : index
    tpu.barrier barrier_id(%barrier3A)
    %mul3A_20 = arith.constant 80 : i32
    %mul3A_21 = arith.muli %add3A, %mul3A_20 : i32
    %add3A_22 = arith.constant 0 : i32
    %add3A_23 = arith.addi %mul3A_21, %add3A_22 : i32
    "tpu.region"() ({
      %run_scoped3A = tpu.sem_alloc : memref<!tpu.dma_semaphore, #tpu.memory_space<semaphore_mem>>
      %dma_start3A_79 = arith.constant 0 : i32
      %dma_start3A_80 = tpu.memref_slice %arg3[%add3A_23, %dma_start3A_79] : memref<2560x128xi32, #tpu.memory_space<hbm>> -> memref<40x128xi32, #tpu.memory_space<hbm>>
      %dma_start3A_81 = arith.constant 0 : i32
      %dma_start3A_82 = tpu.memref_slice %arg3[%add3A_23, %dma_start3A_81] : memref<2560x128xi32, #tpu.memory_space<hbm>> -> memref<40x128xi32, #tpu.memory_space<hbm>>
      tpu.enqueue_dma source(%dma_start3A_82 : memref<40x128xi32, #tpu.memory_space<hbm>>) target(%arg7 : memref<40x128xi32, #tpu.memory_space<vmem>>) target_semaphore(%run_scoped3A : memref<!tpu.dma_semaphore, #tpu.memory_space<semaphore_mem>>)
      %dma_wait3A_83 = arith.constant 0 : i32
      %dma_wait3A_84 = tpu.memref_slice %arg3[%add3A_23, %dma_wait3A_83] : memref<2560x128xi32, #tpu.memory_space<hbm>> -> memref<40x128xi32, #tpu.memory_space<hbm>>
      %dma_wait3A_85 = arith.constant 0 : i32
      %dma_wait3A_86 = tpu.memref_slice %arg3[%add3A_23, %dma_wait3A_85] : memref<2560x128xi32, #tpu.memory_space<hbm>> -> memref<40x128xi32, #tpu.memory_space<hbm>>
      tpu.wait_dma2 semaphore(%run_scoped3A : memref<!tpu.dma_semaphore, #tpu.memory_space<semaphore_mem>>) src(%dma_wait3A_86 : memref<40x128xi32, #tpu.memory_space<hbm>>) dst(%arg7 : memref<40x128xi32, #tpu.memory_space<vmem>>)
      tpu.yield
    }) : () -> ()
    "tpu.region"() ({
      %run_scoped3A = tpu.sem_alloc : memref<!tpu.dma_semaphore, #tpu.memory_space<semaphore_mem>>
      %dma_start3A_79 = arith.constant 0 : i32
      %dma_start3A_80 = tpu.memref_slice %arg4[%add3A_23, %dma_start3A_79] : memref<2560x128xi32, #tpu.memory_space<hbm>> -> memref<40x128xi32, #tpu.memory_space<hbm>>
      %dma_start3A_81 = arith.constant 0 : i32
      %dma_start3A_82 = tpu.memref_slice %arg4[%add3A_23, %dma_start3A_81] : memref<2560x128xi32, #tpu.memory_space<hbm>> -> memref<40x128xi32, #tpu.memory_space<hbm>>
      tpu.enqueue_dma source(%dma_start3A_82 : memref<40x128xi32, #tpu.memory_space<hbm>>) target(%arg8 : memref<40x128xi32, #tpu.memory_space<vmem>>) target_semaphore(%run_scoped3A : memref<!tpu.dma_semaphore, #tpu.memory_space<semaphore_mem>>)
      %dma_wait3A_83 = arith.constant 0 : i32
      %dma_wait3A_84 = tpu.memref_slice %arg4[%add3A_23, %dma_wait3A_83] : memref<2560x128xi32, #tpu.memory_space<hbm>> -> memref<40x128xi32, #tpu.memory_space<hbm>>
      %dma_wait3A_85 = arith.constant 0 : i32
      %dma_wait3A_86 = tpu.memref_slice %arg4[%add3A_23, %dma_wait3A_85] : memref<2560x128xi32, #tpu.memory_space<hbm>> -> memref<40x128xi32, #tpu.memory_space<hbm>>
      tpu.wait_dma2 semaphore(%run_scoped3A : memref<!tpu.dma_semaphore, #tpu.memory_space<semaphore_mem>>) src(%dma_wait3A_86 : memref<40x128xi32, #tpu.memory_space<hbm>>) dst(%arg8 : memref<40x128xi32, #tpu.memory_space<vmem>>)
      tpu.yield
    }) : () -> ()
    %dma_start3A = arith.constant 0 : i32
    %dma_start3A_24 = arith.constant 0 : i32
    %dma_start3A_25 = tpu.memref_slice %arg7[%dma_start3A, %dma_start3A_24] : memref<40x128xi32, #tpu.memory_space<vmem>> -> memref<1x128xi32, #tpu.memory_space<vmem>>
    %dma_start3A_26 = tpu.memref_squeeze %dma_start3A_25 : memref<1x128xi32, #tpu.memory_space<vmem>> -> memref<128xi32, #tpu.memory_space<vmem>>
    %dma_start3A_27 = arith.constant 0 : i32
    %dma_start3A_28 = arith.constant 0 : i32
    %dma_start3A_29 = tpu.memref_slice %arg2[%dma_start3A_27, %dma_start3A_28] : memref<10000x128xf32, #tpu.memory_space<hbm>> -> memref<10000x128xf32, #tpu.memory_space<hbm>>
    tpu.enqueue_indirect_dma source(%dma_start3A_29 : memref<10000x128xf32, #tpu.memory_space<hbm>>) target(%arg9 : memref<128x128xf32, #tpu.memory_space<vmem>>) offsets(%dma_start3A_26 : memref<128xi32, #tpu.memory_space<vmem>>) semaphore(%arg11 : memref<!tpu.dma_semaphore, #tpu.memory_space<semaphore_mem>>)
    %scan3A_30 = arith.constant 0 : i32
    %scan3A_31 = arith.constant 0 : i32
    %scan3A_32 = arith.constant 20 : i32
    %scan3A_33 = arith.addi %scan3A_31, %scan3A_32 : i32
    %scan3A_34 = arith.constant 1 : i32
    %scan3A_35 = scf.for %scan3A_79 = %scan3A_31 to %scan3A_33 step %scan3A_34 iter_args(%scan3A_80 = %scan3A_30) -> (i32)  : i32 {
      %mul3A_81 = arith.constant 2 : i32
      %mul3A_82 = arith.muli %mul3A_81, %scan3A_79 : i32
      %dma_wait3A_83 = arith.constant 0 : i32
      %dma_wait3A_84 = arith.constant 0 : i32
      %dma_wait3A_85 = tpu.memref_slice %arg2[%dma_wait3A_83, %dma_wait3A_84] : memref<10000x128xf32, #tpu.memory_space<hbm>> -> memref<128x128xf32, #tpu.memory_space<hbm>>
      %dma_wait3A_86 = arith.constant 0 : i32
      %dma_wait3A_87 = arith.constant 0 : i32
      %dma_wait3A_88 = tpu.memref_slice %arg2[%dma_wait3A_86, %dma_wait3A_87] : memref<10000x128xf32, #tpu.memory_space<hbm>> -> memref<128x128xf32, #tpu.memory_space<hbm>>
      tpu.wait_dma2 semaphore(%arg11 : memref<!tpu.dma_semaphore, #tpu.memory_space<semaphore_mem>>) src(%dma_wait3A_88 : memref<128x128xf32, #tpu.memory_space<hbm>>) dst(%arg9 : memref<128x128xf32, #tpu.memory_space<vmem>>)
      %dma_start3A_89 = arith.constant 0 : i32
      %dma_start3A_90 = tpu.memref_slice %arg8[%mul3A_82, %dma_start3A_89] : memref<40x128xi32, #tpu.memory_space<vmem>> -> memref<1x128xi32, #tpu.memory_space<vmem>>
      %dma_start3A_91 = tpu.memref_squeeze %dma_start3A_90 : memref<1x128xi32, #tpu.memory_space<vmem>> -> memref<128xi32, #tpu.memory_space<vmem>>
      %dma_start3A_92 = arith.constant 0 : i32
      %dma_start3A_93 = arith.constant 0 : i32
      %dma_start3A_94 = tpu.memref_slice %arg6[%dma_start3A_92, %dma_start3A_93] : memref<10240x128xf32, #tpu.memory_space<vmem_shared>> -> memref<10240x128xf32, #tpu.memory_space<vmem_shared>>
      tpu.enqueue_indirect_dma source(%arg9 : memref<128x128xf32, #tpu.memory_space<vmem>>) target(%dma_start3A_94 : memref<10240x128xf32, #tpu.memory_space<vmem_shared>>) offsets(%dma_start3A_91 : memref<128xi32, #tpu.memory_space<vmem>>) semaphore(%arg13 : memref<!tpu.dma_semaphore, #tpu.memory_space<semaphore_mem>>) {add = true}
      %gt3A = arith.constant 0 : i32
      %gt3A_95 = arith.cmpi sgt, %scan3A_79, %gt3A : i32
      %convert_element_type3A = arith.extui %gt3A_95 : i1 to i32
      %cond3A = arith.constant 0 : i32
      %cond3A_96 = arith.cmpi ne, %convert_element_type3A, %cond3A : i32
      scf.if %cond3A_96 {
        %dma_wait3A_124 = arith.constant 0 : i32
        %dma_wait3A_125 = arith.constant 0 : i32
        %dma_wait3A_126 = tpu.memref_slice %arg6[%dma_wait3A_124, %dma_wait3A_125] : memref<10240x128xf32, #tpu.memory_space<vmem_shared>> -> memref<128x128xf32, #tpu.memory_space<vmem_shared>>
        %dma_wait3A_127 = arith.constant 0 : i32
        %dma_wait3A_128 = arith.constant 0 : i32
        %dma_wait3A_129 = tpu.memref_slice %arg6[%dma_wait3A_127, %dma_wait3A_128] : memref<10240x128xf32, #tpu.memory_space<vmem_shared>> -> memref<128x128xf32, #tpu.memory_space<vmem_shared>>
        tpu.wait_dma2 semaphore(%arg14 : memref<!tpu.dma_semaphore, #tpu.memory_space<semaphore_mem>>) src(%arg10 : memref<128x128xf32, #tpu.memory_space<vmem>>) dst(%dma_wait3A_129 : memref<128x128xf32, #tpu.memory_space<vmem_shared>>)
      } else {
      }
      %add3A_97 = arith.constant 1 : i32
      %add3A_98 = arith.addi %mul3A_82, %add3A_97 : i32
      %dma_start3A_99 = arith.constant 0 : i32
      %dma_start3A_100 = tpu.memref_slice %arg7[%add3A_98, %dma_start3A_99] : memref<40x128xi32, #tpu.memory_space<vmem>> -> memref<1x128xi32, #tpu.memory_space<vmem>>
      %dma_start3A_101 = tpu.memref_squeeze %dma_start3A_100 : memref<1x128xi32, #tpu.memory_space<vmem>> -> memref<128xi32, #tpu.memory_space<vmem>>
      %dma_start3A_102 = arith.constant 0 : i32
      %dma_start3A_103 = arith.constant 0 : i32
      %dma_start3A_104 = tpu.memref_slice %arg2[%dma_start3A_102, %dma_start3A_103] : memref<10000x128xf32, #tpu.memory_space<hbm>> -> memref<10000x128xf32, #tpu.memory_space<hbm>>
      tpu.enqueue_indirect_dma source(%dma_start3A_104 : memref<10000x128xf32, #tpu.memory_space<hbm>>) target(%arg10 : memref<128x128xf32, #tpu.memory_space<vmem>>) offsets(%dma_start3A_101 : memref<128xi32, #tpu.memory_space<vmem>>) semaphore(%arg12 : memref<!tpu.dma_semaphore, #tpu.memory_space<semaphore_mem>>)
      %dma_wait3A_105 = arith.constant 0 : i32
      %dma_wait3A_106 = arith.constant 0 : i32
      %dma_wait3A_107 = tpu.memref_slice %arg2[%dma_wait3A_105, %dma_wait3A_106] : memref<10000x128xf32, #tpu.memory_space<hbm>> -> memref<128x128xf32, #tpu.memory_space<hbm>>
      %dma_wait3A_108 = arith.constant 0 : i32
      %dma_wait3A_109 = arith.constant 0 : i32
      %dma_wait3A_110 = tpu.memref_slice %arg2[%dma_wait3A_108, %dma_wait3A_109] : memref<10000x128xf32, #tpu.memory_space<hbm>> -> memref<128x128xf32, #tpu.memory_space<hbm>>
      tpu.wait_dma2 semaphore(%arg12 : memref<!tpu.dma_semaphore, #tpu.memory_space<semaphore_mem>>) src(%dma_wait3A_110 : memref<128x128xf32, #tpu.memory_space<hbm>>) dst(%arg10 : memref<128x128xf32, #tpu.memory_space<vmem>>)
      %add3A_111 = arith.constant 1 : i32
      %add3A_112 = arith.addi %mul3A_82, %add3A_111 : i32
      %dma_start3A_113 = arith.constant 0 : i32
      %dma_start3A_114 = tpu.memref_slice %arg8[%add3A_112, %dma_start3A_113] : memref<40x128xi32, #tpu.memory_space<vmem>> -> memref<1x128xi32, #tpu.memory_space<vmem>>
      %dma_start3A_115 = tpu.memref_squeeze %dma_start3A_114 : memref<1x128xi32, #tpu.memory_space<vmem>> -> memref<128xi32, #tpu.memory_space<vmem>>
      %dma_start3A_116 = arith.constant 0 : i32
      %dma_start3A_117 = arith.constant 0 : i32
      %dma_start3A_118 = tpu.memref_slice %arg6[%dma_start3A_116, %dma_start3A_117] : memref<10240x128xf32, #tpu.memory_space<vmem_shared>> -> memref<10240x128xf32, #tpu.memory_space<vmem_shared>>
      tpu.enqueue_indirect_dma source(%arg10 : memref<128x128xf32, #tpu.memory_space<vmem>>) target(%dma_start3A_118 : memref<10240x128xf32, #tpu.memory_space<vmem_shared>>) offsets(%dma_start3A_115 : memref<128xi32, #tpu.memory_space<vmem>>) semaphore(%arg14 : memref<!tpu.dma_semaphore, #tpu.memory_space<semaphore_mem>>) {add = true}
      %lt3A = arith.constant 19 : i32
      %lt3A_119 = arith.cmpi slt, %scan3A_79, %lt3A : i32
      %convert_element_type3A_120 = arith.extui %lt3A_119 : i1 to i32
      %cond3A_121 = arith.constant 0 : i32
      %cond3A_122 = arith.cmpi ne, %convert_element_type3A_120, %cond3A_121 : i32
      scf.if %cond3A_122 {
        %dma_wait3A_124 = arith.constant 0 : i32
        %dma_wait3A_125 = arith.constant 0 : i32
        %dma_wait3A_126 = tpu.memref_slice %arg6[%dma_wait3A_124, %dma_wait3A_125] : memref<10240x128xf32, #tpu.memory_space<vmem_shared>> -> memref<128x128xf32, #tpu.memory_space<vmem_shared>>
        %dma_wait3A_127 = arith.constant 0 : i32
        %dma_wait3A_128 = arith.constant 0 : i32
        %dma_wait3A_129 = tpu.memref_slice %arg6[%dma_wait3A_127, %dma_wait3A_128] : memref<10240x128xf32, #tpu.memory_space<vmem_shared>> -> memref<128x128xf32, #tpu.memory_space<vmem_shared>>
        tpu.wait_dma2 semaphore(%arg13 : memref<!tpu.dma_semaphore, #tpu.memory_space<semaphore_mem>>) src(%arg9 : memref<128x128xf32, #tpu.memory_space<vmem>>) dst(%dma_wait3A_129 : memref<128x128xf32, #tpu.memory_space<vmem_shared>>)
        %add3A_130 = arith.constant 2 : i32
        %add3A_131 = arith.addi %mul3A_82, %add3A_130 : i32
        %dma_start3A_132 = arith.constant 0 : i32
        %dma_start3A_133 = tpu.memref_slice %arg7[%add3A_131, %dma_start3A_132] : memref<40x128xi32, #tpu.memory_space<vmem>> -> memref<1x128xi32, #tpu.memory_space<vmem>>
        %dma_start3A_134 = tpu.memref_squeeze %dma_start3A_133 : memref<1x128xi32, #tpu.memory_space<vmem>> -> memref<128xi32, #tpu.memory_space<vmem>>
        %dma_start3A_135 = arith.constant 0 : i32
        %dma_start3A_136 = arith.constant 0 : i32
        %dma_start3A_137 = tpu.memref_slice %arg2[%dma_start3A_135, %dma_start3A_136] : memref<10000x128xf32, #tpu.memory_space<hbm>> -> memref<10000x128xf32, #tpu.memory_space<hbm>>
        tpu.enqueue_indirect_dma source(%dma_start3A_137 : memref<10000x128xf32, #tpu.memory_space<hbm>>) target(%arg9 : memref<128x128xf32, #tpu.memory_space<vmem>>) offsets(%dma_start3A_134 : memref<128xi32, #tpu.memory_space<vmem>>) semaphore(%arg11 : memref<!tpu.dma_semaphore, #tpu.memory_space<semaphore_mem>>)
      } else {
      }
      %scan3A_123 = arith.constant 0 : i32
      scf.yield %scan3A_123 : i32
    }
    %scan3A_36 = arith.constant 20 : i32
    %dma_wait3A = arith.constant 0 : i32
    %dma_wait3A_37 = arith.constant 0 : i32
    %dma_wait3A_38 = tpu.memref_slice %arg6[%dma_wait3A, %dma_wait3A_37] : memref<10240x128xf32, #tpu.memory_space<vmem_shared>> -> memref<128x128xf32, #tpu.memory_space<vmem_shared>>
    %dma_wait3A_39 = arith.constant 0 : i32
    %dma_wait3A_40 = arith.constant 0 : i32
    %dma_wait3A_41 = tpu.memref_slice %arg6[%dma_wait3A_39, %dma_wait3A_40] : memref<10240x128xf32, #tpu.memory_space<vmem_shared>> -> memref<128x128xf32, #tpu.memory_space<vmem_shared>>
    tpu.wait_dma2 semaphore(%arg13 : memref<!tpu.dma_semaphore, #tpu.memory_space<semaphore_mem>>) src(%arg9 : memref<128x128xf32, #tpu.memory_space<vmem>>) dst(%dma_wait3A_41 : memref<128x128xf32, #tpu.memory_space<vmem_shared>>)
    %dma_wait3A_42 = arith.constant 0 : i32
    %dma_wait3A_43 = arith.constant 0 : i32
    %dma_wait3A_44 = tpu.memref_slice %arg6[%dma_wait3A_42, %dma_wait3A_43] : memref<10240x128xf32, #tpu.memory_space<vmem_shared>> -> memref<128x128xf32, #tpu.memory_space<vmem_shared>>
    %dma_wait3A_45 = arith.constant 0 : i32
    %dma_wait3A_46 = arith.constant 0 : i32
    %dma_wait3A_47 = tpu.memref_slice %arg6[%dma_wait3A_45, %dma_wait3A_46] : memref<10240x128xf32, #tpu.memory_space<vmem_shared>> -> memref<128x128xf32, #tpu.memory_space<vmem_shared>>
    tpu.wait_dma2 semaphore(%arg14 : memref<!tpu.dma_semaphore, #tpu.memory_space<semaphore_mem>>) src(%arg10 : memref<128x128xf32, #tpu.memory_space<vmem>>) dst(%dma_wait3A_47 : memref<128x128xf32, #tpu.memory_space<vmem_shared>>)
    %mul3A_48 = arith.constant 80 : i32
    %mul3A_49 = arith.muli %add3A, %mul3A_48 : i32
    %add3A_50 = arith.constant 40 : i32
    %add3A_51 = arith.addi %mul3A_49, %add3A_50 : i32
    "tpu.region"() ({
      %run_scoped3A = tpu.sem_alloc : memref<!tpu.dma_semaphore, #tpu.memory_space<semaphore_mem>>
      %dma_start3A_79 = arith.constant 0 : i32
      %dma_start3A_80 = tpu.memref_slice %arg3[%add3A_51, %dma_start3A_79] : memref<2560x128xi32, #tpu.memory_space<hbm>> -> memref<40x128xi32, #tpu.memory_space<hbm>>
      %dma_start3A_81 = arith.constant 0 : i32
      %dma_start3A_82 = tpu.memref_slice %arg3[%add3A_51, %dma_start3A_81] : memref<2560x128xi32, #tpu.memory_space<hbm>> -> memref<40x128xi32, #tpu.memory_space<hbm>>
      tpu.enqueue_dma source(%dma_start3A_82 : memref<40x128xi32, #tpu.memory_space<hbm>>) target(%arg7 : memref<40x128xi32, #tpu.memory_space<vmem>>) target_semaphore(%run_scoped3A : memref<!tpu.dma_semaphore, #tpu.memory_space<semaphore_mem>>)
      %dma_wait3A_83 = arith.constant 0 : i32
      %dma_wait3A_84 = tpu.memref_slice %arg3[%add3A_51, %dma_wait3A_83] : memref<2560x128xi32, #tpu.memory_space<hbm>> -> memref<40x128xi32, #tpu.memory_space<hbm>>
      %dma_wait3A_85 = arith.constant 0 : i32
      %dma_wait3A_86 = tpu.memref_slice %arg3[%add3A_51, %dma_wait3A_85] : memref<2560x128xi32, #tpu.memory_space<hbm>> -> memref<40x128xi32, #tpu.memory_space<hbm>>
      tpu.wait_dma2 semaphore(%run_scoped3A : memref<!tpu.dma_semaphore, #tpu.memory_space<semaphore_mem>>) src(%dma_wait3A_86 : memref<40x128xi32, #tpu.memory_space<hbm>>) dst(%arg7 : memref<40x128xi32, #tpu.memory_space<vmem>>)
      tpu.yield
    }) : () -> ()
    "tpu.region"() ({
      %run_scoped3A = tpu.sem_alloc : memref<!tpu.dma_semaphore, #tpu.memory_space<semaphore_mem>>
      %dma_start3A_79 = arith.constant 0 : i32
      %dma_start3A_80 = tpu.memref_slice %arg4[%add3A_51, %dma_start3A_79] : memref<2560x128xi32, #tpu.memory_space<hbm>> -> memref<40x128xi32, #tpu.memory_space<hbm>>
      %dma_start3A_81 = arith.constant 0 : i32
      %dma_start3A_82 = tpu.memref_slice %arg4[%add3A_51, %dma_start3A_81] : memref<2560x128xi32, #tpu.memory_space<hbm>> -> memref<40x128xi32, #tpu.memory_space<hbm>>
      tpu.enqueue_dma source(%dma_start3A_82 : memref<40x128xi32, #tpu.memory_space<hbm>>) target(%arg8 : memref<40x128xi32, #tpu.memory_space<vmem>>) target_semaphore(%run_scoped3A : memref<!tpu.dma_semaphore, #tpu.memory_space<semaphore_mem>>)
      %dma_wait3A_83 = arith.constant 0 : i32
      %dma_wait3A_84 = tpu.memref_slice %arg4[%add3A_51, %dma_wait3A_83] : memref<2560x128xi32, #tpu.memory_space<hbm>> -> memref<40x128xi32, #tpu.memory_space<hbm>>
      %dma_wait3A_85 = arith.constant 0 : i32
      %dma_wait3A_86 = tpu.memref_slice %arg4[%add3A_51, %dma_wait3A_85] : memref<2560x128xi32, #tpu.memory_space<hbm>> -> memref<40x128xi32, #tpu.memory_space<hbm>>
      tpu.wait_dma2 semaphore(%run_scoped3A : memref<!tpu.dma_semaphore, #tpu.memory_space<semaphore_mem>>) src(%dma_wait3A_86 : memref<40x128xi32, #tpu.memory_space<hbm>>) dst(%arg8 : memref<40x128xi32, #tpu.memory_space<vmem>>)
      tpu.yield
    }) : () -> ()
    %dma_start3A_52 = arith.constant 0 : i32
    %dma_start3A_53 = arith.constant 0 : i32
    %dma_start3A_54 = tpu.memref_slice %arg7[%dma_start3A_52, %dma_start3A_53] : memref<40x128xi32, #tpu.memory_space<vmem>> -> memref<1x128xi32, #tpu.memory_space<vmem>>
    %dma_start3A_55 = tpu.memref_squeeze %dma_start3A_54 : memref<1x128xi32, #tpu.memory_space<vmem>> -> memref<128xi32, #tpu.memory_space<vmem>>
    %dma_start3A_56 = arith.constant 0 : i32
    %dma_start3A_57 = arith.constant 0 : i32
    %dma_start3A_58 = tpu.memref_slice %arg2[%dma_start3A_56, %dma_start3A_57] : memref<10000x128xf32, #tpu.memory_space<hbm>> -> memref<10000x128xf32, #tpu.memory_space<hbm>>
    tpu.enqueue_indirect_dma source(%dma_start3A_58 : memref<10000x128xf32, #tpu.memory_space<hbm>>) target(%arg9 : memref<128x128xf32, #tpu.memory_space<vmem>>) offsets(%dma_start3A_55 : memref<128xi32, #tpu.memory_space<vmem>>) semaphore(%arg11 : memref<!tpu.dma_semaphore, #tpu.memory_space<semaphore_mem>>)
    %scan3A_59 = arith.constant 0 : i32
    %scan3A_60 = arith.constant 0 : i32
    %scan3A_61 = arith.constant 20 : i32
    %scan3A_62 = arith.addi %scan3A_60, %scan3A_61 : i32
    %scan3A_63 = arith.constant 1 : i32
    %scan3A_64 = scf.for %scan3A_79 = %scan3A_60 to %scan3A_62 step %scan3A_63 iter_args(%scan3A_80 = %scan3A_59) -> (i32)  : i32 {
      %mul3A_81 = arith.constant 2 : i32
      %mul3A_82 = arith.muli %mul3A_81, %scan3A_79 : i32
      %dma_wait3A_83 = arith.constant 0 : i32
      %dma_wait3A_84 = arith.constant 0 : i32
      %dma_wait3A_85 = tpu.memref_slice %arg2[%dma_wait3A_83, %dma_wait3A_84] : memref<10000x128xf32, #tpu.memory_space<hbm>> -> memref<128x128xf32, #tpu.memory_space<hbm>>
      %dma_wait3A_86 = arith.constant 0 : i32
      %dma_wait3A_87 = arith.constant 0 : i32
      %dma_wait3A_88 = tpu.memref_slice %arg2[%dma_wait3A_86, %dma_wait3A_87] : memref<10000x128xf32, #tpu.memory_space<hbm>> -> memref<128x128xf32, #tpu.memory_space<hbm>>
      tpu.wait_dma2 semaphore(%arg11 : memref<!tpu.dma_semaphore, #tpu.memory_space<semaphore_mem>>) src(%dma_wait3A_88 : memref<128x128xf32, #tpu.memory_space<hbm>>) dst(%arg9 : memref<128x128xf32, #tpu.memory_space<vmem>>)
      %dma_start3A_89 = arith.constant 0 : i32
      %dma_start3A_90 = tpu.memref_slice %arg8[%mul3A_82, %dma_start3A_89] : memref<40x128xi32, #tpu.memory_space<vmem>> -> memref<1x128xi32, #tpu.memory_space<vmem>>
      %dma_start3A_91 = tpu.memref_squeeze %dma_start3A_90 : memref<1x128xi32, #tpu.memory_space<vmem>> -> memref<128xi32, #tpu.memory_space<vmem>>
      %dma_start3A_92 = arith.constant 0 : i32
      %dma_start3A_93 = arith.constant 0 : i32
      %dma_start3A_94 = tpu.memref_slice %arg6[%dma_start3A_92, %dma_start3A_93] : memref<10240x128xf32, #tpu.memory_space<vmem_shared>> -> memref<10240x128xf32, #tpu.memory_space<vmem_shared>>
      tpu.enqueue_indirect_dma source(%arg9 : memref<128x128xf32, #tpu.memory_space<vmem>>) target(%dma_start3A_94 : memref<10240x128xf32, #tpu.memory_space<vmem_shared>>) offsets(%dma_start3A_91 : memref<128xi32, #tpu.memory_space<vmem>>) semaphore(%arg13 : memref<!tpu.dma_semaphore, #tpu.memory_space<semaphore_mem>>) {add = true}
      %gt3A = arith.constant 0 : i32
      %gt3A_95 = arith.cmpi sgt, %scan3A_79, %gt3A : i32
      %convert_element_type3A = arith.extui %gt3A_95 : i1 to i32
      %cond3A = arith.constant 0 : i32
      %cond3A_96 = arith.cmpi ne, %convert_element_type3A, %cond3A : i32
      scf.if %cond3A_96 {
        %dma_wait3A_124 = arith.constant 0 : i32
        %dma_wait3A_125 = arith.constant 0 : i32
        %dma_wait3A_126 = tpu.memref_slice %arg6[%dma_wait3A_124, %dma_wait3A_125] : memref<10240x128xf32, #tpu.memory_space<vmem_shared>> -> memref<128x128xf32, #tpu.memory_space<vmem_shared>>
        %dma_wait3A_127 = arith.constant 0 : i32
        %dma_wait3A_128 = arith.constant 0 : i32
        %dma_wait3A_129 = tpu.memref_slice %arg6[%dma_wait3A_127, %dma_wait3A_128] : memref<10240x128xf32, #tpu.memory_space<vmem_shared>> -> memref<128x128xf32, #tpu.memory_space<vmem_shared>>
        tpu.wait_dma2 semaphore(%arg14 : memref<!tpu.dma_semaphore, #tpu.memory_space<semaphore_mem>>) src(%arg10 : memref<128x128xf32, #tpu.memory_space<vmem>>) dst(%dma_wait3A_129 : memref<128x128xf32, #tpu.memory_space<vmem_shared>>)
      } else {
      }
      %add3A_97 = arith.constant 1 : i32
      %add3A_98 = arith.addi %mul3A_82, %add3A_97 : i32
      %dma_start3A_99 = arith.constant 0 : i32
      %dma_start3A_100 = tpu.memref_slice %arg7[%add3A_98, %dma_start3A_99] : memref<40x128xi32, #tpu.memory_space<vmem>> -> memref<1x128xi32, #tpu.memory_space<vmem>>
      %dma_start3A_101 = tpu.memref_squeeze %dma_start3A_100 : memref<1x128xi32, #tpu.memory_space<vmem>> -> memref<128xi32, #tpu.memory_space<vmem>>
      %dma_start3A_102 = arith.constant 0 : i32
      %dma_start3A_103 = arith.constant 0 : i32
      %dma_start3A_104 = tpu.memref_slice %arg2[%dma_start3A_102, %dma_start3A_103] : memref<10000x128xf32, #tpu.memory_space<hbm>> -> memref<10000x128xf32, #tpu.memory_space<hbm>>
      tpu.enqueue_indirect_dma source(%dma_start3A_104 : memref<10000x128xf32, #tpu.memory_space<hbm>>) target(%arg10 : memref<128x128xf32, #tpu.memory_space<vmem>>) offsets(%dma_start3A_101 : memref<128xi32, #tpu.memory_space<vmem>>) semaphore(%arg12 : memref<!tpu.dma_semaphore, #tpu.memory_space<semaphore_mem>>)
      %dma_wait3A_105 = arith.constant 0 : i32
      %dma_wait3A_106 = arith.constant 0 : i32
      %dma_wait3A_107 = tpu.memref_slice %arg2[%dma_wait3A_105, %dma_wait3A_106] : memref<10000x128xf32, #tpu.memory_space<hbm>> -> memref<128x128xf32, #tpu.memory_space<hbm>>
      %dma_wait3A_108 = arith.constant 0 : i32
      %dma_wait3A_109 = arith.constant 0 : i32
      %dma_wait3A_110 = tpu.memref_slice %arg2[%dma_wait3A_108, %dma_wait3A_109] : memref<10000x128xf32, #tpu.memory_space<hbm>> -> memref<128x128xf32, #tpu.memory_space<hbm>>
      tpu.wait_dma2 semaphore(%arg12 : memref<!tpu.dma_semaphore, #tpu.memory_space<semaphore_mem>>) src(%dma_wait3A_110 : memref<128x128xf32, #tpu.memory_space<hbm>>) dst(%arg10 : memref<128x128xf32, #tpu.memory_space<vmem>>)
      %add3A_111 = arith.constant 1 : i32
      %add3A_112 = arith.addi %mul3A_82, %add3A_111 : i32
      %dma_start3A_113 = arith.constant 0 : i32
      %dma_start3A_114 = tpu.memref_slice %arg8[%add3A_112, %dma_start3A_113] : memref<40x128xi32, #tpu.memory_space<vmem>> -> memref<1x128xi32, #tpu.memory_space<vmem>>
      %dma_start3A_115 = tpu.memref_squeeze %dma_start3A_114 : memref<1x128xi32, #tpu.memory_space<vmem>> -> memref<128xi32, #tpu.memory_space<vmem>>
      %dma_start3A_116 = arith.constant 0 : i32
      %dma_start3A_117 = arith.constant 0 : i32
      %dma_start3A_118 = tpu.memref_slice %arg6[%dma_start3A_116, %dma_start3A_117] : memref<10240x128xf32, #tpu.memory_space<vmem_shared>> -> memref<10240x128xf32, #tpu.memory_space<vmem_shared>>
      tpu.enqueue_indirect_dma source(%arg10 : memref<128x128xf32, #tpu.memory_space<vmem>>) target(%dma_start3A_118 : memref<10240x128xf32, #tpu.memory_space<vmem_shared>>) offsets(%dma_start3A_115 : memref<128xi32, #tpu.memory_space<vmem>>) semaphore(%arg14 : memref<!tpu.dma_semaphore, #tpu.memory_space<semaphore_mem>>) {add = true}
      %lt3A = arith.constant 19 : i32
      %lt3A_119 = arith.cmpi slt, %scan3A_79, %lt3A : i32
      %convert_element_type3A_120 = arith.extui %lt3A_119 : i1 to i32
      %cond3A_121 = arith.constant 0 : i32
      %cond3A_122 = arith.cmpi ne, %convert_element_type3A_120, %cond3A_121 : i32
      scf.if %cond3A_122 {
        %dma_wait3A_124 = arith.constant 0 : i32
        %dma_wait3A_125 = arith.constant 0 : i32
        %dma_wait3A_126 = tpu.memref_slice %arg6[%dma_wait3A_124, %dma_wait3A_125] : memref<10240x128xf32, #tpu.memory_space<vmem_shared>> -> memref<128x128xf32, #tpu.memory_space<vmem_shared>>
        %dma_wait3A_127 = arith.constant 0 : i32
        %dma_wait3A_128 = arith.constant 0 : i32
        %dma_wait3A_129 = tpu.memref_slice %arg6[%dma_wait3A_127, %dma_wait3A_128] : memref<10240x128xf32, #tpu.memory_space<vmem_shared>> -> memref<128x128xf32, #tpu.memory_space<vmem_shared>>
        tpu.wait_dma2 semaphore(%arg13 : memref<!tpu.dma_semaphore, #tpu.memory_space<semaphore_mem>>) src(%arg9 : memref<128x128xf32, #tpu.memory_space<vmem>>) dst(%dma_wait3A_129 : memref<128x128xf32, #tpu.memory_space<vmem_shared>>)
        %add3A_130 = arith.constant 2 : i32
        %add3A_131 = arith.addi %mul3A_82, %add3A_130 : i32
        %dma_start3A_132 = arith.constant 0 : i32
        %dma_start3A_133 = tpu.memref_slice %arg7[%add3A_131, %dma_start3A_132] : memref<40x128xi32, #tpu.memory_space<vmem>> -> memref<1x128xi32, #tpu.memory_space<vmem>>
        %dma_start3A_134 = tpu.memref_squeeze %dma_start3A_133 : memref<1x128xi32, #tpu.memory_space<vmem>> -> memref<128xi32, #tpu.memory_space<vmem>>
        %dma_start3A_135 = arith.constant 0 : i32
        %dma_start3A_136 = arith.constant 0 : i32
        %dma_start3A_137 = tpu.memref_slice %arg2[%dma_start3A_135, %dma_start3A_136] : memref<10000x128xf32, #tpu.memory_space<hbm>> -> memref<10000x128xf32, #tpu.memory_space<hbm>>
        tpu.enqueue_indirect_dma source(%dma_start3A_137 : memref<10000x128xf32, #tpu.memory_space<hbm>>) target(%arg9 : memref<128x128xf32, #tpu.memory_space<vmem>>) offsets(%dma_start3A_134 : memref<128xi32, #tpu.memory_space<vmem>>) semaphore(%arg11 : memref<!tpu.dma_semaphore, #tpu.memory_space<semaphore_mem>>)
      } else {
      }
      %scan3A_123 = arith.constant 0 : i32
      scf.yield %scan3A_123 : i32
    }
    %scan3A_65 = arith.constant 20 : i32
    %dma_wait3A_66 = arith.constant 0 : i32
    %dma_wait3A_67 = arith.constant 0 : i32
    %dma_wait3A_68 = tpu.memref_slice %arg6[%dma_wait3A_66, %dma_wait3A_67] : memref<10240x128xf32, #tpu.memory_space<vmem_shared>> -> memref<128x128xf32, #tpu.memory_space<vmem_shared>>
    %dma_wait3A_69 = arith.constant 0 : i32
    %dma_wait3A_70 = arith.constant 0 : i32
    %dma_wait3A_71 = tpu.memref_slice %arg6[%dma_wait3A_69, %dma_wait3A_70] : memref<10240x128xf32, #tpu.memory_space<vmem_shared>> -> memref<128x128xf32, #tpu.memory_space<vmem_shared>>
    tpu.wait_dma2 semaphore(%arg13 : memref<!tpu.dma_semaphore, #tpu.memory_space<semaphore_mem>>) src(%arg9 : memref<128x128xf32, #tpu.memory_space<vmem>>) dst(%dma_wait3A_71 : memref<128x128xf32, #tpu.memory_space<vmem_shared>>)
    %dma_wait3A_72 = arith.constant 0 : i32
    %dma_wait3A_73 = arith.constant 0 : i32
    %dma_wait3A_74 = tpu.memref_slice %arg6[%dma_wait3A_72, %dma_wait3A_73] : memref<10240x128xf32, #tpu.memory_space<vmem_shared>> -> memref<128x128xf32, #tpu.memory_space<vmem_shared>>
    %dma_wait3A_75 = arith.constant 0 : i32
    %dma_wait3A_76 = arith.constant 0 : i32
    %dma_wait3A_77 = tpu.memref_slice %arg6[%dma_wait3A_75, %dma_wait3A_76] : memref<10240x128xf32, #tpu.memory_space<vmem_shared>> -> memref<128x128xf32, #tpu.memory_space<vmem_shared>>
    tpu.wait_dma2 semaphore(%arg14 : memref<!tpu.dma_semaphore, #tpu.memory_space<semaphore_mem>>) src(%arg10 : memref<128x128xf32, #tpu.memory_space<vmem>>) dst(%dma_wait3A_77 : memref<128x128xf32, #tpu.memory_space<vmem_shared>>)
    %barrier3A_78 = arith.constant 0 : index
    tpu.barrier barrier_id(%barrier3A_78)
    "tpu.region"() ({
      %run_scoped3A = tpu.sem_alloc : memref<!tpu.dma_semaphore, #tpu.memory_space<semaphore_mem>>
      %dma_start3A_79 = arith.constant 0 : i32
      %dma_start3A_80 = tpu.memref_slice %arg5[%arg0, %min3A_9, %dma_start3A_79] : memref<2x10240x128xf32, #tpu.memory_space<hbm>> -> memref<1x640x128xf32, #tpu.memory_space<hbm>>
      %dma_start3A_81 = tpu.memref_squeeze %dma_start3A_80 : memref<1x640x128xf32, #tpu.memory_space<hbm>> -> memref<640x128xf32, #tpu.memory_space<hbm>>
      %dma_start3A_82 = arith.constant 0 : i32
      %dma_start3A_83 = tpu.memref_slice %arg6[%min3A_9, %dma_start3A_82] : memref<10240x128xf32, #tpu.memory_space<vmem_shared>> -> memref<640x128xf32, #tpu.memory_space<vmem_shared>>
      tpu.enqueue_dma source(%dma_start3A_83 : memref<640x128xf32, #tpu.memory_space<vmem_shared>>) target(%dma_start3A_81 : memref<640x128xf32, #tpu.memory_space<hbm>>) target_semaphore(%run_scoped3A : memref<!tpu.dma_semaphore, #tpu.memory_space<semaphore_mem>>)
      %dma_wait3A_84 = arith.constant 0 : i32
      %dma_wait3A_85 = tpu.memref_slice %arg5[%arg0, %min3A_9, %dma_wait3A_84] : memref<2x10240x128xf32, #tpu.memory_space<hbm>> -> memref<1x640x128xf32, #tpu.memory_space<hbm>>
      %dma_wait3A_86 = tpu.memref_squeeze %dma_wait3A_85 : memref<1x640x128xf32, #tpu.memory_space<hbm>> -> memref<640x128xf32, #tpu.memory_space<hbm>>
      %dma_wait3A_87 = arith.constant 0 : i32
      %dma_wait3A_88 = tpu.memref_slice %arg6[%min3A_9, %dma_wait3A_87] : memref<10240x128xf32, #tpu.memory_space<vmem_shared>> -> memref<640x128xf32, #tpu.memory_space<vmem_shared>>
      tpu.wait_dma2 semaphore(%run_scoped3A : memref<!tpu.dma_semaphore, #tpu.memory_space<semaphore_mem>>) src(%dma_wait3A_88 : memref<640x128xf32, #tpu.memory_space<vmem_shared>>) dst(%dma_wait3A_86 : memref<640x128xf32, #tpu.memory_space<hbm>>)
      tpu.yield
    }) : () -> ()
    return
  }
}

#map = affine_map<(d0, d1) -> (0, 0)>
#map1 = affine_map<(d0, d1) -> (0, 0, 0)>
module attributes {stable_mosaic.version = 14 : i64} {
  func.func @body(%arg0: i32, %arg1: i32, %arg2: memref<10000x128xf32, #tpu.memory_space<hbm>>, %arg3: memref<2560x128xi32, #tpu.memory_space<hbm>>, %arg4: memref<2560x128xi32, #tpu.memory_space<hbm>>, %arg5: memref<2x10240x128xf32, #tpu.memory_space<hbm>>, %arg6: memref<10240x128xf32, #tpu.memory_space<vmem_shared>>, %arg7: memref<40x128xi32, #tpu.memory_space<vmem>>, %arg8: memref<40x128xi32, #tpu.memory_space<vmem>>, %arg9: memref<128x128xf32, #tpu.memory_space<vmem>>, %arg10: memref<128x128xf32, #tpu.memory_space<vmem>>, %arg11: memref<!tpu.dma_semaphore, #tpu.memory_space<semaphore_mem>>, %arg12: memref<!tpu.dma_semaphore, #tpu.memory_space<semaphore_mem>>, %arg13: memref<!tpu.dma_semaphore, #tpu.memory_space<semaphore_mem>>, %arg14: memref<!tpu.dma_semaphore, #tpu.memory_space<semaphore_mem>>) attributes {dimension_semantics = [#tpu.dimension_semantics<core_parallel>, #tpu.dimension_semantics<subcore_parallel>], iteration_bounds = array<i64: 2, 16>, scalar_prefetch = 0 : i64, scratch_operands = 9 : i64, tpu.core_type = #tpu.core_type<sc_vector_subcore>, window_params = [{transform_indices = #map}, {transform_indices = #map}, {transform_indices = #map}, {transform_indices = #map1}]} {
    %mul3A = arith.constant 2 : i32
    %mul3A_0 = arith.muli %arg1, %mul3A : i32
    %add3A = arith.addi %mul3A_0, %arg0 : i32
    %scan3A = arith.constant 0 : i32
    %scan3A_1 = arith.constant 0 : i32
    %scan3A_2 = arith.constant 1024 : i32
    %scan3A_3 = arith.addi %scan3A_1, %scan3A_2 : i32
    %scan3A_4 = arith.constant 1 : i32
    %scan3A_5 = scf.for %scan3A_79 = %scan3A_1 to %scan3A_3 step %scan3A_4 iter_args(%scan3A_80 = %scan3A) -> (i32)  : i32 {
      %jit3A = arith.constant 8 : i32
      %div3A = arith.divsi %scan3A_79, %jit3A : i32
      %sign3A = arith.constant 0 : i32
      %sign3A_81 = arith.cmpi sgt, %scan3A_79, %sign3A : i32
      %sign3A_82 = arith.extui %sign3A_81 : i1 to i32
      %sign3A_83 = arith.constant 0 : i32
      %sign3A_84 = arith.cmpi slt, %scan3A_79, %sign3A_83 : i32
      %sign3A_85 = arith.extui %sign3A_84 : i1 to i32
      %sign3A_86 = arith.subi %sign3A_82, %sign3A_85 : i32
      %sign3A_87 = arith.constant 0 : i32
      %sign3A_88 = arith.cmpi sgt, %jit3A, %sign3A_87 : i32
      %sign3A_89 = arith.extui %sign3A_88 : i1 to i32
      %sign3A_90 = arith.constant 0 : i32
      %sign3A_91 = arith.cmpi slt, %jit3A, %sign3A_90 : i32
      %sign3A_92 = arith.extui %sign3A_91 : i1 to i32
      %sign3A_93 = arith.subi %sign3A_89, %sign3A_92 : i32
      %ne3A = arith.cmpi ne, %sign3A_86, %sign3A_93 : i32
      %rem3A = arith.remsi %scan3A_79, %jit3A : i32
      %ne3A_94 = arith.constant 0 : i32
      %ne3A_95 = arith.cmpi ne, %rem3A, %ne3A_94 : i32
      %and3A = arith.andi %ne3A, %ne3A_95 : i1
      %sub3A = arith.constant 1 : i32
      %sub3A_96 = arith.subi %div3A, %sub3A : i32
      %select_n3A = arith.select %and3A, %sub3A_96, %div3A : i32
      %jit3A_97 = arith.constant 8 : i32
      %eq3A = arith.constant 0 : i32
      %eq3A_98 = arith.cmpi eq, %jit3A_97, %eq3A : i32
      %jit3A_99 = arith.constant 1 : i32
      %select_n3A_100 = arith.select %eq3A_98, %jit3A_99, %jit3A_97 : i32
      %rem3A_101 = arith.remsi %scan3A_79, %select_n3A_100 : i32
      %ne3A_102 = arith.constant 0 : i32
      %ne3A_103 = arith.cmpi ne, %rem3A_101, %ne3A_102 : i32
      %lt3A = arith.constant 0 : i32
      %lt3A_104 = arith.cmpi slt, %rem3A_101, %lt3A : i32
      %lt3A_105 = arith.constant 0 : i32
      %lt3A_106 = arith.cmpi slt, %select_n3A_100, %lt3A_105 : i32
      %ne3A_107 = arith.xori %lt3A_104, %lt3A_106 : i1
      %and3A_108 = arith.andi %ne3A_107, %ne3A_103 : i1
      %add3A_109 = arith.addi %rem3A_101, %select_n3A_100 : i32
      %select_n3A_110 = arith.select %and3A_108, %add3A_109, %rem3A_101 : i32
      %mul3A_111 = arith.constant 16 : i32
      %mul3A_112 = arith.muli %select_n3A_110, %mul3A_111 : i32
      %broadcast_in_dim3A = arith.constant 0.000000e+00 : f32
      %broadcast_in_dim3A_113 = vector.broadcast %broadcast_in_dim3A : f32 to vector<16xf32>
      %swap3A = arith.index_cast %select_n3A : i32 to index
      %swap3A_114 = arith.index_cast %mul3A_112 : i32 to index
      %swap3A_115 = tpu.vector_load %arg9[%swap3A, %swap3A_114] {strides = array<i32>} : memref<128x128xf32, #tpu.memory_space<vmem>>, vector<1x16xf32>,
      %swap3A_116 = vector.shape_cast %swap3A_115 : vector<1x16xf32> to vector<16xf32>
      %swap3A_117 = vector.shape_cast %broadcast_in_dim3A_113 : vector<16xf32> to vector<1x16xf32>
      tpu.vector_store %arg9[%swap3A, %swap3A_114], %swap3A_117 {strides = array<i32>} : memref<128x128xf32, #tpu.memory_space<vmem>>, vector<1x16xf32>,
      %scan3A_118 = arith.constant 0 : i32
      scf.yield %scan3A_118 : i32
    }
    %scan3A_6 = arith.constant 1024 : i32
    %mul3A_7 = arith.constant 640 : i32
    %mul3A_8 = arith.muli %arg1, %mul3A_7 : i32
    %min3A = arith.constant 9600 : i32
    %min3A_9 = arith.minsi %mul3A_8, %min3A : i32
    %add3A_10 = arith.constant 0 : i32
    %add3A_11 = arith.addi %min3A_9, %add3A_10 : i32
    "tpu.region"() ({
      %run_scoped3A = tpu.sem_alloc : memref<!tpu.dma_semaphore, #tpu.memory_space<semaphore_mem>>
      %dma_start3A_79 = arith.constant 0 : i32
      %dma_start3A_80 = arith.constant 0 : i32
      %dma_start3A_81 = tpu.memref_slice %arg9[%dma_start3A_79, %dma_start3A_80] : memref<128x128xf32, #tpu.memory_space<vmem>> -> memref<128x128xf32, #tpu.memory_space<vmem>>
      %dma_start3A_82 = arith.constant 0 : i32
      %dma_start3A_83 = tpu.memref_slice %arg6[%add3A_11, %dma_start3A_82] : memref<10240x128xf32, #tpu.memory_space<vmem_shared>> -> memref<128x128xf32, #tpu.memory_space<vmem_shared>>
      %dma_start3A_84 = arith.constant 0 : i32
      %dma_start3A_85 = tpu.memref_slice %arg6[%add3A_11, %dma_start3A_84] : memref<10240x128xf32, #tpu.memory_space<vmem_shared>> -> memref<128x128xf32, #tpu.memory_space<vmem_shared>>
      %dma_start3A_86 = arith.constant 0 : i32
      %dma_start3A_87 = arith.constant 0 : i32
      %dma_start3A_88 = tpu.memref_slice %arg9[%dma_start3A_86, %dma_start3A_87] : memref<128x128xf32, #tpu.memory_space<vmem>> -> memref<128x128xf32, #tpu.memory_space<vmem>>
      tpu.enqueue_dma source(%dma_start3A_88 : memref<128x128xf32, #tpu.memory_space<vmem>>) target(%dma_start3A_85 : memref<128x128xf32, #tpu.memory_space<vmem_shared>>) target_semaphore(%run_scoped3A : memref<!tpu.dma_semaphore, #tpu.memory_space<semaphore_mem>>)
      %dma_wait3A_89 = arith.constant 0 : i32
      %dma_wait3A_90 = arith.constant 0 : i32
      %dma_wait3A_91 = tpu.memref_slice %arg9[%dma_wait3A_89, %dma_wait3A_90] : memref<128x128xf32, #tpu.memory_space<vmem>> -> memref<128x128xf32, #tpu.memory_space<vmem>>
      %dma_wait3A_92 = arith.constant 0 : i32
      %dma_wait3A_93 = tpu.memref_slice %arg6[%add3A_11, %dma_wait3A_92] : memref<10240x128xf32, #tpu.memory_space<vmem_shared>> -> memref<128x128xf32, #tpu.memory_space<vmem_shared>>
      %dma_wait3A_94 = arith.constant 0 : i32
      %dma_wait3A_95 = tpu.memref_slice %arg6[%add3A_11, %dma_wait3A_94] : memref<10240x128xf32, #tpu.memory_space<vmem_shared>> -> memref<128x128xf32, #tpu.memory_space<vmem_shared>>
      %dma_wait3A_96 = arith.constant 0 : i32
      %dma_wait3A_97 = arith.constant 0 : i32
      %dma_wait3A_98 = tpu.memref_slice %arg9[%dma_wait3A_96, %dma_wait3A_97] : memref<128x128xf32, #tpu.memory_space<vmem>> -> memref<128x128xf32, #tpu.memory_space<vmem>>
      tpu.wait_dma2 semaphore(%run_scoped3A : memref<!tpu.dma_semaphore, #tpu.memory_space<semaphore_mem>>) src(%dma_wait3A_98 : memref<128x128xf32, #tpu.memory_space<vmem>>) dst(%dma_wait3A_95 : memref<128x128xf32, #tpu.memory_space<vmem_shared>>)
      tpu.yield
    }) : () -> ()
    %add3A_12 = arith.constant 128 : i32
    %add3A_13 = arith.addi %min3A_9, %add3A_12 : i32
    "tpu.region"() ({
      %run_scoped3A = tpu.sem_alloc : memref<!tpu.dma_semaphore, #tpu.memory_space<semaphore_mem>>
      %dma_start3A_79 = arith.constant 0 : i32
      %dma_start3A_80 = arith.constant 0 : i32
      %dma_start3A_81 = tpu.memref_slice %arg9[%dma_start3A_79, %dma_start3A_80] : memref<128x128xf32, #tpu.memory_space<vmem>> -> memref<128x128xf32, #tpu.memory_space<vmem>>
      %dma_start3A_82 = arith.constant 0 : i32
      %dma_start3A_83 = tpu.memref_slice %arg6[%add3A_13, %dma_start3A_82] : memref<10240x128xf32, #tpu.memory_space<vmem_shared>> -> memref<128x128xf32, #tpu.memory_space<vmem_shared>>
      %dma_start3A_84 = arith.constant 0 : i32
      %dma_start3A_85 = tpu.memref_slice %arg6[%add3A_13, %dma_start3A_84] : memref<10240x128xf32, #tpu.memory_space<vmem_shared>> -> memref<128x128xf32, #tpu.memory_space<vmem_shared>>
      %dma_start3A_86 = arith.constant 0 : i32
      %dma_start3A_87 = arith.constant 0 : i32
      %dma_start3A_88 = tpu.memref_slice %arg9[%dma_start3A_86, %dma_start3A_87] : memref<128x128xf32, #tpu.memory_space<vmem>> -> memref<128x128xf32, #tpu.memory_space<vmem>>
      tpu.enqueue_dma source(%dma_start3A_88 : memref<128x128xf32, #tpu.memory_space<vmem>>) target(%dma_start3A_85 : memref<128x128xf32, #tpu.memory_space<vmem_shared>>) target_semaphore(%run_scoped3A : memref<!tpu.dma_semaphore, #tpu.memory_space<semaphore_mem>>)
      %dma_wait3A_89 = arith.constant 0 : i32
      %dma_wait3A_90 = arith.constant 0 : i32
      %dma_wait3A_91 = tpu.memref_slice %arg9[%dma_wait3A_89, %dma_wait3A_90] : memref<128x128xf32, #tpu.memory_space<vmem>> -> memref<128x128xf32, #tpu.memory_space<vmem>>
      %dma_wait3A_92 = arith.constant 0 : i32
      %dma_wait3A_93 = tpu.memref_slice %arg6[%add3A_13, %dma_wait3A_92] : memref<10240x128xf32, #tpu.memory_space<vmem_shared>> -> memref<128x128xf32, #tpu.memory_space<vmem_shared>>
      %dma_wait3A_94 = arith.constant 0 : i32
      %dma_wait3A_95 = tpu.memref_slice %arg6[%add3A_13, %dma_wait3A_94] : memref<10240x128xf32, #tpu.memory_space<vmem_shared>> -> memref<128x128xf32, #tpu.memory_space<vmem_shared>>
      %dma_wait3A_96 = arith.constant 0 : i32
      %dma_wait3A_97 = arith.constant 0 : i32
      %dma_wait3A_98 = tpu.memref_slice %arg9[%dma_wait3A_96, %dma_wait3A_97] : memref<128x128xf32, #tpu.memory_space<vmem>> -> memref<128x128xf32, #tpu.memory_space<vmem>>
      tpu.wait_dma2 semaphore(%run_scoped3A : memref<!tpu.dma_semaphore, #tpu.memory_space<semaphore_mem>>) src(%dma_wait3A_98 : memref<128x128xf32, #tpu.memory_space<vmem>>) dst(%dma_wait3A_95 : memref<128x128xf32, #tpu.memory_space<vmem_shared>>)
      tpu.yield
    }) : () -> ()
    %add3A_14 = arith.constant 256 : i32
    %add3A_15 = arith.addi %min3A_9, %add3A_14 : i32
    "tpu.region"() ({
      %run_scoped3A = tpu.sem_alloc : memref<!tpu.dma_semaphore, #tpu.memory_space<semaphore_mem>>
      %dma_start3A_79 = arith.constant 0 : i32
      %dma_start3A_80 = arith.constant 0 : i32
      %dma_start3A_81 = tpu.memref_slice %arg9[%dma_start3A_79, %dma_start3A_80] : memref<128x128xf32, #tpu.memory_space<vmem>> -> memref<128x128xf32, #tpu.memory_space<vmem>>
      %dma_start3A_82 = arith.constant 0 : i32
      %dma_start3A_83 = tpu.memref_slice %arg6[%add3A_15, %dma_start3A_82] : memref<10240x128xf32, #tpu.memory_space<vmem_shared>> -> memref<128x128xf32, #tpu.memory_space<vmem_shared>>
      %dma_start3A_84 = arith.constant 0 : i32
      %dma_start3A_85 = tpu.memref_slice %arg6[%add3A_15, %dma_start3A_84] : memref<10240x128xf32, #tpu.memory_space<vmem_shared>> -> memref<128x128xf32, #tpu.memory_space<vmem_shared>>
      %dma_start3A_86 = arith.constant 0 : i32
      %dma_start3A_87 = arith.constant 0 : i32
      %dma_start3A_88 = tpu.memref_slice %arg9[%dma_start3A_86, %dma_start3A_87] : memref<128x128xf32, #tpu.memory_space<vmem>> -> memref<128x128xf32, #tpu.memory_space<vmem>>
      tpu.enqueue_dma source(%dma_start3A_88 : memref<128x128xf32, #tpu.memory_space<vmem>>) target(%dma_start3A_85 : memref<128x128xf32, #tpu.memory_space<vmem_shared>>) target_semaphore(%run_scoped3A : memref<!tpu.dma_semaphore, #tpu.memory_space<semaphore_mem>>)
      %dma_wait3A_89 = arith.constant 0 : i32
      %dma_wait3A_90 = arith.constant 0 : i32
      %dma_wait3A_91 = tpu.memref_slice %arg9[%dma_wait3A_89, %dma_wait3A_90] : memref<128x128xf32, #tpu.memory_space<vmem>> -> memref<128x128xf32, #tpu.memory_space<vmem>>
      %dma_wait3A_92 = arith.constant 0 : i32
      %dma_wait3A_93 = tpu.memref_slice %arg6[%add3A_15, %dma_wait3A_92] : memref<10240x128xf32, #tpu.memory_space<vmem_shared>> -> memref<128x128xf32, #tpu.memory_space<vmem_shared>>
      %dma_wait3A_94 = arith.constant 0 : i32
      %dma_wait3A_95 = tpu.memref_slice %arg6[%add3A_15, %dma_wait3A_94] : memref<10240x128xf32, #tpu.memory_space<vmem_shared>> -> memref<128x128xf32, #tpu.memory_space<vmem_shared>>
      %dma_wait3A_96 = arith.constant 0 : i32
      %dma_wait3A_97 = arith.constant 0 : i32
      %dma_wait3A_98 = tpu.memref_slice %arg9[%dma_wait3A_96, %dma_wait3A_97] : memref<128x128xf32, #tpu.memory_space<vmem>> -> memref<128x128xf32, #tpu.memory_space<vmem>>
      tpu.wait_dma2 semaphore(%run_scoped3A : memref<!tpu.dma_semaphore, #tpu.memory_space<semaphore_mem>>) src(%dma_wait3A_98 : memref<128x128xf32, #tpu.memory_space<vmem>>) dst(%dma_wait3A_95 : memref<128x128xf32, #tpu.memory_space<vmem_shared>>)
      tpu.yield
    }) : () -> ()
    %add3A_16 = arith.constant 384 : i32
    %add3A_17 = arith.addi %min3A_9, %add3A_16 : i32
    "tpu.region"() ({
      %run_scoped3A = tpu.sem_alloc : memref<!tpu.dma_semaphore, #tpu.memory_space<semaphore_mem>>
      %dma_start3A_79 = arith.constant 0 : i32
      %dma_start3A_80 = arith.constant 0 : i32
      %dma_start3A_81 = tpu.memref_slice %arg9[%dma_start3A_79, %dma_start3A_80] : memref<128x128xf32, #tpu.memory_space<vmem>> -> memref<128x128xf32, #tpu.memory_space<vmem>>
      %dma_start3A_82 = arith.constant 0 : i32
      %dma_start3A_83 = tpu.memref_slice %arg6[%add3A_17, %dma_start3A_82] : memref<10240x128xf32, #tpu.memory_space<vmem_shared>> -> memref<128x128xf32, #tpu.memory_space<vmem_shared>>
      %dma_start3A_84 = arith.constant 0 : i32
      %dma_start3A_85 = tpu.memref_slice %arg6[%add3A_17, %dma_start3A_84] : memref<10240x128xf32, #tpu.memory_space<vmem_shared>> -> memref<128x128xf32, #tpu.memory_space<vmem_shared>>
      %dma_start3A_86 = arith.constant 0 : i32
      %dma_start3A_87 = arith.constant 0 : i32
      %dma_start3A_88 = tpu.memref_slice %arg9[%dma_start3A_86, %dma_start3A_87] : memref<128x128xf32, #tpu.memory_space<vmem>> -> memref<128x128xf32, #tpu.memory_space<vmem>>
      tpu.enqueue_dma source(%dma_start3A_88 : memref<128x128xf32, #tpu.memory_space<vmem>>) target(%dma_start3A_85 : memref<128x128xf32, #tpu.memory_space<vmem_shared>>) target_semaphore(%run_scoped3A : memref<!tpu.dma_semaphore, #tpu.memory_space<semaphore_mem>>)
      %dma_wait3A_89 = arith.constant 0 : i32
      %dma_wait3A_90 = arith.constant 0 : i32
      %dma_wait3A_91 = tpu.memref_slice %arg9[%dma_wait3A_89, %dma_wait3A_90] : memref<128x128xf32, #tpu.memory_space<vmem>> -> memref<128x128xf32, #tpu.memory_space<vmem>>
      %dma_wait3A_92 = arith.constant 0 : i32
      %dma_wait3A_93 = tpu.memref_slice %arg6[%add3A_17, %dma_wait3A_92] : memref<10240x128xf32, #tpu.memory_space<vmem_shared>> -> memref<128x128xf32, #tpu.memory_space<vmem_shared>>
      %dma_wait3A_94 = arith.constant 0 : i32
      %dma_wait3A_95 = tpu.memref_slice %arg6[%add3A_17, %dma_wait3A_94] : memref<10240x128xf32, #tpu.memory_space<vmem_shared>> -> memref<128x128xf32, #tpu.memory_space<vmem_shared>>
      %dma_wait3A_96 = arith.constant 0 : i32
      %dma_wait3A_97 = arith.constant 0 : i32
      %dma_wait3A_98 = tpu.memref_slice %arg9[%dma_wait3A_96, %dma_wait3A_97] : memref<128x128xf32, #tpu.memory_space<vmem>> -> memref<128x128xf32, #tpu.memory_space<vmem>>
      tpu.wait_dma2 semaphore(%run_scoped3A : memref<!tpu.dma_semaphore, #tpu.memory_space<semaphore_mem>>) src(%dma_wait3A_98 : memref<128x128xf32, #tpu.memory_space<vmem>>) dst(%dma_wait3A_95 : memref<128x128xf32, #tpu.memory_space<vmem_shared>>)
      tpu.yield
    }) : () -> ()
    %add3A_18 = arith.constant 512 : i32
    %add3A_19 = arith.addi %min3A_9, %add3A_18 : i32
    "tpu.region"() ({
      %run_scoped3A = tpu.sem_alloc : memref<!tpu.dma_semaphore, #tpu.memory_space<semaphore_mem>>
      %dma_start3A_79 = arith.constant 0 : i32
      %dma_start3A_80 = arith.constant 0 : i32
      %dma_start3A_81 = tpu.memref_slice %arg9[%dma_start3A_79, %dma_start3A_80] : memref<128x128xf32, #tpu.memory_space<vmem>> -> memref<128x128xf32, #tpu.memory_space<vmem>>
      %dma_start3A_82 = arith.constant 0 : i32
      %dma_start3A_83 = tpu.memref_slice %arg6[%add3A_19, %dma_start3A_82] : memref<10240x128xf32, #tpu.memory_space<vmem_shared>> -> memref<128x128xf32, #tpu.memory_space<vmem_shared>>
      %dma_start3A_84 = arith.constant 0 : i32
      %dma_start3A_85 = tpu.memref_slice %arg6[%add3A_19, %dma_start3A_84] : memref<10240x128xf32, #tpu.memory_space<vmem_shared>> -> memref<128x128xf32, #tpu.memory_space<vmem_shared>>
      %dma_start3A_86 = arith.constant 0 : i32
      %dma_start3A_87 = arith.constant 0 : i32
      %dma_start3A_88 = tpu.memref_slice %arg9[%dma_start3A_86, %dma_start3A_87] : memref<128x128xf32, #tpu.memory_space<vmem>> -> memref<128x128xf32, #tpu.memory_space<vmem>>
      tpu.enqueue_dma source(%dma_start3A_88 : memref<128x128xf32, #tpu.memory_space<vmem>>) target(%dma_start3A_85 : memref<128x128xf32, #tpu.memory_space<vmem_shared>>) target_semaphore(%run_scoped3A : memref<!tpu.dma_semaphore, #tpu.memory_space<semaphore_mem>>)
      %dma_wait3A_89 = arith.constant 0 : i32
      %dma_wait3A_90 = arith.constant 0 : i32
      %dma_wait3A_91 = tpu.memref_slice %arg9[%dma_wait3A_89, %dma_wait3A_90] : memref<128x128xf32, #tpu.memory_space<vmem>> -> memref<128x128xf32, #tpu.memory_space<vmem>>
      %dma_wait3A_92 = arith.constant 0 : i32
      %dma_wait3A_93 = tpu.memref_slice %arg6[%add3A_19, %dma_wait3A_92] : memref<10240x128xf32, #tpu.memory_space<vmem_shared>> -> memref<128x128xf32, #tpu.memory_space<vmem_shared>>
      %dma_wait3A_94 = arith.constant 0 : i32
      %dma_wait3A_95 = tpu.memref_slice %arg6[%add3A_19, %dma_wait3A_94] : memref<10240x128xf32, #tpu.memory_space<vmem_shared>> -> memref<128x128xf32, #tpu.memory_space<vmem_shared>>
      %dma_wait3A_96 = arith.constant 0 : i32
      %dma_wait3A_97 = arith.constant 0 : i32
      %dma_wait3A_98 = tpu.memref_slice %arg9[%dma_wait3A_96, %dma_wait3A_97] : memref<128x128xf32, #tpu.memory_space<vmem>> -> memref<128x128xf32, #tpu.memory_space<vmem>>
      tpu.wait_dma2 semaphore(%run_scoped3A : memref<!tpu.dma_semaphore, #tpu.memory_space<semaphore_mem>>) src(%dma_wait3A_98 : memref<128x128xf32, #tpu.memory_space<vmem>>) dst(%dma_wait3A_95 : memref<128x128xf32, #tpu.memory_space<vmem_shared>>)
      tpu.yield
    }) : () -> ()
    %barrier3A = arith.constant 0 : index
    tpu.barrier barrier_id(%barrier3A)
    %mul3A_20 = arith.constant 80 : i32
    %mul3A_21 = arith.muli %add3A, %mul3A_20 : i32
    %add3A_22 = arith.constant 0 : i32
    %add3A_23 = arith.addi %mul3A_21, %add3A_22 : i32
    "tpu.region"() ({
      %run_scoped3A = tpu.sem_alloc : memref<!tpu.dma_semaphore, #tpu.memory_space<semaphore_mem>>
      %dma_start3A_79 = arith.constant 0 : i32
      %dma_start3A_80 = tpu.memref_slice %arg3[%add3A_23, %dma_start3A_79] : memref<2560x128xi32, #tpu.memory_space<hbm>> -> memref<40x128xi32, #tpu.memory_space<hbm>>
      %dma_start3A_81 = arith.constant 0 : i32
      %dma_start3A_82 = tpu.memref_slice %arg3[%add3A_23, %dma_start3A_81] : memref<2560x128xi32, #tpu.memory_space<hbm>> -> memref<40x128xi32, #tpu.memory_space<hbm>>
      tpu.enqueue_dma source(%dma_start3A_82 : memref<40x128xi32, #tpu.memory_space<hbm>>) target(%arg7 : memref<40x128xi32, #tpu.memory_space<vmem>>) target_semaphore(%run_scoped3A : memref<!tpu.dma_semaphore, #tpu.memory_space<semaphore_mem>>)
      %dma_wait3A_83 = arith.constant 0 : i32
      %dma_wait3A_84 = tpu.memref_slice %arg3[%add3A_23, %dma_wait3A_83] : memref<2560x128xi32, #tpu.memory_space<hbm>> -> memref<40x128xi32, #tpu.memory_space<hbm>>
      %dma_wait3A_85 = arith.constant 0 : i32
      %dma_wait3A_86 = tpu.memref_slice %arg3[%add3A_23, %dma_wait3A_85] : memref<2560x128xi32, #tpu.memory_space<hbm>> -> memref<40x128xi32, #tpu.memory_space<hbm>>
      tpu.wait_dma2 semaphore(%run_scoped3A : memref<!tpu.dma_semaphore, #tpu.memory_space<semaphore_mem>>) src(%dma_wait3A_86 : memref<40x128xi32, #tpu.memory_space<hbm>>) dst(%arg7 : memref<40x128xi32, #tpu.memory_space<vmem>>)
      tpu.yield
    }) : () -> ()
    "tpu.region"() ({
      %run_scoped3A = tpu.sem_alloc : memref<!tpu.dma_semaphore, #tpu.memory_space<semaphore_mem>>
      %dma_start3A_79 = arith.constant 0 : i32
      %dma_start3A_80 = tpu.memref_slice %arg4[%add3A_23, %dma_start3A_79] : memref<2560x128xi32, #tpu.memory_space<hbm>> -> memref<40x128xi32, #tpu.memory_space<hbm>>
      %dma_start3A_81 = arith.constant 0 : i32
      %dma_start3A_82 = tpu.memref_slice %arg4[%add3A_23, %dma_start3A_81] : memref<2560x128xi32, #tpu.memory_space<hbm>> -> memref<40x128xi32, #tpu.memory_space<hbm>>
      tpu.enqueue_dma source(%dma_start3A_82 : memref<40x128xi32, #tpu.memory_space<hbm>>) target(%arg8 : memref<40x128xi32, #tpu.memory_space<vmem>>) target_semaphore(%run_scoped3A : memref<!tpu.dma_semaphore, #tpu.memory_space<semaphore_mem>>)
      %dma_wait3A_83 = arith.constant 0 : i32
      %dma_wait3A_84 = tpu.memref_slice %arg4[%add3A_23, %dma_wait3A_83] : memref<2560x128xi32, #tpu.memory_space<hbm>> -> memref<40x128xi32, #tpu.memory_space<hbm>>
      %dma_wait3A_85 = arith.constant 0 : i32
      %dma_wait3A_86 = tpu.memref_slice %arg4[%add3A_23, %dma_wait3A_85] : memref<2560x128xi32, #tpu.memory_space<hbm>> -> memref<40x128xi32, #tpu.memory_space<hbm>>
      tpu.wait_dma2 semaphore(%run_scoped3A : memref<!tpu.dma_semaphore, #tpu.memory_space<semaphore_mem>>) src(%dma_wait3A_86 : memref<40x128xi32, #tpu.memory_space<hbm>>) dst(%arg8 : memref<40x128xi32, #tpu.memory_space<vmem>>)
      tpu.yield
    }) : () -> ()
    %dma_start3A = arith.constant 0 : i32
    %dma_start3A_24 = arith.constant 0 : i32
    %dma_start3A_25 = tpu.memref_slice %arg7[%dma_start3A, %dma_start3A_24] : memref<40x128xi32, #tpu.memory_space<vmem>> -> memref<1x128xi32, #tpu.memory_space<vmem>>
    %dma_start3A_26 = tpu.memref_squeeze %dma_start3A_25 : memref<1x128xi32, #tpu.memory_space<vmem>> -> memref<128xi32, #tpu.memory_space<vmem>>
    %dma_start3A_27 = arith.constant 0 : i32
    %dma_start3A_28 = arith.constant 0 : i32
    %dma_start3A_29 = tpu.memref_slice %arg2[%dma_start3A_27, %dma_start3A_28] : memref<10000x128xf32, #tpu.memory_space<hbm>> -> memref<10000x128xf32, #tpu.memory_space<hbm>>
    tpu.enqueue_indirect_dma source(%dma_start3A_29 : memref<10000x128xf32, #tpu.memory_space<hbm>>) target(%arg9 : memref<128x128xf32, #tpu.memory_space<vmem>>) offsets(%dma_start3A_26 : memref<128xi32, #tpu.memory_space<vmem>>) semaphore(%arg11 : memref<!tpu.dma_semaphore, #tpu.memory_space<semaphore_mem>>)
    %scan3A_30 = arith.constant 0 : i32
    %scan3A_31 = arith.constant 0 : i32
    %scan3A_32 = arith.constant 20 : i32
    %scan3A_33 = arith.addi %scan3A_31, %scan3A_32 : i32
    %scan3A_34 = arith.constant 1 : i32
    %scan3A_35 = scf.for %scan3A_79 = %scan3A_31 to %scan3A_33 step %scan3A_34 iter_args(%scan3A_80 = %scan3A_30) -> (i32)  : i32 {
      %mul3A_81 = arith.constant 2 : i32
      %mul3A_82 = arith.muli %mul3A_81, %scan3A_79 : i32
      %dma_wait3A_83 = arith.constant 0 : i32
      %dma_wait3A_84 = arith.constant 0 : i32
      %dma_wait3A_85 = tpu.memref_slice %arg2[%dma_wait3A_83, %dma_wait3A_84] : memref<10000x128xf32, #tpu.memory_space<hbm>> -> memref<128x128xf32, #tpu.memory_space<hbm>>
      %dma_wait3A_86 = arith.constant 0 : i32
      %dma_wait3A_87 = arith.constant 0 : i32
      %dma_wait3A_88 = tpu.memref_slice %arg2[%dma_wait3A_86, %dma_wait3A_87] : memref<10000x128xf32, #tpu.memory_space<hbm>> -> memref<128x128xf32, #tpu.memory_space<hbm>>
      tpu.wait_dma2 semaphore(%arg11 : memref<!tpu.dma_semaphore, #tpu.memory_space<semaphore_mem>>) src(%dma_wait3A_88 : memref<128x128xf32, #tpu.memory_space<hbm>>) dst(%arg9 : memref<128x128xf32, #tpu.memory_space<vmem>>)
      %dma_start3A_89 = arith.constant 0 : i32
      %dma_start3A_90 = tpu.memref_slice %arg8[%mul3A_82, %dma_start3A_89] : memref<40x128xi32, #tpu.memory_space<vmem>> -> memref<1x128xi32, #tpu.memory_space<vmem>>
      %dma_start3A_91 = tpu.memref_squeeze %dma_start3A_90 : memref<1x128xi32, #tpu.memory_space<vmem>> -> memref<128xi32, #tpu.memory_space<vmem>>
      %dma_start3A_92 = arith.constant 0 : i32
      %dma_start3A_93 = arith.constant 0 : i32
      %dma_start3A_94 = tpu.memref_slice %arg6[%dma_start3A_92, %dma_start3A_93] : memref<10240x128xf32, #tpu.memory_space<vmem_shared>> -> memref<10240x128xf32, #tpu.memory_space<vmem_shared>>
      tpu.enqueue_indirect_dma source(%arg9 : memref<128x128xf32, #tpu.memory_space<vmem>>) target(%dma_start3A_94 : memref<10240x128xf32, #tpu.memory_space<vmem_shared>>) offsets(%dma_start3A_91 : memref<128xi32, #tpu.memory_space<vmem>>) semaphore(%arg13 : memref<!tpu.dma_semaphore, #tpu.memory_space<semaphore_mem>>) {add = true}
      %gt3A = arith.constant 0 : i32
      %gt3A_95 = arith.cmpi sgt, %scan3A_79, %gt3A : i32
      %convert_element_type3A = arith.extui %gt3A_95 : i1 to i32
      %cond3A = arith.constant 0 : i32
      %cond3A_96 = arith.cmpi ne, %convert_element_type3A, %cond3A : i32
      scf.if %cond3A_96 {
        %dma_wait3A_124 = arith.constant 0 : i32
        %dma_wait3A_125 = arith.constant 0 : i32
        %dma_wait3A_126 = tpu.memref_slice %arg6[%dma_wait3A_124, %dma_wait3A_125] : memref<10240x128xf32, #tpu.memory_space<vmem_shared>> -> memref<128x128xf32, #tpu.memory_space<vmem_shared>>
        %dma_wait3A_127 = arith.constant 0 : i32
        %dma_wait3A_128 = arith.constant 0 : i32
        %dma_wait3A_129 = tpu.memref_slice %arg6[%dma_wait3A_127, %dma_wait3A_128] : memref<10240x128xf32, #tpu.memory_space<vmem_shared>> -> memref<128x128xf32, #tpu.memory_space<vmem_shared>>
        tpu.wait_dma2 semaphore(%arg14 : memref<!tpu.dma_semaphore, #tpu.memory_space<semaphore_mem>>) src(%arg10 : memref<128x128xf32, #tpu.memory_space<vmem>>) dst(%dma_wait3A_129 : memref<128x128xf32, #tpu.memory_space<vmem_shared>>)
      } else {
      }
      %add3A_97 = arith.constant 1 : i32
      %add3A_98 = arith.addi %mul3A_82, %add3A_97 : i32
      %dma_start3A_99 = arith.constant 0 : i32
      %dma_start3A_100 = tpu.memref_slice %arg7[%add3A_98, %dma_start3A_99] : memref<40x128xi32, #tpu.memory_space<vmem>> -> memref<1x128xi32, #tpu.memory_space<vmem>>
      %dma_start3A_101 = tpu.memref_squeeze %dma_start3A_100 : memref<1x128xi32, #tpu.memory_space<vmem>> -> memref<128xi32, #tpu.memory_space<vmem>>
      %dma_start3A_102 = arith.constant 0 : i32
      %dma_start3A_103 = arith.constant 0 : i32
      %dma_start3A_104 = tpu.memref_slice %arg2[%dma_start3A_102, %dma_start3A_103] : memref<10000x128xf32, #tpu.memory_space<hbm>> -> memref<10000x128xf32, #tpu.memory_space<hbm>>
      tpu.enqueue_indirect_dma source(%dma_start3A_104 : memref<10000x128xf32, #tpu.memory_space<hbm>>) target(%arg10 : memref<128x128xf32, #tpu.memory_space<vmem>>) offsets(%dma_start3A_101 : memref<128xi32, #tpu.memory_space<vmem>>) semaphore(%arg12 : memref<!tpu.dma_semaphore, #tpu.memory_space<semaphore_mem>>)
      %dma_wait3A_105 = arith.constant 0 : i32
      %dma_wait3A_106 = arith.constant 0 : i32
      %dma_wait3A_107 = tpu.memref_slice %arg2[%dma_wait3A_105, %dma_wait3A_106] : memref<10000x128xf32, #tpu.memory_space<hbm>> -> memref<128x128xf32, #tpu.memory_space<hbm>>
      %dma_wait3A_108 = arith.constant 0 : i32
      %dma_wait3A_109 = arith.constant 0 : i32
      %dma_wait3A_110 = tpu.memref_slice %arg2[%dma_wait3A_108, %dma_wait3A_109] : memref<10000x128xf32, #tpu.memory_space<hbm>> -> memref<128x128xf32, #tpu.memory_space<hbm>>
      tpu.wait_dma2 semaphore(%arg12 : memref<!tpu.dma_semaphore, #tpu.memory_space<semaphore_mem>>) src(%dma_wait3A_110 : memref<128x128xf32, #tpu.memory_space<hbm>>) dst(%arg10 : memref<128x128xf32, #tpu.memory_space<vmem>>)
      %add3A_111 = arith.constant 1 : i32
      %add3A_112 = arith.addi %mul3A_82, %add3A_111 : i32
      %dma_start3A_113 = arith.constant 0 : i32
      %dma_start3A_114 = tpu.memref_slice %arg8[%add3A_112, %dma_start3A_113] : memref<40x128xi32, #tpu.memory_space<vmem>> -> memref<1x128xi32, #tpu.memory_space<vmem>>
      %dma_start3A_115 = tpu.memref_squeeze %dma_start3A_114 : memref<1x128xi32, #tpu.memory_space<vmem>> -> memref<128xi32, #tpu.memory_space<vmem>>
      %dma_start3A_116 = arith.constant 0 : i32
      %dma_start3A_117 = arith.constant 0 : i32
      %dma_start3A_118 = tpu.memref_slice %arg6[%dma_start3A_116, %dma_start3A_117] : memref<10240x128xf32, #tpu.memory_space<vmem_shared>> -> memref<10240x128xf32, #tpu.memory_space<vmem_shared>>
      tpu.enqueue_indirect_dma source(%arg10 : memref<128x128xf32, #tpu.memory_space<vmem>>) target(%dma_start3A_118 : memref<10240x128xf32, #tpu.memory_space<vmem_shared>>) offsets(%dma_start3A_115 : memref<128xi32, #tpu.memory_space<vmem>>) semaphore(%arg14 : memref<!tpu.dma_semaphore, #tpu.memory_space<semaphore_mem>>) {add = true}
      %lt3A = arith.constant 19 : i32
      %lt3A_119 = arith.cmpi slt, %scan3A_79, %lt3A : i32
      %convert_element_type3A_120 = arith.extui %lt3A_119 : i1 to i32
      %cond3A_121 = arith.constant 0 : i32
      %cond3A_122 = arith.cmpi ne, %convert_element_type3A_120, %cond3A_121 : i32
      scf.if %cond3A_122 {
        %dma_wait3A_124 = arith.constant 0 : i32
        %dma_wait3A_125 = arith.constant 0 : i32
        %dma_wait3A_126 = tpu.memref_slice %arg6[%dma_wait3A_124, %dma_wait3A_125] : memref<10240x128xf32, #tpu.memory_space<vmem_shared>> -> memref<128x128xf32, #tpu.memory_space<vmem_shared>>
        %dma_wait3A_127 = arith.constant 0 : i32
        %dma_wait3A_128 = arith.constant 0 : i32
        %dma_wait3A_129 = tpu.memref_slice %arg6[%dma_wait3A_127, %dma_wait3A_128] : memref<10240x128xf32, #tpu.memory_space<vmem_shared>> -> memref<128x128xf32, #tpu.memory_space<vmem_shared>>
        tpu.wait_dma2 semaphore(%arg13 : memref<!tpu.dma_semaphore, #tpu.memory_space<semaphore_mem>>) src(%arg9 : memref<128x128xf32, #tpu.memory_space<vmem>>) dst(%dma_wait3A_129 : memref<128x128xf32, #tpu.memory_space<vmem_shared>>)
        %add3A_130 = arith.constant 2 : i32
        %add3A_131 = arith.addi %mul3A_82, %add3A_130 : i32
        %dma_start3A_132 = arith.constant 0 : i32
        %dma_start3A_133 = tpu.memref_slice %arg7[%add3A_131, %dma_start3A_132] : memref<40x128xi32, #tpu.memory_space<vmem>> -> memref<1x128xi32, #tpu.memory_space<vmem>>
        %dma_start3A_134 = tpu.memref_squeeze %dma_start3A_133 : memref<1x128xi32, #tpu.memory_space<vmem>> -> memref<128xi32, #tpu.memory_space<vmem>>
        %dma_start3A_135 = arith.constant 0 : i32
        %dma_start3A_136 = arith.constant 0 : i32
        %dma_start3A_137 = tpu.memref_slice %arg2[%dma_start3A_135, %dma_start3A_136] : memref<10000x128xf32, #tpu.memory_space<hbm>> -> memref<10000x128xf32, #tpu.memory_space<hbm>>
        tpu.enqueue_indirect_dma source(%dma_start3A_137 : memref<10000x128xf32, #tpu.memory_space<hbm>>) target(%arg9 : memref<128x128xf32, #tpu.memory_space<vmem>>) offsets(%dma_start3A_134 : memref<128xi32, #tpu.memory_space<vmem>>) semaphore(%arg11 : memref<!tpu.dma_semaphore, #tpu.memory_space<semaphore_mem>>)
      } else {
      }
      %scan3A_123 = arith.constant 0 : i32
      scf.yield %scan3A_123 : i32
    }
    %scan3A_36 = arith.constant 20 : i32
    %dma_wait3A = arith.constant 0 : i32
    %dma_wait3A_37 = arith.constant 0 : i32
    %dma_wait3A_38 = tpu.memref_slice %arg6[%dma_wait3A, %dma_wait3A_37] : memref<10240x128xf32, #tpu.memory_space<vmem_shared>> -> memref<128x128xf32, #tpu.memory_space<vmem_shared>>
    %dma_wait3A_39 = arith.constant 0 : i32
    %dma_wait3A_40 = arith.constant 0 : i32
    %dma_wait3A_41 = tpu.memref_slice %arg6[%dma_wait3A_39, %dma_wait3A_40] : memref<10240x128xf32, #tpu.memory_space<vmem_shared>> -> memref<128x128xf32, #tpu.memory_space<vmem_shared>>
    tpu.wait_dma2 semaphore(%arg13 : memref<!tpu.dma_semaphore, #tpu.memory_space<semaphore_mem>>) src(%arg9 : memref<128x128xf32, #tpu.memory_space<vmem>>) dst(%dma_wait3A_41 : memref<128x128xf32, #tpu.memory_space<vmem_shared>>)
    %dma_wait3A_42 = arith.constant 0 : i32
    %dma_wait3A_43 = arith.constant 0 : i32
    %dma_wait3A_44 = tpu.memref_slice %arg6[%dma_wait3A_42, %dma_wait3A_43] : memref<10240x128xf32, #tpu.memory_space<vmem_shared>> -> memref<128x128xf32, #tpu.memory_space<vmem_shared>>
    %dma_wait3A_45 = arith.constant 0 : i32
    %dma_wait3A_46 = arith.constant 0 : i32
    %dma_wait3A_47 = tpu.memref_slice %arg6[%dma_wait3A_45, %dma_wait3A_46] : memref<10240x128xf32, #tpu.memory_space<vmem_shared>> -> memref<128x128xf32, #tpu.memory_space<vmem_shared>>
    tpu.wait_dma2 semaphore(%arg14 : memref<!tpu.dma_semaphore, #tpu.memory_space<semaphore_mem>>) src(%arg10 : memref<128x128xf32, #tpu.memory_space<vmem>>) dst(%dma_wait3A_47 : memref<128x128xf32, #tpu.memory_space<vmem_shared>>)
    %mul3A_48 = arith.constant 80 : i32
    %mul3A_49 = arith.muli %add3A, %mul3A_48 : i32
    %add3A_50 = arith.constant 40 : i32
    %add3A_51 = arith.addi %mul3A_49, %add3A_50 : i32
    "tpu.region"() ({
      %run_scoped3A = tpu.sem_alloc : memref<!tpu.dma_semaphore, #tpu.memory_space<semaphore_mem>>
      %dma_start3A_79 = arith.constant 0 : i32
      %dma_start3A_80 = tpu.memref_slice %arg3[%add3A_51, %dma_start3A_79] : memref<2560x128xi32, #tpu.memory_space<hbm>> -> memref<40x128xi32, #tpu.memory_space<hbm>>
      %dma_start3A_81 = arith.constant 0 : i32
      %dma_start3A_82 = tpu.memref_slice %arg3[%add3A_51, %dma_start3A_81] : memref<2560x128xi32, #tpu.memory_space<hbm>> -> memref<40x128xi32, #tpu.memory_space<hbm>>
      tpu.enqueue_dma source(%dma_start3A_82 : memref<40x128xi32, #tpu.memory_space<hbm>>) target(%arg7 : memref<40x128xi32, #tpu.memory_space<vmem>>) target_semaphore(%run_scoped3A : memref<!tpu.dma_semaphore, #tpu.memory_space<semaphore_mem>>)
      %dma_wait3A_83 = arith.constant 0 : i32
      %dma_wait3A_84 = tpu.memref_slice %arg3[%add3A_51, %dma_wait3A_83] : memref<2560x128xi32, #tpu.memory_space<hbm>> -> memref<40x128xi32, #tpu.memory_space<hbm>>
      %dma_wait3A_85 = arith.constant 0 : i32
      %dma_wait3A_86 = tpu.memref_slice %arg3[%add3A_51, %dma_wait3A_85] : memref<2560x128xi32, #tpu.memory_space<hbm>> -> memref<40x128xi32, #tpu.memory_space<hbm>>
      tpu.wait_dma2 semaphore(%run_scoped3A : memref<!tpu.dma_semaphore, #tpu.memory_space<semaphore_mem>>) src(%dma_wait3A_86 : memref<40x128xi32, #tpu.memory_space<hbm>>) dst(%arg7 : memref<40x128xi32, #tpu.memory_space<vmem>>)
      tpu.yield
    }) : () -> ()
    "tpu.region"() ({
      %run_scoped3A = tpu.sem_alloc : memref<!tpu.dma_semaphore, #tpu.memory_space<semaphore_mem>>
      %dma_start3A_79 = arith.constant 0 : i32
      %dma_start3A_80 = tpu.memref_slice %arg4[%add3A_51, %dma_start3A_79] : memref<2560x128xi32, #tpu.memory_space<hbm>> -> memref<40x128xi32, #tpu.memory_space<hbm>>
      %dma_start3A_81 = arith.constant 0 : i32
      %dma_start3A_82 = tpu.memref_slice %arg4[%add3A_51, %dma_start3A_81] : memref<2560x128xi32, #tpu.memory_space<hbm>> -> memref<40x128xi32, #tpu.memory_space<hbm>>
      tpu.enqueue_dma source(%dma_start3A_82 : memref<40x128xi32, #tpu.memory_space<hbm>>) target(%arg8 : memref<40x128xi32, #tpu.memory_space<vmem>>) target_semaphore(%run_scoped3A : memref<!tpu.dma_semaphore, #tpu.memory_space<semaphore_mem>>)
      %dma_wait3A_83 = arith.constant 0 : i32
      %dma_wait3A_84 = tpu.memref_slice %arg4[%add3A_51, %dma_wait3A_83] : memref<2560x128xi32, #tpu.memory_space<hbm>> -> memref<40x128xi32, #tpu.memory_space<hbm>>
      %dma_wait3A_85 = arith.constant 0 : i32
      %dma_wait3A_86 = tpu.memref_slice %arg4[%add3A_51, %dma_wait3A_85] : memref<2560x128xi32, #tpu.memory_space<hbm>> -> memref<40x128xi32, #tpu.memory_space<hbm>>
      tpu.wait_dma2 semaphore(%run_scoped3A : memref<!tpu.dma_semaphore, #tpu.memory_space<semaphore_mem>>) src(%dma_wait3A_86 : memref<40x128xi32, #tpu.memory_space<hbm>>) dst(%arg8 : memref<40x128xi32, #tpu.memory_space<vmem>>)
      tpu.yield
    }) : () -> ()
    %dma_start3A_52 = arith.constant 0 : i32
    %dma_start3A_53 = arith.constant 0 : i32
    %dma_start3A_54 = tpu.memref_slice %arg7[%dma_start3A_52, %dma_start3A_53] : memref<40x128xi32, #tpu.memory_space<vmem>> -> memref<1x128xi32, #tpu.memory_space<vmem>>
    %dma_start3A_55 = tpu.memref_squeeze %dma_start3A_54 : memref<1x128xi32, #tpu.memory_space<vmem>> -> memref<128xi32, #tpu.memory_space<vmem>>
    %dma_start3A_56 = arith.constant 0 : i32
    %dma_start3A_57 = arith.constant 0 : i32
    %dma_start3A_58 = tpu.memref_slice %arg2[%dma_start3A_56, %dma_start3A_57] : memref<10000x128xf32, #tpu.memory_space<hbm>> -> memref<10000x128xf32, #tpu.memory_space<hbm>>
    tpu.enqueue_indirect_dma source(%dma_start3A_58 : memref<10000x128xf32, #tpu.memory_space<hbm>>) target(%arg9 : memref<128x128xf32, #tpu.memory_space<vmem>>) offsets(%dma_start3A_55 : memref<128xi32, #tpu.memory_space<vmem>>) semaphore(%arg11 : memref<!tpu.dma_semaphore, #tpu.memory_space<semaphore_mem>>)
    %scan3A_59 = arith.constant 0 : i32
    %scan3A_60 = arith.constant 0 : i32
    %scan3A_61 = arith.constant 20 : i32
    %scan3A_62 = arith.addi %scan3A_60, %scan3A_61 : i32
    %scan3A_63 = arith.constant 1 : i32
    %scan3A_64 = scf.for %scan3A_79 = %scan3A_60 to %scan3A_62 step %scan3A_63 iter_args(%scan3A_80 = %scan3A_59) -> (i32)  : i32 {
      %mul3A_81 = arith.constant 2 : i32
      %mul3A_82 = arith.muli %mul3A_81, %scan3A_79 : i32
      %dma_wait3A_83 = arith.constant 0 : i32
      %dma_wait3A_84 = arith.constant 0 : i32
      %dma_wait3A_85 = tpu.memref_slice %arg2[%dma_wait3A_83, %dma_wait3A_84] : memref<10000x128xf32, #tpu.memory_space<hbm>> -> memref<128x128xf32, #tpu.memory_space<hbm>>
      %dma_wait3A_86 = arith.constant 0 : i32
      %dma_wait3A_87 = arith.constant 0 : i32
      %dma_wait3A_88 = tpu.memref_slice %arg2[%dma_wait3A_86, %dma_wait3A_87] : memref<10000x128xf32, #tpu.memory_space<hbm>> -> memref<128x128xf32, #tpu.memory_space<hbm>>
      tpu.wait_dma2 semaphore(%arg11 : memref<!tpu.dma_semaphore, #tpu.memory_space<semaphore_mem>>) src(%dma_wait3A_88 : memref<128x128xf32, #tpu.memory_space<hbm>>) dst(%arg9 : memref<128x128xf32, #tpu.memory_space<vmem>>)
      %dma_start3A_89 = arith.constant 0 : i32
      %dma_start3A_90 = tpu.memref_slice %arg8[%mul3A_82, %dma_start3A_89] : memref<40x128xi32, #tpu.memory_space<vmem>> -> memref<1x128xi32, #tpu.memory_space<vmem>>
      %dma_start3A_91 = tpu.memref_squeeze %dma_start3A_90 : memref<1x128xi32, #tpu.memory_space<vmem>> -> memref<128xi32, #tpu.memory_space<vmem>>
      %dma_start3A_92 = arith.constant 0 : i32
      %dma_start3A_93 = arith.constant 0 : i32
      %dma_start3A_94 = tpu.memref_slice %arg6[%dma_start3A_92, %dma_start3A_93] : memref<10240x128xf32, #tpu.memory_space<vmem_shared>> -> memref<10240x128xf32, #tpu.memory_space<vmem_shared>>
      tpu.enqueue_indirect_dma source(%arg9 : memref<128x128xf32, #tpu.memory_space<vmem>>) target(%dma_start3A_94 : memref<10240x128xf32, #tpu.memory_space<vmem_shared>>) offsets(%dma_start3A_91 : memref<128xi32, #tpu.memory_space<vmem>>) semaphore(%arg13 : memref<!tpu.dma_semaphore, #tpu.memory_space<semaphore_mem>>) {add = true}
      %gt3A = arith.constant 0 : i32
      %gt3A_95 = arith.cmpi sgt, %scan3A_79, %gt3A : i32
      %convert_element_type3A = arith.extui %gt3A_95 : i1 to i32
      %cond3A = arith.constant 0 : i32
      %cond3A_96 = arith.cmpi ne, %convert_element_type3A, %cond3A : i32
      scf.if %cond3A_96 {
        %dma_wait3A_124 = arith.constant 0 : i32
        %dma_wait3A_125 = arith.constant 0 : i32
        %dma_wait3A_126 = tpu.memref_slice %arg6[%dma_wait3A_124, %dma_wait3A_125] : memref<10240x128xf32, #tpu.memory_space<vmem_shared>> -> memref<128x128xf32, #tpu.memory_space<vmem_shared>>
        %dma_wait3A_127 = arith.constant 0 : i32
        %dma_wait3A_128 = arith.constant 0 : i32
        %dma_wait3A_129 = tpu.memref_slice %arg6[%dma_wait3A_127, %dma_wait3A_128] : memref<10240x128xf32, #tpu.memory_space<vmem_shared>> -> memref<128x128xf32, #tpu.memory_space<vmem_shared>>
        tpu.wait_dma2 semaphore(%arg14 : memref<!tpu.dma_semaphore, #tpu.memory_space<semaphore_mem>>) src(%arg10 : memref<128x128xf32, #tpu.memory_space<vmem>>) dst(%dma_wait3A_129 : memref<128x128xf32, #tpu.memory_space<vmem_shared>>)
      } else {
      }
      %add3A_97 = arith.constant 1 : i32
      %add3A_98 = arith.addi %mul3A_82, %add3A_97 : i32
      %dma_start3A_99 = arith.constant 0 : i32
      %dma_start3A_100 = tpu.memref_slice %arg7[%add3A_98, %dma_start3A_99] : memref<40x128xi32, #tpu.memory_space<vmem>> -> memref<1x128xi32, #tpu.memory_space<vmem>>
      %dma_start3A_101 = tpu.memref_squeeze %dma_start3A_100 : memref<1x128xi32, #tpu.memory_space<vmem>> -> memref<128xi32, #tpu.memory_space<vmem>>
      %dma_start3A_102 = arith.constant 0 : i32
      %dma_start3A_103 = arith.constant 0 : i32
      %dma_start3A_104 = tpu.memref_slice %arg2[%dma_start3A_102, %dma_start3A_103] : memref<10000x128xf32, #tpu.memory_space<hbm>> -> memref<10000x128xf32, #tpu.memory_space<hbm>>
      tpu.enqueue_indirect_dma source(%dma_start3A_104 : memref<10000x128xf32, #tpu.memory_space<hbm>>) target(%arg10 : memref<128x128xf32, #tpu.memory_space<vmem>>) offsets(%dma_start3A_101 : memref<128xi32, #tpu.memory_space<vmem>>) semaphore(%arg12 : memref<!tpu.dma_semaphore, #tpu.memory_space<semaphore_mem>>)
      %dma_wait3A_105 = arith.constant 0 : i32
      %dma_wait3A_106 = arith.constant 0 : i32
      %dma_wait3A_107 = tpu.memref_slice %arg2[%dma_wait3A_105, %dma_wait3A_106] : memref<10000x128xf32, #tpu.memory_space<hbm>> -> memref<128x128xf32, #tpu.memory_space<hbm>>
      %dma_wait3A_108 = arith.constant 0 : i32
      %dma_wait3A_109 = arith.constant 0 : i32
      %dma_wait3A_110 = tpu.memref_slice %arg2[%dma_wait3A_108, %dma_wait3A_109] : memref<10000x128xf32, #tpu.memory_space<hbm>> -> memref<128x128xf32, #tpu.memory_space<hbm>>
      tpu.wait_dma2 semaphore(%arg12 : memref<!tpu.dma_semaphore, #tpu.memory_space<semaphore_mem>>) src(%dma_wait3A_110 : memref<128x128xf32, #tpu.memory_space<hbm>>) dst(%arg10 : memref<128x128xf32, #tpu.memory_space<vmem>>)
      %add3A_111 = arith.constant 1 : i32
      %add3A_112 = arith.addi %mul3A_82, %add3A_111 : i32
      %dma_start3A_113 = arith.constant 0 : i32
      %dma_start3A_114 = tpu.memref_slice %arg8[%add3A_112, %dma_start3A_113] : memref<40x128xi32, #tpu.memory_space<vmem>> -> memref<1x128xi32, #tpu.memory_space<vmem>>
      %dma_start3A_115 = tpu.memref_squeeze %dma_start3A_114 : memref<1x128xi32, #tpu.memory_space<vmem>> -> memref<128xi32, #tpu.memory_space<vmem>>
      %dma_start3A_116 = arith.constant 0 : i32
      %dma_start3A_117 = arith.constant 0 : i32
      %dma_start3A_118 = tpu.memref_slice %arg6[%dma_start3A_116, %dma_start3A_117] : memref<10240x128xf32, #tpu.memory_space<vmem_shared>> -> memref<10240x128xf32, #tpu.memory_space<vmem_shared>>
      tpu.enqueue_indirect_dma source(%arg10 : memref<128x128xf32, #tpu.memory_space<vmem>>) target(%dma_start3A_118 : memref<10240x128xf32, #tpu.memory_space<vmem_shared>>) offsets(%dma_start3A_115 : memref<128xi32, #tpu.memory_space<vmem>>) semaphore(%arg14 : memref<!tpu.dma_semaphore, #tpu.memory_space<semaphore_mem>>) {add = true}
      %lt3A = arith.constant 19 : i32
      %lt3A_119 = arith.cmpi slt, %scan3A_79, %lt3A : i32
      %convert_element_type3A_120 = arith.extui %lt3A_119 : i1 to i32
      %cond3A_121 = arith.constant 0 : i32
      %cond3A_122 = arith.cmpi ne, %convert_element_type3A_120, %cond3A_121 : i32
      scf.if %cond3A_122 {
        %dma_wait3A_124 = arith.constant 0 : i32
        %dma_wait3A_125 = arith.constant 0 : i32
        %dma_wait3A_126 = tpu.memref_slice %arg6[%dma_wait3A_124, %dma_wait3A_125] : memref<10240x128xf32, #tpu.memory_space<vmem_shared>> -> memref<128x128xf32, #tpu.memory_space<vmem_shared>>
        %dma_wait3A_127 = arith.constant 0 : i32
        %dma_wait3A_128 = arith.constant 0 : i32
        %dma_wait3A_129 = tpu.memref_slice %arg6[%dma_wait3A_127, %dma_wait3A_128] : memref<10240x128xf32, #tpu.memory_space<vmem_shared>> -> memref<128x128xf32, #tpu.memory_space<vmem_shared>>
        tpu.wait_dma2 semaphore(%arg13 : memref<!tpu.dma_semaphore, #tpu.memory_space<semaphore_mem>>) src(%arg9 : memref<128x128xf32, #tpu.memory_space<vmem>>) dst(%dma_wait3A_129 : memref<128x128xf32, #tpu.memory_space<vmem_shared>>)
        %add3A_130 = arith.constant 2 : i32
        %add3A_131 = arith.addi %mul3A_82, %add3A_130 : i32
        %dma_start3A_132 = arith.constant 0 : i32
        %dma_start3A_133 = tpu.memref_slice %arg7[%add3A_131, %dma_start3A_132] : memref<40x128xi32, #tpu.memory_space<vmem>> -> memref<1x128xi32, #tpu.memory_space<vmem>>
        %dma_start3A_134 = tpu.memref_squeeze %dma_start3A_133 : memref<1x128xi32, #tpu.memory_space<vmem>> -> memref<128xi32, #tpu.memory_space<vmem>>
        %dma_start3A_135 = arith.constant 0 : i32
        %dma_start3A_136 = arith.constant 0 : i32
        %dma_start3A_137 = tpu.memref_slice %arg2[%dma_start3A_135, %dma_start3A_136] : memref<10000x128xf32, #tpu.memory_space<hbm>> -> memref<10000x128xf32, #tpu.memory_space<hbm>>
        tpu.enqueue_indirect_dma source(%dma_start3A_137 : memref<10000x128xf32, #tpu.memory_space<hbm>>) target(%arg9 : memref<128x128xf32, #tpu.memory_space<vmem>>) offsets(%dma_start3A_134 : memref<128xi32, #tpu.memory_space<vmem>>) semaphore(%arg11 : memref<!tpu.dma_semaphore, #tpu.memory_space<semaphore_mem>>)
      } else {
      }
      %scan3A_123 = arith.constant 0 : i32
      scf.yield %scan3A_123 : i32
    }
    %scan3A_65 = arith.constant 20 : i32
    %dma_wait3A_66 = arith.constant 0 : i32
    %dma_wait3A_67 = arith.constant 0 : i32
    %dma_wait3A_68 = tpu.memref_slice %arg6[%dma_wait3A_66, %dma_wait3A_67] : memref<10240x128xf32, #tpu.memory_space<vmem_shared>> -> memref<128x128xf32, #tpu.memory_space<vmem_shared>>
    %dma_wait3A_69 = arith.constant 0 : i32
    %dma_wait3A_70 = arith.constant 0 : i32
    %dma_wait3A_71 = tpu.memref_slice %arg6[%dma_wait3A_69, %dma_wait3A_70] : memref<10240x128xf32, #tpu.memory_space<vmem_shared>> -> memref<128x128xf32, #tpu.memory_space<vmem_shared>>
    tpu.wait_dma2 semaphore(%arg13 : memref<!tpu.dma_semaphore, #tpu.memory_space<semaphore_mem>>) src(%arg9 : memref<128x128xf32, #tpu.memory_space<vmem>>) dst(%dma_wait3A_71 : memref<128x128xf32, #tpu.memory_space<vmem_shared>>)
    %dma_wait3A_72 = arith.constant 0 : i32
    %dma_wait3A_73 = arith.constant 0 : i32
    %dma_wait3A_74 = tpu.memref_slice %arg6[%dma_wait3A_72, %dma_wait3A_73] : memref<10240x128xf32, #tpu.memory_space<vmem_shared>> -> memref<128x128xf32, #tpu.memory_space<vmem_shared>>
    %dma_wait3A_75 = arith.constant 0 : i32
    %dma_wait3A_76 = arith.constant 0 : i32
    %dma_wait3A_77 = tpu.memref_slice %arg6[%dma_wait3A_75, %dma_wait3A_76] : memref<10240x128xf32, #tpu.memory_space<vmem_shared>> -> memref<128x128xf32, #tpu.memory_space<vmem_shared>>
    tpu.wait_dma2 semaphore(%arg14 : memref<!tpu.dma_semaphore, #tpu.memory_space<semaphore_mem>>) src(%arg10 : memref<128x128xf32, #tpu.memory_space<vmem>>) dst(%dma_wait3A_77 : memref<128x128xf32, #tpu.memory_space<vmem_shared>>)
    %barrier3A_78 = arith.constant 0 : index
    tpu.barrier barrier_id(%barrier3A_78)
    "tpu.region"() ({
      %run_scoped3A = tpu.sem_alloc : memref<!tpu.dma_semaphore, #tpu.memory_space<semaphore_mem>>
      %dma_start3A_79 = arith.constant 0 : i32
      %dma_start3A_80 = tpu.memref_slice %arg5[%arg0, %min3A_9, %dma_start3A_79] : memref<2x10240x128xf32, #tpu.memory_space<hbm>> -> memref<1x640x128xf32, #tpu.memory_space<hbm>>
      %dma_start3A_81 = tpu.memref_squeeze %dma_start3A_80 : memref<1x640x128xf32, #tpu.memory_space<hbm>> -> memref<640x128xf32, #tpu.memory_space<hbm>>
      %dma_start3A_82 = arith.constant 0 : i32
      %dma_start3A_83 = tpu.memref_slice %arg6[%min3A_9, %dma_start3A_82] : memref<10240x128xf32, #tpu.memory_space<vmem_shared>> -> memref<640x128xf32, #tpu.memory_space<vmem_shared>>
      tpu.enqueue_dma source(%dma_start3A_83 : memref<640x128xf32, #tpu.memory_space<vmem_shared>>) target(%dma_start3A_81 : memref<640x128xf32, #tpu.memory_space<hbm>>) target_semaphore(%run_scoped3A : memref<!tpu.dma_semaphore, #tpu.memory_space<semaphore_mem>>)
      %dma_wait3A_84 = arith.constant 0 : i32
      %dma_wait3A_85 = tpu.memref_slice %arg5[%arg0, %min3A_9, %dma_wait3A_84] : memref<2x10240x128xf32, #tpu.memory_space<hbm>> -> memref<1x640x128xf32, #tpu.memory_space<hbm>>
      %dma_wait3A_86 = tpu.memref_squeeze %dma_wait3A_85 : memref<1x640x128xf32, #tpu.memory_space<hbm>> -> memref<640x128xf32, #tpu.memory_space<hbm>>
      %dma_wait3A_87 = arith.constant 0 : i32
      %dma_wait3A_88 = tpu.memref_slice %arg6[%min3A_9, %dma_wait3A_87] : memref<10240x128xf32, #tpu.memory_space<vmem_shared>> -> memref<640x128xf32, #tpu.memory_space<vmem_shared>>
      tpu.wait_dma2 semaphore(%run_scoped3A : memref<!tpu.dma_semaphore, #tpu.memory_space<semaphore_mem>>) src(%dma_wait3A_88 : memref<640x128xf32, #tpu.memory_space<vmem_shared>>) dst(%dma_wait3A_86 : memref<640x128xf32, #tpu.memory_space<hbm>>)
      tpu.yield
    }) : () -> ()
    return
  }
}

module attributes {stable_mosaic.version = 14 : i64} {
  func.func @body(%arg0: i32, %arg1: memref<1000x128xf32, #tpu.memory_space<vmem>>, %arg2: memref<128x128xf32, #tpu.memory_space<vmem>>, %arg3: memref<128x128xf32, #tpu.memory_space<vmem>>, %arg4: memref<1x128xf32, #tpu.memory_space<vmem>>, %arg5: memref<1000x128xf32, #tpu.memory_space<vmem>>, %arg6: memref<1000x128xf32, #tpu.memory_space<vmem>>) attributes {dimension_semantics = [#tpu.dimension_semantics<arbitrary>], iteration_bounds = array<i64: 10>, scalar_prefetch = 0 : i64, scratch_operands = 0 : i64, tpu.core_type = #tpu.core_type<tc>, window_params = [{transform_indices = @transform_0, window_bounds = array<i64: 1000, 128>}, {pipeline_mode = #tpu.pipeline_mode<synchronous>, transform_indices = @transform_1, window_bounds = array<i64: 128, 128>}, {pipeline_mode = #tpu.pipeline_mode<synchronous>, transform_indices = @transform_2, window_bounds = array<i64: 128, 128>}, {pipeline_mode = #tpu.pipeline_mode<synchronous>, transform_indices = @transform_3, window_bounds = array<i64: 1, 128>}, {transform_indices = @transform_4, window_bounds = array<i64: 1000, 128>}, {transform_indices = @transform_5, window_bounds = array<i64: 1000, 128>}]} {
    %get3A = arith.constant 0 : index
    %get3A_0 = arith.constant 0 : index
    %get3A_1 = vector.load %arg1[%get3A, %get3A_0] : memref<1000x128xf32, #tpu.memory_space<vmem>>, vector<1000x128xf32>
    %get3A_2 = arith.constant 0 : index
    %get3A_3 = arith.constant 0 : index
    %get3A_4 = vector.load %arg2[%get3A_2, %get3A_3] : memref<128x128xf32, #tpu.memory_space<vmem>>, vector<128x128xf32>
    %dot_general3A = arith.constant dense<0.000000e+00> : vector<1000x128xf32>
    %dot_general3A_5 = tpu.matmul %get3A_1, %get3A_4, %dot_general3A {dimension_numbers = #tpu.dot_dimension_numbers<[1], [0], [0], [1], [0, 0, 1, 1], [], []>, transpose_lhs_hint = false} : vector<1000x128xf32>, vector<128x128xf32>, vector<1000x128xf32> -> vector<1000x128xf32>
    %get3A_6 = arith.constant 0 : index
    %get3A_7 = arith.constant 0 : index
    %get3A_8 = vector.load %arg4[%get3A_6, %get3A_7] : memref<1x128xf32, #tpu.memory_space<vmem>>, vector<1x128xf32>
    %add3A = vector.broadcast %get3A_8 : vector<1x128xf32> to vector<1000x128xf32>
    %add3A_9 = arith.addf %dot_general3A_5, %add3A : vector<1000x128xf32>
    %swap3A = arith.constant 0 : index
    %swap3A_10 = arith.constant 0 : index
    %swap3A_11 = vector.load %arg5[%swap3A, %swap3A_10] : memref<1000x128xf32, #tpu.memory_space<vmem>>, vector<1000x128xf32>
    tpu.vector_store %arg5[%swap3A, %swap3A_10], %add3A_9 {strides = array<i32>} : memref<1000x128xf32, #tpu.memory_space<vmem>>, vector<1000x128xf32>,
    %get3A_12 = arith.constant 0 : index
    %get3A_13 = arith.constant 0 : index
    %get3A_14 = vector.load %arg3[%get3A_12, %get3A_13] : memref<128x128xf32, #tpu.memory_space<vmem>>, vector<128x128xf32>
    %dot_general3A_15 = arith.constant dense<0.000000e+00> : vector<1000x128xf32>
    %dot_general3A_16 = tpu.matmul %get3A_1, %get3A_14, %dot_general3A_15 {dimension_numbers = #tpu.dot_dimension_numbers<[1], [0], [0], [1], [0, 0, 1, 1], [], []>, transpose_lhs_hint = false} : vector<1000x128xf32>, vector<128x128xf32>, vector<1000x128xf32> -> vector<1000x128xf32>
    %swap3A_17 = arith.constant 0 : index
    %swap3A_18 = arith.constant 0 : index
    %swap3A_19 = vector.load %arg6[%swap3A_17, %swap3A_18] : memref<1000x128xf32, #tpu.memory_space<vmem>>, vector<1000x128xf32>
    tpu.vector_store %arg6[%swap3A_17, %swap3A_18], %dot_general3A_16 {strides = array<i32>} : memref<1000x128xf32, #tpu.memory_space<vmem>>, vector<1000x128xf32>,
    return
  }
  func.func @transform_0(%arg0: i32) -> (i32, i32) {
    %c0_i32 = arith.constant 0 : i32
    %c0_i32_0 = arith.constant 0 : i32
    return %arg0, %c0_i32 : i32, i32
  }
  func.func @transform_1(%arg0: i32) -> (i32, i32) {
    %c0_i32 = arith.constant 0 : i32
    %c0_i32_0 = arith.constant 0 : i32
    %c0_i32_1 = arith.constant 0 : i32
    return %c0_i32, %c0_i32_0 : i32, i32
  }
  func.func @transform_2(%arg0: i32) -> (i32, i32) {
    %c0_i32 = arith.constant 0 : i32
    %c0_i32_0 = arith.constant 0 : i32
    %c0_i32_1 = arith.constant 0 : i32
    return %c0_i32, %c0_i32_0 : i32, i32
  }
  func.func @transform_3(%arg0: i32) -> (i32, i32) {
    %c0_i32 = arith.constant 0 : i32
    %c0_i32_0 = arith.constant 0 : i32
    %c0_i32_1 = arith.constant 0 : i32
    return %c0_i32, %c0_i32_0 : i32, i32
  }
  func.func @transform_4(%arg0: i32) -> (i32, i32) {
    %c0_i32 = arith.constant 0 : i32
    %c0_i32_0 = arith.constant 0 : i32
    return %arg0, %c0_i32 : i32, i32
  }
  func.func @transform_5(%arg0: i32) -> (i32, i32) {
    %c0_i32 = arith.constant 0 : i32
    %c0_i32_0 = arith.constant 0 : i32
    return %arg0, %c0_i32 : i32, i32
  }
}

module attributes {stable_mosaic.version = 14 : i64} {
  func.func @body(%arg0: i32, %arg1: memref<1000x128xf32, #tpu.memory_space<vmem>>, %arg2: memref<2x1000x128xf32, #tpu.memory_space<vmem>>, %arg3: memref<2x1000x128xf32, #tpu.memory_space<vmem>>, %arg4: memref<128x128xf32, #tpu.memory_space<vmem>>, %arg5: memref<128x128xf32, #tpu.memory_space<vmem>>, %arg6: memref<1x128xf32, #tpu.memory_space<vmem>>, %arg7: memref<1000x128xf32, #tpu.memory_space<vmem>>, %arg8: memref<1000x128xf32, #tpu.memory_space<vmem>>) attributes {dimension_semantics = [#tpu.dimension_semantics<arbitrary>], iteration_bounds = array<i64: 10>, scalar_prefetch = 0 : i64, scratch_operands = 0 : i64, tpu.core_type = #tpu.core_type<tc>, window_params = [{transform_indices = @transform_0, window_bounds = array<i64: 1000, 128>}, {transform_indices = @transform_1, window_bounds = array<i64: 2, 1000, 128>}, {transform_indices = @transform_2, window_bounds = array<i64: 2, 1000, 128>}, {pipeline_mode = #tpu.pipeline_mode<synchronous>, transform_indices = @transform_3, window_bounds = array<i64: 128, 128>}, {pipeline_mode = #tpu.pipeline_mode<synchronous>, transform_indices = @transform_4, window_bounds = array<i64: 128, 128>}, {pipeline_mode = #tpu.pipeline_mode<synchronous>, transform_indices = @transform_5, window_bounds = array<i64: 1, 128>}, {transform_indices = @transform_6, window_bounds = array<i64: 1000, 128>}, {transform_indices = @transform_7, window_bounds = array<i64: 1000, 128>}]} {
    %get3A = arith.constant 0 : index
    %get3A_0 = arith.constant 0 : index
    %get3A_1 = arith.constant 0 : index
    %get3A_2 = vector.load %arg2[%get3A, %get3A_0, %get3A_1] : memref<2x1000x128xf32, #tpu.memory_space<vmem>>, vector<1x1000x128xf32>
    %get3A_3 = vector.shape_cast %get3A_2 : vector<1x1000x128xf32> to vector<1000x128xf32>
    %get3A_4 = arith.constant 1 : index
    %get3A_5 = arith.constant 0 : index
    %get3A_6 = arith.constant 0 : index
    %get3A_7 = vector.load %arg2[%get3A_4, %get3A_5, %get3A_6] : memref<2x1000x128xf32, #tpu.memory_space<vmem>>, vector<1x1000x128xf32>
    %get3A_8 = vector.shape_cast %get3A_7 : vector<1x1000x128xf32> to vector<1000x128xf32>
    %add3A = arith.addf %get3A_3, %get3A_8 : vector<1000x128xf32>
    %get3A_9 = arith.constant 0 : index
    %get3A_10 = arith.constant 0 : index
    %get3A_11 = arith.constant 0 : index
    %get3A_12 = vector.load %arg3[%get3A_9, %get3A_10, %get3A_11] : memref<2x1000x128xf32, #tpu.memory_space<vmem>>, vector<1x1000x1xf32>
    %get3A_13 = vector.shape_cast %get3A_12 : vector<1x1000x1xf32> to vector<1000x1xf32>
    %get3A_14 = arith.constant 1 : index
    %get3A_15 = arith.constant 0 : index
    %get3A_16 = arith.constant 0 : index
    %get3A_17 = vector.load %arg3[%get3A_14, %get3A_15, %get3A_16] : memref<2x1000x128xf32, #tpu.memory_space<vmem>>, vector<1x1000x1xf32>
    %get3A_18 = vector.shape_cast %get3A_17 : vector<1x1000x1xf32> to vector<1000x1xf32>
    %add3A_19 = arith.addf %get3A_13, %get3A_18 : vector<1000x1xf32>
    %max3A = arith.constant 1.000000e+00 : f32
    %max3A_20 = vector.broadcast %max3A : f32 to vector<1000x1xf32>
    %max3A_21 = arith.maximumf %add3A_19, %max3A_20 : vector<1000x1xf32>
    %div3A = arith.constant 1.000000e+00 : f32
    %div3A_22 = vector.broadcast %div3A : f32 to vector<1000x1xf32>
    %div3A_23 = arith.divf %div3A_22, %max3A_21 : vector<1000x1xf32>
    %get3A_24 = arith.constant 0 : index
    %get3A_25 = arith.constant 0 : index
    %get3A_26 = vector.load %arg1[%get3A_24, %get3A_25] : memref<1000x128xf32, #tpu.memory_space<vmem>>, vector<1000x128xf32>
    %mul3A = vector.broadcast %div3A_23 : vector<1000x1xf32> to vector<1000x128xf32>
    %mul3A_27 = arith.mulf %add3A, %mul3A : vector<1000x128xf32>
    %add3A_28 = arith.addf %get3A_26, %mul3A_27 : vector<1000x128xf32>
    %max3A_29 = arith.constant 0.000000e+00 : f32
    %max3A_30 = vector.broadcast %max3A_29 : f32 to vector<1000x128xf32>
    %max3A_31 = arith.maximumf %add3A_28, %max3A_30 : vector<1000x128xf32>
    %get3A_32 = arith.constant 0 : index
    %get3A_33 = arith.constant 0 : index
    %get3A_34 = vector.load %arg4[%get3A_32, %get3A_33] : memref<128x128xf32, #tpu.memory_space<vmem>>, vector<128x128xf32>
    %dot_general3A = arith.constant dense<0.000000e+00> : vector<1000x128xf32>
    %dot_general3A_35 = tpu.matmul %max3A_31, %get3A_34, %dot_general3A {dimension_numbers = #tpu.dot_dimension_numbers<[1], [0], [0], [1], [0, 0, 1, 1], [], []>, transpose_lhs_hint = false} : vector<1000x128xf32>, vector<128x128xf32>, vector<1000x128xf32> -> vector<1000x128xf32>
    %get3A_36 = arith.constant 0 : index
    %get3A_37 = arith.constant 0 : index
    %get3A_38 = vector.load %arg6[%get3A_36, %get3A_37] : memref<1x128xf32, #tpu.memory_space<vmem>>, vector<1x128xf32>
    %add3A_39 = vector.broadcast %get3A_38 : vector<1x128xf32> to vector<1000x128xf32>
    %add3A_40 = arith.addf %dot_general3A_35, %add3A_39 : vector<1000x128xf32>
    %swap3A = arith.constant 0 : index
    %swap3A_41 = arith.constant 0 : index
    %swap3A_42 = vector.load %arg7[%swap3A, %swap3A_41] : memref<1000x128xf32, #tpu.memory_space<vmem>>, vector<1000x128xf32>
    tpu.vector_store %arg7[%swap3A, %swap3A_41], %add3A_40 {strides = array<i32>} : memref<1000x128xf32, #tpu.memory_space<vmem>>, vector<1000x128xf32>,
    %get3A_43 = arith.constant 0 : index
    %get3A_44 = arith.constant 0 : index
    %get3A_45 = vector.load %arg5[%get3A_43, %get3A_44] : memref<128x128xf32, #tpu.memory_space<vmem>>, vector<128x128xf32>
    %dot_general3A_46 = arith.constant dense<0.000000e+00> : vector<1000x128xf32>
    %dot_general3A_47 = tpu.matmul %max3A_31, %get3A_45, %dot_general3A_46 {dimension_numbers = #tpu.dot_dimension_numbers<[1], [0], [0], [1], [0, 0, 1, 1], [], []>, transpose_lhs_hint = false} : vector<1000x128xf32>, vector<128x128xf32>, vector<1000x128xf32> -> vector<1000x128xf32>
    %swap3A_48 = arith.constant 0 : index
    %swap3A_49 = arith.constant 0 : index
    %swap3A_50 = vector.load %arg8[%swap3A_48, %swap3A_49] : memref<1000x128xf32, #tpu.memory_space<vmem>>, vector<1000x128xf32>
    tpu.vector_store %arg8[%swap3A_48, %swap3A_49], %dot_general3A_47 {strides = array<i32>} : memref<1000x128xf32, #tpu.memory_space<vmem>>, vector<1000x128xf32>,
    return
  }
  func.func @transform_0(%arg0: i32) -> (i32, i32) {
    %c0_i32 = arith.constant 0 : i32
    %c0_i32_0 = arith.constant 0 : i32
    return %arg0, %c0_i32 : i32, i32
  }
  func.func @transform_1(%arg0: i32) -> (i32, i32, i32) {
    %c0_i32 = arith.constant 0 : i32
    %c0_i32_0 = arith.constant 0 : i32
    %c0_i32_1 = arith.constant 0 : i32
    return %c0_i32, %arg0, %c0_i32_0 : i32, i32, i32
  }
  func.func @transform_2(%arg0: i32) -> (i32, i32, i32) {
    %c0_i32 = arith.constant 0 : i32
    %c0_i32_0 = arith.constant 0 : i32
    %c0_i32_1 = arith.constant 0 : i32
    return %c0_i32, %arg0, %c0_i32_0 : i32, i32, i32
  }
  func.func @transform_3(%arg0: i32) -> (i32, i32) {
    %c0_i32 = arith.constant 0 : i32
    %c0_i32_0 = arith.constant 0 : i32
    %c0_i32_1 = arith.constant 0 : i32
    return %c0_i32, %c0_i32_0 : i32, i32
  }
  func.func @transform_4(%arg0: i32) -> (i32, i32) {
    %c0_i32 = arith.constant 0 : i32
    %c0_i32_0 = arith.constant 0 : i32
    %c0_i32_1 = arith.constant 0 : i32
    return %c0_i32, %c0_i32_0 : i32, i32
  }
  func.func @transform_5(%arg0: i32) -> (i32, i32) {
    %c0_i32 = arith.constant 0 : i32
    %c0_i32_0 = arith.constant 0 : i32
    %c0_i32_1 = arith.constant 0 : i32
    return %c0_i32, %c0_i32_0 : i32, i32
  }
  func.func @transform_6(%arg0: i32) -> (i32, i32) {
    %c0_i32 = arith.constant 0 : i32
    %c0_i32_0 = arith.constant 0 : i32
    return %arg0, %c0_i32 : i32, i32
  }
  func.func @transform_7(%arg0: i32) -> (i32, i32) {
    %c0_i32 = arith.constant 0 : i32
    %c0_i32_0 = arith.constant 0 : i32
    return %arg0, %c0_i32 : i32, i32
  }
}

module attributes {stable_mosaic.version = 14 : i64} {
  func.func @body(%arg0: i32, %arg1: memref<1000x128xf32, #tpu.memory_space<vmem>>, %arg2: memref<2x1000x128xf32, #tpu.memory_space<vmem>>, %arg3: memref<2x1000x128xf32, #tpu.memory_space<vmem>>, %arg4: memref<1000x128xf32, #tpu.memory_space<vmem>>) attributes {dimension_semantics = [#tpu.dimension_semantics<arbitrary>], iteration_bounds = array<i64: 10>, scalar_prefetch = 0 : i64, scratch_operands = 0 : i64, tpu.core_type = #tpu.core_type<tc>, window_params = [{transform_indices = @transform_0, window_bounds = array<i64: 1000, 128>}, {transform_indices = @transform_1, window_bounds = array<i64: 2, 1000, 128>}, {transform_indices = @transform_2, window_bounds = array<i64: 2, 1000, 128>}, {transform_indices = @transform_3, window_bounds = array<i64: 1000, 128>}]} {
    %get3A = arith.constant 0 : index
    %get3A_0 = arith.constant 0 : index
    %get3A_1 = arith.constant 0 : index
    %get3A_2 = vector.load %arg2[%get3A, %get3A_0, %get3A_1] : memref<2x1000x128xf32, #tpu.memory_space<vmem>>, vector<1x1000x128xf32>
    %get3A_3 = vector.shape_cast %get3A_2 : vector<1x1000x128xf32> to vector<1000x128xf32>
    %get3A_4 = arith.constant 1 : index
    %get3A_5 = arith.constant 0 : index
    %get3A_6 = arith.constant 0 : index
    %get3A_7 = vector.load %arg2[%get3A_4, %get3A_5, %get3A_6] : memref<2x1000x128xf32, #tpu.memory_space<vmem>>, vector<1x1000x128xf32>
    %get3A_8 = vector.shape_cast %get3A_7 : vector<1x1000x128xf32> to vector<1000x128xf32>
    %add3A = arith.addf %get3A_3, %get3A_8 : vector<1000x128xf32>
    %get3A_9 = arith.constant 0 : index
    %get3A_10 = arith.constant 0 : index
    %get3A_11 = arith.constant 0 : index
    %get3A_12 = vector.load %arg3[%get3A_9, %get3A_10, %get3A_11] : memref<2x1000x128xf32, #tpu.memory_space<vmem>>, vector<1x1000x1xf32>
    %get3A_13 = vector.shape_cast %get3A_12 : vector<1x1000x1xf32> to vector<1000x1xf32>
    %get3A_14 = arith.constant 1 : index
    %get3A_15 = arith.constant 0 : index
    %get3A_16 = arith.constant 0 : index
    %get3A_17 = vector.load %arg3[%get3A_14, %get3A_15, %get3A_16] : memref<2x1000x128xf32, #tpu.memory_space<vmem>>, vector<1x1000x1xf32>
    %get3A_18 = vector.shape_cast %get3A_17 : vector<1x1000x1xf32> to vector<1000x1xf32>
    %add3A_19 = arith.addf %get3A_13, %get3A_18 : vector<1000x1xf32>
    %get3A_20 = arith.constant 0 : index
    %get3A_21 = arith.constant 0 : index
    %get3A_22 = vector.load %arg1[%get3A_20, %get3A_21] : memref<1000x128xf32, #tpu.memory_space<vmem>>, vector<1000x128xf32>
    %max3A = arith.constant 1.000000e+00 : f32
    %max3A_23 = vector.broadcast %max3A : f32 to vector<1000x1xf32>
    %max3A_24 = arith.maximumf %add3A_19, %max3A_23 : vector<1000x1xf32>
    %div3A = arith.constant 1.000000e+00 : f32
    %div3A_25 = vector.broadcast %div3A : f32 to vector<1000x1xf32>
    %div3A_26 = arith.divf %div3A_25, %max3A_24 : vector<1000x1xf32>
    %mul3A = vector.broadcast %div3A_26 : vector<1000x1xf32> to vector<1000x128xf32>
    %mul3A_27 = arith.mulf %add3A, %mul3A : vector<1000x128xf32>
    %add3A_28 = arith.addf %get3A_22, %mul3A_27 : vector<1000x128xf32>
    %swap3A = arith.constant 0 : index
    %swap3A_29 = arith.constant 0 : index
    %swap3A_30 = vector.load %arg4[%swap3A, %swap3A_29] : memref<1000x128xf32, #tpu.memory_space<vmem>>, vector<1000x128xf32>
    tpu.vector_store %arg4[%swap3A, %swap3A_29], %add3A_28 {strides = array<i32>} : memref<1000x128xf32, #tpu.memory_space<vmem>>, vector<1000x128xf32>,
    return
  }
  func.func @transform_0(%arg0: i32) -> (i32, i32) {
    %c0_i32 = arith.constant 0 : i32
    %c0_i32_0 = arith.constant 0 : i32
    return %arg0, %c0_i32 : i32, i32
  }
  func.func @transform_1(%arg0: i32) -> (i32, i32, i32) {
    %c0_i32 = arith.constant 0 : i32
    %c0_i32_0 = arith.constant 0 : i32
    %c0_i32_1 = arith.constant 0 : i32
    return %c0_i32, %arg0, %c0_i32_0 : i32, i32, i32
  }
  func.func @transform_2(%arg0: i32) -> (i32, i32, i32) {
    %c0_i32 = arith.constant 0 : i32
    %c0_i32_0 = arith.constant 0 : i32
    %c0_i32_1 = arith.constant 0 : i32
    return %c0_i32, %arg0, %c0_i32_0 : i32, i32, i32
  }
  func.func @transform_3(%arg0: i32) -> (i32, i32) {
    %c0_i32 = arith.constant 0 : i32
    %c0_i32_0 = arith.constant 0 : i32
    return %arg0, %c0_i32 : i32, i32
  }
}

</mosaic_0001>

<sc_bundles>
// kernel: kernel.11.cloned.1.call-start
scs
__scs_entry_jumppad:
0x0: {  	(pc) =	sbr.rel $0x88, $3  }
0x1: {  	(tag) =	ssettag $0x0;
	lr =	simm.s32 $0x1  }
0x2: {  	[smem:$0x3F99] =	sst lr;
	_ =	strace $0xD0000000  }
0x3: {  	_ = 	snop  }
0x4: {  	_ = 	snop  }
0x5: {  	_ = 	snop  }
0x6: {  	_ = 	snop  }
0x7: {  	_ = 	snop  }
__scs_overlays_trampoline_lowered:
0x8: {  	[smem:$0x3FA8] =	sst s0  }
0x9: {  	[smem:$0x3FA9] =	sst s1  }
0xa: {  	[smem:$0x3FAA] =	sst s2  }
0xb: {  	[smem:$0x3FAB] =	sst s3  }
0xc: {  	[smem:$0x3FAC] =	sst s4  }
0xd: {  	[smem:$0x3FAD] =	sst s5  }
0xe: {  	[smem:$0x3FAE] =	sst s6  }
0xf: {  	[smem:$0x3FAF] =	sst s7  }
0x10: {  	[smem:$0x3FB0] =	sst s8  }
0x11: {  	[smem:$0x3FB1] =	sst s9;
	s0 =	simm.s32 @!p0 $0x0  }
0x12: {  	s1 =	sld [smem:$0x3F97];
	s0 =	simm.s32 @p0 $0x1  }
0x13: {  	[smem:$0x3FB2] =	sst s0;
	s0 =	simm.s32 @!p1 $0x0  }
0x14: {  	s2 =	sld [smem:$0x3F96];
	s0 =	simm.s32 @p1 $0x1  }
0x15: {  	[smem:$0x3FB3] =	sst s0;
	s0 =	simm.s32 @!p2 $0x0  }
0x16: {  	s3 =	sld [smem:$0x3FDB];
	s0 =	simm.s32 @p2 $0x1  }
0x17: {  	s4 =	simm.s32 $0x1BF5;
	[smem:$0x3FB5] =	sst s0  }
0x18: {  	s0 =	sld [smem:$0x3F98];
	_ =	swait.ge [sflag:s4], $0x0  }
0x19: {  	s7 =	sld [smem:$0x3F99]  }
0x1a: {  	s8 =	sadd.s32 $0xFFFFE003, lr  }
0x1b: {  	s9 =	sadd.s32 $0xFFFFFEF7, lr;
	s5 =	simm.s32 $0xFFFFFFFF;
	p2 =	slt.u32 s8, $0xFFFFF086  }
0x1c: {  	p1 =	slt.u32 s9, $0xF7A;
	s5 =	simm.s32 @!p2 $0x0  }
0x1d: {  	s5 =	simm.s32 @p1 $0x1;
	p0 =	seq.s32 s7, s2  }
0x1e: {  	s7 =	smul.u32 @!p0 $0xF7A, s2;
	p2 =	seq.s32 @!p0 s5, $0x0  }
0x1f: {  	s9 =	smul.u32 $0xF7A, s1;
	s8 =	simm.s32 @!p0 $0x1BF5;
	p2 =	por !p2, p0  }
0x20: {  	[sflag:s8] =	ssyncset.s32 @!p0 $0xFFFFF086;
	s6 =	sadd.s32 @!p0 s3, s7;
	s7 =	simm.s32 @!p0 $0x108  }
0x21: {  	s3 =	sadd.s32 s3, s9;
	s6 =	sadd.s32 @!p0 $0x88, s6;
	s7 =	simm.s32 @p2 $0x1082  }
0x22: {  	[simem:s7], [sflag:s8] =	dma.local @!p0 [hbm:s6], $0xF7A  }
0x23: {  	s9 =	sor.u32 $0xD0000000, s2;
	s6 =	simm.s32 $0x108;
	_ =	swait.ge @!p0 [sflag:s8], $0x0  }
0x24: {  	s3 =	sadd.s32 $0x88, s3;
	s6 =	simm.s32 @!p1 $0x1082;
	[sflag:s4] =	ssyncset.s32 $0xFFFFF086  }
0x25: {  	[simem:s6], [sflag:s4] =	dma.local [hbm:s3], $0xF7A  }
0x26: {  	[smem:$0x3F99] =	sst s1;
	(tag) =	ssettag s2;
	_ =	strace s9  }
0x27: {  	s1 =	sld [smem:$0x3FA9]  }
0x28: {  	s2 =	sld [smem:$0x3FAA]  }
0x29: {  	s4 =	sld [smem:$0x3FAC]  }
0x2a: {  	p0 =	seq.s32 s5, $0x0;
	s5 =	sld [smem:$0x3FAD]  }
0x2b: {  	s6 =	sld [smem:$0x3FAE]  }
0x2c: {  	s7 =	sld [smem:$0x3FAF]  }
0x2d: {  	s3 =	simm.s32 $0x108;
	s8 =	sld [smem:$0x3FB0]  }
0x2e: {  	s3 =	simm.s32 @!p0 $0x1082;
	s9 =	sld [smem:$0x3FB1]  }
0x2f: {  	lr =	sadd.s32 s0, s3;
	s0 =	sld [smem:$0x3FA8]  }
0x30: {  	s3 =	sld [smem:$0x3FAB]  }
0x31: {  	[smem:$0x3FB4] =	sst s10  }
0x32: {  	s10 =	sld [smem:$0x3FB2];
	_ =	sdelay $0x3  }
0x33: {  	p0 =	seq.s32 s10, $0x1;
	s10 =	sld [smem:$0x3FB4];
	_ =	sdelay $0x3  }
0x34: {  	[smem:$0x3FB4] =	sst s10  }
0x35: {  	s10 =	sld [smem:$0x3FB3];
	_ =	sdelay $0x3  }
0x36: {  	p1 =	seq.s32 s10, $0x1;
	s10 =	sld [smem:$0x3FB4];
	_ =	sdelay $0x3  }
0x37: {  	[smem:$0x3FB4] =	sst s10  }
0x38: {  	s10 =	sld [smem:$0x3FB5]  }
0x39: {  	_ = 	snop;
	(pc) =	sbr.ind lr, $3  }
0x3a: {  	_ = 	snop  }
0x3b: {  	_ = 	snop  }
0x3c: {  	p2 =	seq.s32 s10, $0x1;
	s10 =	sld [smem:$0x3FB4]  }
0x3d: {  	_ =	shalt  }
0x3e: {  	_ =	shalt  }
0x3f: {  	_ =	shalt  }
0x40: {  	_ =	shalt  }
0x41: {  	_ =	shalt  }
0x42: {  	_ =	shalt  }
0x43: {  	_ =	shalt  }
0x44: {  	_ =	shalt  }
0x45: {  	_ =	shalt  }
0x46: {  	_ =	shalt  }
0x47: {  	_ =	shalt  }
0x48: {  	_ =	shalt  }
0x49: {  	_ =	shalt  }
0x4a: {  	_ =	shalt  }
0x4b: {  	_ =	shalt  }
0x4c: {  	_ =	shalt  }
0x4d: {  	_ =	shalt  }
0x4e: {  	_ =	shalt  }
0x4f: {  	_ =	shalt  }
0x50: {  	_ =	shalt  }
0x51: {  	_ =	shalt  }
0x52: {  	_ =	shalt  }
0x53: {  	_ =	shalt  }
0x54: {  	_ =	shalt  }
0x55: {  	_ =	shalt  }
0x56: {  	_ =	shalt  }
0x57: {  	_ =	shalt  }
0x58: {  	_ =	shalt  }
0x59: {  	_ =	shalt  }
0x5a: {  	_ =	shalt  }
0x5b: {  	_ =	shalt  }
0x5c: {  	_ =	shalt  }
0x5d: {  	_ =	shalt  }
0x5e: {  	_ =	shalt  }
0x5f: {  	_ =	shalt  }
0x60: {  	_ =	shalt  }
0x61: {  	_ =	shalt  }
0x62: {  	_ =	shalt  }
0x63: {  	_ =	shalt  }
0x64: {  	_ =	shalt  }
0x65: {  	_ =	shalt  }
0x66: {  	_ =	shalt  }
0x67: {  	_ =	shalt  }
0x68: {  	_ =	shalt  }
0x69: {  	_ =	shalt  }
0x6a: {  	_ =	shalt  }
0x6b: {  	_ =	shalt  }
0x6c: {  	_ =	shalt  }
0x6d: {  	_ =	shalt  }
0x6e: {  	_ =	shalt  }
0x6f: {  	_ =	shalt  }
0x70: {  	_ =	shalt  }
0x71: {  	_ =	shalt  }
0x72: {  	_ =	shalt  }
0x73: {  	_ =	shalt  }
0x74: {  	_ =	shalt  }
0x75: {  	_ =	shalt  }
0x76: {  	_ =	shalt  }
0x77: {  	_ =	shalt  }
0x78: {  	_ =	shalt  }
0x79: {  	_ =	shalt  }
0x7a: {  	_ =	shalt  }
0x7b: {  	_ =	shalt  }
0x7c: {  	_ =	shalt  }
0x7d: {  	_ =	shalt  }
0x7e: {  	_ =	shalt  }
0x7f: {  	_ =	shalt  }
0x80: {  	_ =	shalt  }
0x81: {  	_ =	shalt  }
0x82: {  	_ =	shalt  }
0x83: {  	_ =	shalt  }
0x84: {  	_ =	shalt  }
0x85: {  	_ =	shalt  }
0x86: {  	_ =	shalt  }
0x87: {  	_ =	shalt  }
.Lfunc_end0:
.L_simem_size_0:
called_computation.1_lowered:
.L_overlay_start_0:
0x88: {  	s2 =	sld [smem:$0x3FD9]  }
0x89: {  	s3 =	sld [smem:$0x3FFE];
	_ =	sdelay $0x1  }
0x8a: {  	s1 =	srdreg.scid  }
0x8b: {  	s0 =	sand.u32 $0x1, s1  }
0x8c: {  	s17 =	sshll.u32 s0, $0xA;
	s2 =	sadd.s32 s3, s2  }
0x8d: {  	s2 =	sadd.s32 s2, s17  }
0x8e: {  	[smem:$0x3FC0] =	sst s2  }
0x8f: {  	_ = 	snop  }
0x90: {  	s2 =	sld [smem:$0x3FD0];
	(tm) =	ssettm $0x1  }
0x91: {  	s18 =	sld [smem:$0x3FFB];
	_ =	sdelay $0x3  }
0x92: {  	_ =	strace s18  }
0x93: {  	s3 =	sld [smem:$0x3FFC];
	_ =	sdelay $0x3  }
0x94: {  	_ =	strace s3  }
0x95: {  	s3 =	sld [smem:$0x3FFD];
	_ =	sdelay $0x3  }
0x96: {  	_ =	strace s3  }
0x97: {  	_ =	strace $0x8FFFFFFF  }
0x98: {  	s19 =	sld [smem:$0x3FDB];
	_ =	sdelay $0x1  }
0x99: {  	s4 =	simm.s32 $_scs_section_size  }
0x9a: {  	s5 =	simm.s32 $_size__tile_overlayer_lowered;
	s6 =	simm.s32 $_tile_overlayer_lowered  }
0x9b: {  	s22 =	simm.s32 $0x1BFF;
	s21 =	sshll.u32 s6, $0x1;
	s3 =	sadd.s32 s4, s19  }
0x9c: {  	s7 =	simm.s32 $0x0;
	s20 =	sshll.u32 s5, $0x1;
	s5 =	sadd.s32 s21, s3  }
0x9d: {  	[timem:s7], [sflag:s22] =	dma.local [hbm:s5], s20  }
0x9e: {  	_ =	swait.ge [sflag:s22], s20  }
0x9f: {  	s4 =	ssub.s32 $0x0, s20;
	[sflag:s22] =	ssyncset.done $0x0  }
0xa0: {  	[sflag:s22] =	ssyncadd.s32 s4;
	_ =	sdelay $0x1  }
0xa1: {  	s23 =	simm.s32 $0x1B8B  }
0xa2: {  	_ =	swait.ge [sflag:s23], $0x1  }
0xa3: {  	[sflag:s23] =	ssyncset.done $0x0  }
0xa4: {  	s25 =	simm.s32 $0x1B8E;
	s24 =	sld [smem:$0x3FFE];
	[sflag:s23] =	ssyncadd.s32 $0xFFFFFFFF  }
0xa5: {  	s26 =	simm.s32 $execute0_lowered;
	[smem:$0x3FD2] =	sst s25  }
0xa6: {  	s5 =	sshll.u32 s26, $0x1;
	_ =	strace $0x80000046;
	[dreg:$0x1] =	wrdreg $0xFFFFFFFF  }
0xa7: {  	s28 =	simm.s32 $_size_execute0_lowered;
	s3 =	sadd.s32 s3, s5;
	[dreg:$0x0] =	wrdreg $0x0  }
0xa8: {  	s5 =	sshll.u32 s28, $0x1;
	[dreg:$0x2] =	wrdreg s3  }
0xa9: {  	[dreg:$0x3] =	wrdreg s5  }
0xaa: {  	[dreg:$0x4] =	wrdreg $0xC0  }
0xab: {  	_ =	task [dreg:s7], $0x5FFFF  }
0xac: {  	[dreg:$0x1] =	wrdreg $0xFFFFFFFF  }
0xad: {  	[dreg:$0x0] =	wrdreg $0x60  }
0xae: {  	[dreg:$0x2] =	wrdreg s2  }
0xaf: {  	[dreg:$0x3] =	wrdreg s24  }
0xb0: {  	[dreg:$0x4] =	wrdreg $0x0  }
0xb1: {  	[dreg:$0x5] =	wrdreg $0xA  }
0xb2: {  	_ =	task.clear_ibuf [dreg:s7], $0x6FFFF;
	_ =	strace $0x90000046  }
0xb3: {  	s29 =	simm.s32 $0xA;
	_ =	strace $0x80000048  }
0xb4: {  	_ =	swait.ge [sflag:s29], $0x1  }
0xb5: {  	[sflag:s29] =	ssyncadd.s32 $0xFFFFFFFF  }
0xb6: {  	_ =	strace $0x90000048  }
0xb7: {  	_ =	sfence  }
0xb8: {  	s30 =	sld [smem:$0x0];
	_ =	sdelay $0x2  }
0xb9: {  	s31 =	sshll.u32 s1, $0xD;
	s1 =	sshrl.u32 s1, $0x2  }
0xba: {  	s3 =	sand.u32 $0x4000, s31;
	s1 =	sadd.s32 s1, s30  }
0xbb: {  	s0 =	sor.u32 s3, s0;
	s1 =	sshll.u32 s1, $0x11  }
0xbc: {  	s0 =	sor.u32 s1, s0  }
0xbd: {  	s0 =	sadd.s32 $0x8F2B, s0  }
0xbe: {  	[sflag:s0] =	ssyncadd.remote.s32 $0x1  }
0xbf: {  	_ =	sfence.sel $0xFFFF  }
0xc0: {  	[dreg:$0x0] =	wrdreg $0xFFFFFFFF;
	(pc) =	sbr.abs _section_cstart, $3  }
0xc1: {  	[dreg:$0x1] =	wrdreg $0xFFFFFFFF  }
0xc2: {  	_ =	task.clear_ibuf [dreg:s7], $0x2FFFF;
	_ =	strace $0x9FFFFFFF  }
0xc3: {  	(tm) =	ssettm $0x7FFFFFFF  }
tec
execute0_lowered:
.L_overlay_start_1:
0x0: {  	(tag) =	ssettag $0x1  }
0x1: {  	s0 =	rddreg [dreg:$0x0]  }
0x2: {  	s1 =	rddreg [dreg:$0x1];
	s2 =	srdreg.scid  }
0x3: {  	s3 =	rddreg [dreg:$0x2];
	s7 =	stileid.u32;
	s4 =	simm.s32 $0x0  }
0x4: {  	s16 =	simm.s32 $0x16800;
	s17 =	simm.s32 $0x5;
	s18 =	simm.s32 $0x14000  }
0x5: {  	s19 =	simm.s32 $0x15400;
	s20 =	simm.s32 $0x80;
	s21 =	simm.s32 $0x1  }
0x6: {  	s22 =	simm.s32 $0x14080;
	s23 =	simm.s32 $0x1A800;
	s24 =	simm.s32 $0x2  }
0x7: {  	s28 =	simm.s32 $0x14100;
	s29 =	simm.s32 $0x4;
	s30 =	simm.s32 $0x0  }
0x8: {  	s2 =	sand.u32 $0x1, s2;
	s6 =	smul.u32 $0x14000, s7;
	[smem:$0x7FF] =	sst s4  }
0x9: {  	s12 =	sadd.s32 $0x1E00, s1;
	s25 =	smul.u32 $0x50000, s7;
	s7 =	sshll.u32 s7, $0x1  }
0xa: {  	s5 =	smul.u32 $0x140000, s2;
	s26 =	ssub.s32 $0x2, s2;
	s2 =	sor.u32 s2, s7  }
0xb: {  	s13 =	sadd.s32 $0xBE00, s1;
	_ =	strace $0x80000047;
	s10 =	smul.u32 $0x2800, s2  }
0xc: {  	s8 =	sshrl.u32 s26, $0x1;
	s2 =	smul.u32 $0x500, s2;
	s5 =	sadd.s32 s5, s6  }
0xd: {  	s6 =	sshrl.u32 s25, $0x2;
	s15 =	ssub.s32 s26, s8;
	s25 =	simm.s32 $0x15480  }
0xe: {  	s26 =	simm.s32 $0x3;
	s5 =	sshrl.u32 s5, $0x3;
	s14 =	sshrl.u32 s10, $0x3  }
.Ltmp0:
0xf: {  	s10 =	sadd.s32 s12, s2;
	s11 =	sadd.s32 s13, s2;
	(pc) =	sbr.rel .LBB2_1-.Ltmp0, $4  }
0x10: {  	s15 =	smax.u32 s15, $0x1;
	s1 =	sadd.s32 s5, s1;
	s5 =	sadd.s32 s6, s3  }
0x11: {  	s31 =	sadd.s32 $0x280, s14;
	s6 =	sadd.s32 $0x4000, s5;
	s7 =	sadd.s32 $0x8000, s5  }
0x12: {  	s8 =	sadd.s32 $0xC000, s5;
	s9 =	sadd.s32 $0x10000, s5;
	s12 =	sadd.s32 s12, s31  }
0x13: {  	v0 =	vimm.f32 $0.0e+00;
	s13 =	sadd.s32 s13, s31;
	s14 =	sadd.s32 $0x15E00, s1;
	[dreg:$0x4] =	wrdreg s6  }
.LBB2_9:
0x14: {  	_ =	swait.ge [sflag:s29], $0x4000;
	s1 =	stileid.u32  }
0x15: {  	s2 =	sshrl.u32 s5, $0x3;
	s30 =	sadd.s32 $0x1, s30;
	[sflag:s29] =	ssyncset.done $0x0  }
0x16: {  	s1 =	sshll.u32 s1, $0x6;
	p0 =	sne.s32 s30, s15;
	[sflag:s29] =	ssyncadd.s32 $0xFFFFC000  }
.Ltmp1:
0x17: {  	s1 =	sor.u32 $0x1C05, s1;
	[bflag:$0x0] =	sbarrier.arrive $0xFFFF;
	(pc) =	sbr.rel @!p0 .LBB2_10-.Ltmp1, $4  }
0x18: {  	[hbm:s14], [sflag:s1] =	dma.local [spmem:s2], $0x2800  }
0x19: {  	_ =	swait.ge [sflag:s17], $0x2800  }
0x1a: {  	[sflag:s17] =	ssyncset.done $0x0  }
0x1b: {  	[sflag:s17] =	ssyncadd.s32 $0xFFFFD800  }
.LBB2_1:
0x1c: {  	s1 =	sand.u32 $0xFE00, s4  }
0x1d: {  	s2 =	sand.u32 $0x70, s4;
	s31 =	sshrl.u32 s1, $0x2  }
0x1e: {  	s1 =	simm.s32 $0x40;
	s2 =	sor.u32 s2, s31;
	s31 =	simm.s32 $0x0  }
.LBB2_2:
0x1f: {  	p0 =	sne.s32 s1, $0xFFC0  }
0x20: {  	[tilespmem:s2+$0x16800] =	vst v0;
	s31 =	sadd.s32 $0x10, s31;
	s2 =	smov.u32 s1;
	s1 =	sadd.s32 $0x40, s1  }
.Ltmp2:
0x21: {  	(pc) =	sbr.rel @p0 .LBB2_2-.Ltmp2, $4  }
0x22: {  	_ = 	snop  }
0x23: {  	s2 =	sand.u32 $0xFE00, s2  }
0x24: {  	s6 =	sand.u32 $0x70, s31;
	s2 =	sshrl.u32 s2, $0x2  }
0x25: {  	s2 =	sor.u32 s6, s2  }
0x26: {  	[tilespmem:s2+$0x16800] =	vst v0  }
0x27: {  	[spmem:s5] =	stream.linear.scatter [tilespmem:s16], [sflag:$0x5], $0x4000, $0x38;
	[tilespmem:$0x1E800] =	vst v63  }
0x28: {  	_ =	swait.ge [sflag:s17], $0x4000  }
0x29: {  	[sflag:s17] =	ssyncset.done $0x0  }
0x2a: {  	s1 =	rddreg [dreg:$0x4];
	[sflag:s17] =	ssyncadd.s32 $0xFFFFC000  }
0x2b: {  	[spmem:s1] =	stream.linear.scatter [tilespmem:s16], [sflag:$0x5], $0x4000, $0x38;
	[tilespmem:$0x1E800] =	vst v63  }
0x2c: {  	_ =	swait.ge [sflag:s17], $0x4000  }
0x2d: {  	[sflag:s17] =	ssyncset.done $0x0  }
0x2e: {  	[sflag:s17] =	ssyncadd.s32 $0xFFFFC000  }
0x2f: {  	[spmem:s7] =	stream.linear.scatter [tilespmem:s16], [sflag:$0x5], $0x4000, $0x38;
	[tilespmem:$0x1E800] =	vst v63  }
0x30: {  	_ =	swait.ge [sflag:s17], $0x4000  }
0x31: {  	[sflag:s17] =	ssyncset.done $0x0  }
0x32: {  	[sflag:s17] =	ssyncadd.s32 $0xFFFFC000  }
0x33: {  	[spmem:s8] =	stream.linear.scatter [tilespmem:s16], [sflag:$0x5], $0x4000, $0x38;
	[tilespmem:$0x1E800] =	vst v63  }
0x34: {  	_ =	swait.ge [sflag:s17], $0x4000  }
0x35: {  	[sflag:s17] =	ssyncset.done $0x0  }
0x36: {  	[sflag:s17] =	ssyncadd.s32 $0xFFFFC000  }
0x37: {  	[spmem:s9] =	stream.linear.scatter [tilespmem:s16], [sflag:$0x5], $0x4000, $0x38;
	[tilespmem:$0x1E800] =	vst v63  }
0x38: {  	_ =	swait.ge [sflag:s17], $0x4000  }
0x39: {  	[sflag:s17] =	ssyncset.done $0x0  }
0x3a: {  	[sflag:s17] =	ssyncadd.s32 $0xFFFFC000  }
0x3b: {  	[bflag:$0x0] =	sbarrier.arrive $0xFFFF  }
0x3c: {  	[tilespmem:s18], [sflag:$0x5] =	stream.linear.gather [hbm4b:s10+s4], $0x1400, $0x38;
	[tilespmem:$0x1E800] =	vst v63  }
0x3d: {  	_ =	swait.ge [sflag:s17], $0x1400  }
0x3e: {  	[sflag:s17] =	ssyncset.done $0x0  }
0x3f: {  	[sflag:s17] =	ssyncadd.s32 $0xFFFFEC00  }
0x40: {  	[tilespmem:s19], [sflag:$0x5] =	stream.linear.gather [hbm4b:s11+s4], $0x1400, $0x38;
	[tilespmem:$0x1E800] =	vst v63  }
0x41: {  	_ =	swait.ge [sflag:s17], $0x1400  }
0x42: {  	[sflag:s17] =	ssyncset.done $0x0  }
0x43: {  	[sflag:s17] =	ssyncadd.s32 $0xFFFFEC00  }
0x44: {  	[tilespmem:s16], [sflag:$0x1] =	stream.indirect.gather [hbm4b:s0+s20], $0x80, s18, s20, $0xb8;
	[tilespmem:$0x1E800] =	vst v63  }
0x45: {  	_ =	swait.ge [sflag:s21], $0x4000  }
0x46: {  	[sflag:s21] =	ssyncset.done $0x0  }
0x47: {  	[sflag:s21] =	ssyncadd.s32 $0xFFFFC000  }
0x48: {  	[spmem:s3] =	stream.indirect.scatter.add.f32 [tilespmem:s16], [sflag:$0x3], $0x80, s19, s20, $0xb8;
	[tilespmem:$0x1E800] =	vst v63  }
0x49: {  	_ = 	snop  }
0x4a: {  	[tilespmem:s23], [sflag:$0x2] =	stream.indirect.gather [hbm4b:s0+s20], $0x80, s22, s20, $0xb8;
	[tilespmem:$0x1E800] =	vst v63  }
0x4b: {  	_ =	swait.ge [sflag:s24], $0x4000  }
0x4c: {  	[sflag:s24] =	ssyncset.done $0x0  }
0x4d: {  	[sflag:s24] =	ssyncadd.s32 $0xFFFFC000  }
0x4e: {  	[spmem:s3] =	stream.indirect.scatter.add.f32 [tilespmem:s23], [sflag:$0x4], $0x80, s25, s20, $0xb8;
	[tilespmem:$0x1E800] =	vst v63  }
0x4f: {  	_ =	swait.ge [sflag:s26], $0x4000  }
0x50: {  	[sflag:s26] =	ssyncset.done $0x0  }
0x51: {  	s31 =	simm.s32 $0xFFFFB800;
	[sflag:s26] =	ssyncadd.s32 $0xFFFFC000  }
0x52: {  	[tilespmem:s16], [sflag:$0x1] =	stream.indirect.gather [hbm4b:s0+s20], $0x80, s28, s20, $0xb8;
	[tilespmem:$0x1E800] =	vst v63  }
.LBB2_4:
0x53: {  	_ =	swait.ge [sflag:s21], $0x4000  }
0x54: {  	s1 =	sshra.s32 s31, $0x2;
	[sflag:s21] =	ssyncset.done $0x0  }
0x55: {  	s2 =	sadd.s32 $0x16700, s1;
	[sflag:s21] =	ssyncadd.s32 $0xFFFFC000  }
0x56: {  	[spmem:s3] =	stream.indirect.scatter.add.f32 [tilespmem:s16], [sflag:$0x3], $0x80, s2, s20, $0xb8;
	[tilespmem:$0x1E800] =	vst v63  }
0x57: {  	_ =	swait.ge [sflag:s29], $0x4000  }
0x58: {  	[sflag:s29] =	ssyncset.done $0x0  }
0x59: {  	s6 =	sadd.s32 $0x15380, s1;
	[sflag:s29] =	ssyncadd.s32 $0xFFFFC000  }
0x5a: {  	[tilespmem:s23], [sflag:$0x2] =	stream.indirect.gather [hbm4b:s0+s20], $0x80, s6, s20, $0xb8;
	[tilespmem:$0x1E800] =	vst v63  }
0x5b: {  	_ =	swait.ge [sflag:s24], $0x4000  }
0x5c: {  	p0 =	seq.s32 s31, $0x0;
	[sflag:s24] =	ssyncset.done $0x0  }
.Ltmp3:
0x5d: {  	s6 =	sadd.s32 $0x16780, s1;
	[sflag:s24] =	ssyncadd.s32 $0xFFFFC000;
	(pc) =	sbr.rel @p0 .LBB2_6-.Ltmp3, $4  }
0x5e: {  	[spmem:s3] =	stream.indirect.scatter.add.f32 [tilespmem:s23], [sflag:$0x4], $0x80, s6, s20, $0xb8;
	[tilespmem:$0x1E800] =	vst v63  }
0x5f: {  	_ =	swait.ge [sflag:s26], $0x4000  }
0x60: {  	[sflag:s26] =	ssyncset.done $0x0  }
0x61: {  	[sflag:s26] =	ssyncadd.s32 $0xFFFFC000  }
.Ltmp4:
0x62: {  	(pc) =	sbr.rel .LBB2_4-.Ltmp4, $3  }
0x63: {  	_ =	sdelay $0x1  }
0x64: {  	s1 =	sadd.s32 $0x15400, s1;
	s31 =	sadd.s32 $0x400, s31  }
0x65: {  	[tilespmem:s16], [sflag:$0x1] =	stream.indirect.gather [hbm4b:s0+s20], $0x80, s1, s20, $0xb8;
	[tilespmem:$0x1E800] =	vst v63  }
.LBB2_6:
0x66: {  	_ =	swait.ge [sflag:s29], $0x4000  }
0x67: {  	[sflag:s29] =	ssyncset.done $0x0  }
0x68: {  	[sflag:s29] =	ssyncadd.s32 $0xFFFFC000  }
0x69: {  	[tilespmem:s18], [sflag:$0x5] =	stream.linear.gather [hbm4b:s12+s4], $0x1400, $0x38;
	[tilespmem:$0x1E800] =	vst v63  }
0x6a: {  	_ =	swait.ge [sflag:s17], $0x1400  }
0x6b: {  	[sflag:s17] =	ssyncset.done $0x0  }
0x6c: {  	[sflag:s17] =	ssyncadd.s32 $0xFFFFEC00  }
0x6d: {  	[tilespmem:s19], [sflag:$0x5] =	stream.linear.gather [hbm4b:s13+s4], $0x1400, $0x38;
	[tilespmem:$0x1E800] =	vst v63  }
0x6e: {  	_ =	swait.ge [sflag:s17], $0x1400  }
0x6f: {  	[sflag:s17] =	ssyncset.done $0x0  }
0x70: {  	[sflag:s17] =	ssyncadd.s32 $0xFFFFEC00  }
0x71: {  	[tilespmem:s16], [sflag:$0x1] =	stream.indirect.gather [hbm4b:s0+s20], $0x80, s18, s20, $0xb8;
	[tilespmem:$0x1E800] =	vst v63  }
0x72: {  	_ =	swait.ge [sflag:s21], $0x4000  }
0x73: {  	[sflag:s21] =	ssyncset.done $0x0  }
0x74: {  	[sflag:s21] =	ssyncadd.s32 $0xFFFFC000  }
0x75: {  	[spmem:s3] =	stream.indirect.scatter.add.f32 [tilespmem:s16], [sflag:$0x3], $0x80, s19, s20, $0xb8;
	[tilespmem:$0x1E800] =	vst v63  }
0x76: {  	_ = 	snop  }
0x77: {  	[tilespmem:s23], [sflag:$0x2] =	stream.indirect.gather [hbm4b:s0+s20], $0x80, s22, s20, $0xb8;
	[tilespmem:$0x1E800] =	vst v63  }
0x78: {  	_ =	swait.ge [sflag:s24], $0x4000  }
0x79: {  	[sflag:s24] =	ssyncset.done $0x0  }
0x7a: {  	[sflag:s24] =	ssyncadd.s32 $0xFFFFC000  }
0x7b: {  	[spmem:s3] =	stream.indirect.scatter.add.f32 [tilespmem:s23], [sflag:$0x4], $0x80, s25, s20, $0xb8;
	[tilespmem:$0x1E800] =	vst v63  }
0x7c: {  	_ =	swait.ge [sflag:s26], $0x4000  }
0x7d: {  	[sflag:s26] =	ssyncset.done $0x0  }
0x7e: {  	s31 =	simm.s32 $0xFFFFB800;
	[sflag:s26] =	ssyncadd.s32 $0xFFFFC000  }
0x7f: {  	[tilespmem:s16], [sflag:$0x1] =	stream.indirect.gather [hbm4b:s0+s20], $0x80, s28, s20, $0xb8;
	[tilespmem:$0x1E800] =	vst v63  }
.LBB2_7:
0x80: {  	_ =	swait.ge [sflag:s21], $0x4000  }
0x81: {  	s1 =	sshra.s32 s31, $0x2;
	[sflag:s21] =	ssyncset.done $0x0  }
0x82: {  	s2 =	sadd.s32 $0x16700, s1;
	[sflag:s21] =	ssyncadd.s32 $0xFFFFC000  }
0x83: {  	[spmem:s3] =	stream.indirect.scatter.add.f32 [tilespmem:s16], [sflag:$0x3], $0x80, s2, s20, $0xb8;
	[tilespmem:$0x1E800] =	vst v63  }
0x84: {  	_ =	swait.ge [sflag:s29], $0x4000  }
0x85: {  	[sflag:s29] =	ssyncset.done $0x0  }
0x86: {  	s6 =	sadd.s32 $0x15380, s1;
	[sflag:s29] =	ssyncadd.s32 $0xFFFFC000  }
0x87: {  	[tilespmem:s23], [sflag:$0x2] =	stream.indirect.gather [hbm4b:s0+s20], $0x80, s6, s20, $0xb8;
	[tilespmem:$0x1E800] =	vst v63  }
0x88: {  	_ =	swait.ge [sflag:s24], $0x4000  }
0x89: {  	p0 =	seq.s32 s31, $0x0;
	[sflag:s24] =	ssyncset.done $0x0  }
.Ltmp5:
0x8a: {  	s6 =	sadd.s32 $0x16780, s1;
	[sflag:s24] =	ssyncadd.s32 $0xFFFFC000;
	(pc) =	sbr.rel @p0 .LBB2_9-.Ltmp5, $4  }
0x8b: {  	[spmem:s3] =	stream.indirect.scatter.add.f32 [tilespmem:s23], [sflag:$0x4], $0x80, s6, s20, $0xb8;
	[tilespmem:$0x1E800] =	vst v63  }
0x8c: {  	_ =	swait.ge [sflag:s26], $0x4000  }
0x8d: {  	[sflag:s26] =	ssyncset.done $0x0  }
0x8e: {  	[sflag:s26] =	ssyncadd.s32 $0xFFFFC000  }
.Ltmp6:
0x8f: {  	(pc) =	sbr.rel .LBB2_7-.Ltmp6, $3  }
0x90: {  	_ =	sdelay $0x1  }
0x91: {  	s1 =	sadd.s32 $0x15400, s1;
	s31 =	sadd.s32 $0x400, s31  }
0x92: {  	[tilespmem:s16], [sflag:$0x1] =	stream.indirect.gather [hbm4b:s0+s20], $0x80, s1, s20, $0xb8;
	[tilespmem:$0x1E800] =	vst v63  }
.LBB2_10:
0x93: {  	_ =	sfence.sel $0x180000  }
0x94: {  	[bflag:$0x0] =	sbarrier.arrive $0xFFFF  }
0x95: {  	_ =	strace $0x90000047  }
0x96: {  	s0 =	stileid.u32;
	[bflag:$0x2] =	sbarrier.arrive $0xFFFF  }
0x97: {  	p0 =	sne.s32 s0, $0x0;
	s0 =	rddreg [dreg:$0x3]  }
0x98: {  	s0 =	sadd.s32 @!p0 $0x100000, s0  }
0x99: {  	[sflag:s0] =	ssyncadd.tile.s32 @!p0 $0x1;
	_ =	shalt  }
.Lfunc_end2:
_tile_overlayer_lowered:
.L_overlay_start_2:
0x9a: {  	(tag) =	ssettag $0x2  }
0x9b: {  	s0 =	rddreg [dreg:$0x0];
	s2 =	stileid.u32  }
0x9c: {  	s1 =	rddreg [dreg:$0x1];
	p0 =	sne.s32 s2, $0x0  }
0x9d: {  	s3 =	rddreg [dreg:$0x2];
	[bflag:$0x3] =	sbarrier.arrive $0xFFFF;
	s2 =	simm.s32 @!p0 $0x1C05  }
0x9e: {  	[timem:s3], [sflag:s2] =	dma.local @!p0 [hbm:s0], s1  }
0x9f: {  	s0 =	simm.s32 @!p0 $0x5  }
0xa0: {  	_ =	swait.ge @!p0 [sflag:s0], s1  }
0xa1: {  	s1 =	ssub.s32 @!p0 $0x0, s1;
	[sflag:s0] =	ssyncset.done @!p0 $0x0  }
0xa2: {  	[sflag:s0] =	ssyncadd.s32 @!p0 s1  }
0xa3: {  	[bflag:$0x3] =	sbarrier.arrive $0xFFFF  }
0xa4: {  	_ =	shalt  }

// kernel: kernel.14.cloned.1.call-start
scs
__scs_entry_jumppad:
0x0: {  	(pc) =	sbr.rel $0x88, $3  }
0x1: {  	(tag) =	ssettag $0x0;
	lr =	simm.s32 $0x1  }
0x2: {  	[smem:$0x3F99] =	sst lr;
	_ =	strace $0xD0000000  }
0x3: {  	_ = 	snop  }
0x4: {  	_ = 	snop  }
0x5: {  	_ = 	snop  }
0x6: {  	_ = 	snop  }
0x7: {  	_ = 	snop  }
__scs_overlays_trampoline_lowered:
0x8: {  	[smem:$0x3FA8] =	sst s0  }
0x9: {  	[smem:$0x3FA9] =	sst s1  }
0xa: {  	[smem:$0x3FAA] =	sst s2  }
0xb: {  	[smem:$0x3FAB] =	sst s3  }
0xc: {  	[smem:$0x3FAC] =	sst s4  }
0xd: {  	[smem:$0x3FAD] =	sst s5  }
0xe: {  	[smem:$0x3FAE] =	sst s6  }
0xf: {  	[smem:$0x3FAF] =	sst s7  }
0x10: {  	[smem:$0x3FB0] =	sst s8  }
0x11: {  	[smem:$0x3FB1] =	sst s9;
	s0 =	simm.s32 @!p0 $0x0  }
0x12: {  	s1 =	sld [smem:$0x3F97];
	s0 =	simm.s32 @p0 $0x1  }
0x13: {  	[smem:$0x3FB2] =	sst s0;
	s0 =	simm.s32 @!p1 $0x0  }
0x14: {  	s2 =	sld [smem:$0x3F96];
	s0 =	simm.s32 @p1 $0x1  }
0x15: {  	[smem:$0x3FB3] =	sst s0;
	s0 =	simm.s32 @!p2 $0x0  }
0x16: {  	s3 =	sld [smem:$0x3FDB];
	s0 =	simm.s32 @p2 $0x1  }
0x17: {  	s4 =	simm.s32 $0x1BF5;
	[smem:$0x3FB5] =	sst s0  }
0x18: {  	s0 =	sld [smem:$0x3F98];
	_ =	swait.ge [sflag:s4], $0x0  }
0x19: {  	s7 =	sld [smem:$0x3F99]  }
0x1a: {  	s8 =	sadd.s32 $0xFFFFE003, lr  }
0x1b: {  	s9 =	sadd.s32 $0xFFFFFEF7, lr;
	s5 =	simm.s32 $0xFFFFFFFF;
	p2 =	slt.u32 s8, $0xFFFFF086  }
0x1c: {  	p1 =	slt.u32 s9, $0xF7A;
	s5 =	simm.s32 @!p2 $0x0  }
0x1d: {  	s5 =	simm.s32 @p1 $0x1;
	p0 =	seq.s32 s7, s2  }
0x1e: {  	s7 =	smul.u32 @!p0 $0xF7A, s2;
	p2 =	seq.s32 @!p0 s5, $0x0  }
0x1f: {  	s9 =	smul.u32 $0xF7A, s1;
	s8 =	simm.s32 @!p0 $0x1BF5;
	p2 =	por !p2, p0  }
0x20: {  	[sflag:s8] =	ssyncset.s32 @!p0 $0xFFFFF086;
	s6 =	sadd.s32 @!p0 s3, s7;
	s7 =	simm.s32 @!p0 $0x108  }
0x21: {  	s3 =	sadd.s32 s3, s9;
	s6 =	sadd.s32 @!p0 $0x88, s6;
	s7 =	simm.s32 @p2 $0x1082  }
0x22: {  	[simem:s7], [sflag:s8] =	dma.local @!p0 [hbm:s6], $0xF7A  }
0x23: {  	s9 =	sor.u32 $0xD0000000, s2;
	s6 =	simm.s32 $0x108;
	_ =	swait.ge @!p0 [sflag:s8], $0x0  }
0x24: {  	s3 =	sadd.s32 $0x88, s3;
	s6 =	simm.s32 @!p1 $0x1082;
	[sflag:s4] =	ssyncset.s32 $0xFFFFF086  }
0x25: {  	[simem:s6], [sflag:s4] =	dma.local [hbm:s3], $0xF7A  }
0x26: {  	[smem:$0x3F99] =	sst s1;
	(tag) =	ssettag s2;
	_ =	strace s9  }
0x27: {  	s1 =	sld [smem:$0x3FA9]  }
0x28: {  	s2 =	sld [smem:$0x3FAA]  }
0x29: {  	s4 =	sld [smem:$0x3FAC]  }
0x2a: {  	p0 =	seq.s32 s5, $0x0;
	s5 =	sld [smem:$0x3FAD]  }
0x2b: {  	s6 =	sld [smem:$0x3FAE]  }
0x2c: {  	s7 =	sld [smem:$0x3FAF]  }
0x2d: {  	s3 =	simm.s32 $0x108;
	s8 =	sld [smem:$0x3FB0]  }
0x2e: {  	s3 =	simm.s32 @!p0 $0x1082;
	s9 =	sld [smem:$0x3FB1]  }
0x2f: {  	lr =	sadd.s32 s0, s3;
	s0 =	sld [smem:$0x3FA8]  }
0x30: {  	s3 =	sld [smem:$0x3FAB]  }
0x31: {  	[smem:$0x3FB4] =	sst s10  }
0x32: {  	s10 =	sld [smem:$0x3FB2];
	_ =	sdelay $0x3  }
0x33: {  	p0 =	seq.s32 s10, $0x1;
	s10 =	sld [smem:$0x3FB4];
	_ =	sdelay $0x3  }
0x34: {  	[smem:$0x3FB4] =	sst s10  }
0x35: {  	s10 =	sld [smem:$0x3FB3];
	_ =	sdelay $0x3  }
0x36: {  	p1 =	seq.s32 s10, $0x1;
	s10 =	sld [smem:$0x3FB4];
	_ =	sdelay $0x3  }
0x37: {  	[smem:$0x3FB4] =	sst s10  }
0x38: {  	s10 =	sld [smem:$0x3FB5]  }
0x39: {  	_ = 	snop;
	(pc) =	sbr.ind lr, $3  }
0x3a: {  	_ = 	snop  }
0x3b: {  	_ = 	snop  }
0x3c: {  	p2 =	seq.s32 s10, $0x1;
	s10 =	sld [smem:$0x3FB4]  }
0x3d: {  	_ =	shalt  }
0x3e: {  	_ =	shalt  }
0x3f: {  	_ =	shalt  }
0x40: {  	_ =	shalt  }
0x41: {  	_ =	shalt  }
0x42: {  	_ =	shalt  }
0x43: {  	_ =	shalt  }
0x44: {  	_ =	shalt  }
0x45: {  	_ =	shalt  }
0x46: {  	_ =	shalt  }
0x47: {  	_ =	shalt  }
0x48: {  	_ =	shalt  }
0x49: {  	_ =	shalt  }
0x4a: {  	_ =	shalt  }
0x4b: {  	_ =	shalt  }
0x4c: {  	_ =	shalt  }
0x4d: {  	_ =	shalt  }
0x4e: {  	_ =	shalt  }
0x4f: {  	_ =	shalt  }
0x50: {  	_ =	shalt  }
0x51: {  	_ =	shalt  }
0x52: {  	_ =	shalt  }
0x53: {  	_ =	shalt  }
0x54: {  	_ =	shalt  }
0x55: {  	_ =	shalt  }
0x56: {  	_ =	shalt  }
0x57: {  	_ =	shalt  }
0x58: {  	_ =	shalt  }
0x59: {  	_ =	shalt  }
0x5a: {  	_ =	shalt  }
0x5b: {  	_ =	shalt  }
0x5c: {  	_ =	shalt  }
0x5d: {  	_ =	shalt  }
0x5e: {  	_ =	shalt  }
0x5f: {  	_ =	shalt  }
0x60: {  	_ =	shalt  }
0x61: {  	_ =	shalt  }
0x62: {  	_ =	shalt  }
0x63: {  	_ =	shalt  }
0x64: {  	_ =	shalt  }
0x65: {  	_ =	shalt  }
0x66: {  	_ =	shalt  }
0x67: {  	_ =	shalt  }
0x68: {  	_ =	shalt  }
0x69: {  	_ =	shalt  }
0x6a: {  	_ =	shalt  }
0x6b: {  	_ =	shalt  }
0x6c: {  	_ =	shalt  }
0x6d: {  	_ =	shalt  }
0x6e: {  	_ =	shalt  }
0x6f: {  	_ =	shalt  }
0x70: {  	_ =	shalt  }
0x71: {  	_ =	shalt  }
0x72: {  	_ =	shalt  }
0x73: {  	_ =	shalt  }
0x74: {  	_ =	shalt  }
0x75: {  	_ =	shalt  }
0x76: {  	_ =	shalt  }
0x77: {  	_ =	shalt  }
0x78: {  	_ =	shalt  }
0x79: {  	_ =	shalt  }
0x7a: {  	_ =	shalt  }
0x7b: {  	_ =	shalt  }
0x7c: {  	_ =	shalt  }
0x7d: {  	_ =	shalt  }
0x7e: {  	_ =	shalt  }
0x7f: {  	_ =	shalt  }
0x80: {  	_ =	shalt  }
0x81: {  	_ =	shalt  }
0x82: {  	_ =	shalt  }
0x83: {  	_ =	shalt  }
0x84: {  	_ =	shalt  }
0x85: {  	_ =	shalt  }
0x86: {  	_ =	shalt  }
0x87: {  	_ =	shalt  }
.Lfunc_end0:
.L_simem_size_0:
called_computation.2_lowered:
.L_overlay_start_0:
0x88: {  	s2 =	sld [smem:$0x3FD9]  }
0x89: {  	s3 =	sld [smem:$0x3FFE];
	_ =	sdelay $0x1  }
0x8a: {  	s1 =	srdreg.scid  }
0x8b: {  	s0 =	sand.u32 $0x1, s1  }
0x8c: {  	s17 =	sshll.u32 s0, $0xA;
	s2 =	sadd.s32 s3, s2  }
0x8d: {  	s2 =	sadd.s32 s2, s17  }
0x8e: {  	[smem:$0x3FC0] =	sst s2  }
0x8f: {  	_ = 	snop  }
0x90: {  	s2 =	sld [smem:$0x3FD0];
	(tm) =	ssettm $0x1  }
0x91: {  	s18 =	sld [smem:$0x3FFB];
	_ =	sdelay $0x3  }
0x92: {  	_ =	strace s18  }
0x93: {  	s3 =	sld [smem:$0x3FFC];
	_ =	sdelay $0x3  }
0x94: {  	_ =	strace s3  }
0x95: {  	s3 =	sld [smem:$0x3FFD];
	_ =	sdelay $0x3  }
0x96: {  	_ =	strace s3  }
0x97: {  	_ =	strace $0x8FFFFFFF  }
0x98: {  	s19 =	sld [smem:$0x3FDB];
	_ =	sdelay $0x1  }
0x99: {  	s4 =	simm.s32 $_scs_section_size  }
0x9a: {  	s5 =	simm.s32 $_size__tile_overlayer_lowered;
	s6 =	simm.s32 $_tile_overlayer_lowered  }
0x9b: {  	s22 =	simm.s32 $0x1BFF;
	s21 =	sshll.u32 s6, $0x1;
	s3 =	sadd.s32 s4, s19  }
0x9c: {  	s7 =	simm.s32 $0x0;
	s20 =	sshll.u32 s5, $0x1;
	s5 =	sadd.s32 s21, s3  }
0x9d: {  	[timem:s7], [sflag:s22] =	dma.local [hbm:s5], s20  }
0x9e: {  	_ =	swait.ge [sflag:s22], s20  }
0x9f: {  	s4 =	ssub.s32 $0x0, s20;
	[sflag:s22] =	ssyncset.done $0x0  }
0xa0: {  	[sflag:s22] =	ssyncadd.s32 s4;
	_ =	sdelay $0x1  }
0xa1: {  	s23 =	simm.s32 $0x1B8B  }
0xa2: {  	_ =	swait.ge [sflag:s23], $0x1  }
0xa3: {  	[sflag:s23] =	ssyncset.done $0x0  }
0xa4: {  	s25 =	simm.s32 $0x1B8E;
	s24 =	sld [smem:$0x3FFE];
	[sflag:s23] =	ssyncadd.s32 $0xFFFFFFFF  }
0xa5: {  	s26 =	simm.s32 $execute0_lowered;
	[smem:$0x3FD2] =	sst s25  }
0xa6: {  	s5 =	sshll.u32 s26, $0x1;
	_ =	strace $0x8000004C;
	[dreg:$0x1] =	wrdreg $0xFFFFFFFF  }
0xa7: {  	s28 =	simm.s32 $_size_execute0_lowered;
	s3 =	sadd.s32 s3, s5;
	[dreg:$0x0] =	wrdreg $0x0  }
0xa8: {  	s5 =	sshll.u32 s28, $0x1;
	[dreg:$0x2] =	wrdreg s3  }
0xa9: {  	[dreg:$0x3] =	wrdreg s5  }
0xaa: {  	[dreg:$0x4] =	wrdreg $0xC0  }
0xab: {  	_ =	task [dreg:s7], $0x5FFFF  }
0xac: {  	[dreg:$0x1] =	wrdreg $0xFFFFFFFF  }
0xad: {  	[dreg:$0x0] =	wrdreg $0x60  }
0xae: {  	[dreg:$0x2] =	wrdreg s2  }
0xaf: {  	[dreg:$0x3] =	wrdreg s24  }
0xb0: {  	[dreg:$0x4] =	wrdreg $0x0  }
0xb1: {  	[dreg:$0x5] =	wrdreg $0x9  }
0xb2: {  	_ =	task.clear_ibuf [dreg:s7], $0x6FFFF;
	_ =	strace $0x9000004C  }
0xb3: {  	s29 =	simm.s32 $0x9;
	_ =	strace $0x8000004E  }
0xb4: {  	_ =	swait.ge [sflag:s29], $0x1  }
0xb5: {  	[sflag:s29] =	ssyncadd.s32 $0xFFFFFFFF  }
0xb6: {  	_ =	strace $0x9000004E  }
0xb7: {  	_ =	sfence  }
0xb8: {  	s30 =	sld [smem:$0x0];
	_ =	sdelay $0x2  }
0xb9: {  	s31 =	sshll.u32 s1, $0xD;
	s1 =	sshrl.u32 s1, $0x2  }
0xba: {  	s3 =	sand.u32 $0x4000, s31;
	s1 =	sadd.s32 s1, s30  }
0xbb: {  	s0 =	sor.u32 s3, s0;
	s1 =	sshll.u32 s1, $0x11  }
0xbc: {  	s0 =	sor.u32 s1, s0  }
0xbd: {  	s0 =	sadd.s32 $0x8F2B, s0  }
0xbe: {  	[sflag:s0] =	ssyncadd.remote.s32 $0x1  }
0xbf: {  	_ =	sfence.sel $0xFFFF  }
0xc0: {  	[dreg:$0x0] =	wrdreg $0xFFFFFFFF;
	(pc) =	sbr.abs _section_cstart, $3  }
0xc1: {  	[dreg:$0x1] =	wrdreg $0xFFFFFFFF  }
0xc2: {  	_ =	task.clear_ibuf [dreg:s7], $0x2FFFF;
	_ =	strace $0x9FFFFFFF  }
0xc3: {  	(tm) =	ssettm $0x7FFFFFFF  }
tec
execute0_lowered:
.L_overlay_start_1:
0x0: {  	(tag) =	ssettag $0x1  }
0x1: {  	s0 =	rddreg [dreg:$0x0]  }
0x2: {  	s1 =	rddreg [dreg:$0x1];
	s2 =	srdreg.scid  }
0x3: {  	s3 =	rddreg [dreg:$0x2];
	s7 =	stileid.u32;
	s4 =	simm.s32 $0x0  }
0x4: {  	s16 =	simm.s32 $0x16800;
	s17 =	simm.s32 $0x5;
	s18 =	simm.s32 $0x14000  }
0x5: {  	s19 =	simm.s32 $0x15400;
	s20 =	simm.s32 $0x80;
	s21 =	simm.s32 $0x1  }
0x6: {  	s22 =	simm.s32 $0x14080;
	s23 =	simm.s32 $0x1A800;
	s24 =	simm.s32 $0x2  }
0x7: {  	s28 =	simm.s32 $0x14100;
	s29 =	simm.s32 $0x4;
	s30 =	simm.s32 $0x0  }
0x8: {  	s2 =	sand.u32 $0x1, s2;
	s6 =	smul.u32 $0x14000, s7;
	[smem:$0x7FF] =	sst s4  }
0x9: {  	s12 =	sadd.s32 $0x1E00, s1;
	s25 =	smul.u32 $0x50000, s7;
	s7 =	sshll.u32 s7, $0x1  }
0xa: {  	s5 =	smul.u32 $0x140000, s2;
	s26 =	ssub.s32 $0x2, s2;
	s2 =	sor.u32 s2, s7  }
0xb: {  	s13 =	sadd.s32 $0xBE00, s1;
	_ =	strace $0x8000004D;
	s10 =	smul.u32 $0x2800, s2  }
0xc: {  	s8 =	sshrl.u32 s26, $0x1;
	s2 =	smul.u32 $0x500, s2;
	s5 =	sadd.s32 s5, s6  }
0xd: {  	s6 =	sshrl.u32 s25, $0x2;
	s15 =	ssub.s32 s26, s8;
	s25 =	simm.s32 $0x15480  }
0xe: {  	s26 =	simm.s32 $0x3;
	s5 =	sshrl.u32 s5, $0x3;
	s14 =	sshrl.u32 s10, $0x3  }
.Ltmp0:
0xf: {  	s10 =	sadd.s32 s12, s2;
	s11 =	sadd.s32 s13, s2;
	(pc) =	sbr.rel .LBB2_1-.Ltmp0, $4  }
0x10: {  	s15 =	smax.u32 s15, $0x1;
	s1 =	sadd.s32 s5, s1;
	s5 =	sadd.s32 s6, s3  }
0x11: {  	s31 =	sadd.s32 $0x280, s14;
	s6 =	sadd.s32 $0x4000, s5;
	s7 =	sadd.s32 $0x8000, s5  }
0x12: {  	s8 =	sadd.s32 $0xC000, s5;
	s9 =	sadd.s32 $0x10000, s5;
	s12 =	sadd.s32 s12, s31  }
0x13: {  	v0 =	vimm.f32 $0.0e+00;
	s13 =	sadd.s32 s13, s31;
	s14 =	sadd.s32 $0x15E00, s1;
	[dreg:$0x4] =	wrdreg s6  }
.LBB2_9:
0x14: {  	_ =	swait.ge [sflag:s29], $0x4000;
	s1 =	stileid.u32  }
0x15: {  	s2 =	sshrl.u32 s5, $0x3;
	s30 =	sadd.s32 $0x1, s30;
	[sflag:s29] =	ssyncset.done $0x0  }
0x16: {  	s1 =	sshll.u32 s1, $0x6;
	p0 =	sne.s32 s30, s15;
	[sflag:s29] =	ssyncadd.s32 $0xFFFFC000  }
.Ltmp1:
0x17: {  	s1 =	sor.u32 $0x1C05, s1;
	[bflag:$0x0] =	sbarrier.arrive $0xFFFF;
	(pc) =	sbr.rel @!p0 .LBB2_10-.Ltmp1, $4  }
0x18: {  	[hbm:s14], [sflag:s1] =	dma.local [spmem:s2], $0x2800  }
0x19: {  	_ =	swait.ge [sflag:s17], $0x2800  }
0x1a: {  	[sflag:s17] =	ssyncset.done $0x0  }
0x1b: {  	[sflag:s17] =	ssyncadd.s32 $0xFFFFD800  }
.LBB2_1:
0x1c: {  	s1 =	sand.u32 $0xFE00, s4  }
0x1d: {  	s2 =	sand.u32 $0x70, s4;
	s31 =	sshrl.u32 s1, $0x2  }
0x1e: {  	s1 =	simm.s32 $0x40;
	s2 =	sor.u32 s2, s31;
	s31 =	simm.s32 $0x0  }
.LBB2_2:
0x1f: {  	p0 =	sne.s32 s1, $0xFFC0  }
0x20: {  	[tilespmem:s2+$0x16800] =	vst v0;
	s31 =	sadd.s32 $0x10, s31;
	s2 =	smov.u32 s1;
	s1 =	sadd.s32 $0x40, s1  }
.Ltmp2:
0x21: {  	(pc) =	sbr.rel @p0 .LBB2_2-.Ltmp2, $4  }
0x22: {  	_ = 	snop  }
0x23: {  	s2 =	sand.u32 $0xFE00, s2  }
0x24: {  	s6 =	sand.u32 $0x70, s31;
	s2 =	sshrl.u32 s2, $0x2  }
0x25: {  	s2 =	sor.u32 s6, s2  }
0x26: {  	[tilespmem:s2+$0x16800] =	vst v0  }
0x27: {  	[spmem:s5] =	stream.linear.scatter [tilespmem:s16], [sflag:$0x5], $0x4000, $0x38;
	[tilespmem:$0x1E800] =	vst v63  }
0x28: {  	_ =	swait.ge [sflag:s17], $0x4000  }
0x29: {  	[sflag:s17] =	ssyncset.done $0x0  }
0x2a: {  	s1 =	rddreg [dreg:$0x4];
	[sflag:s17] =	ssyncadd.s32 $0xFFFFC000  }
0x2b: {  	[spmem:s1] =	stream.linear.scatter [tilespmem:s16], [sflag:$0x5], $0x4000, $0x38;
	[tilespmem:$0x1E800] =	vst v63  }
0x2c: {  	_ =	swait.ge [sflag:s17], $0x4000  }
0x2d: {  	[sflag:s17] =	ssyncset.done $0x0  }
0x2e: {  	[sflag:s17] =	ssyncadd.s32 $0xFFFFC000  }
0x2f: {  	[spmem:s7] =	stream.linear.scatter [tilespmem:s16], [sflag:$0x5], $0x4000, $0x38;
	[tilespmem:$0x1E800] =	vst v63  }
0x30: {  	_ =	swait.ge [sflag:s17], $0x4000  }
0x31: {  	[sflag:s17] =	ssyncset.done $0x0  }
0x32: {  	[sflag:s17] =	ssyncadd.s32 $0xFFFFC000  }
0x33: {  	[spmem:s8] =	stream.linear.scatter [tilespmem:s16], [sflag:$0x5], $0x4000, $0x38;
	[tilespmem:$0x1E800] =	vst v63  }
0x34: {  	_ =	swait.ge [sflag:s17], $0x4000  }
0x35: {  	[sflag:s17] =	ssyncset.done $0x0  }
0x36: {  	[sflag:s17] =	ssyncadd.s32 $0xFFFFC000  }
0x37: {  	[spmem:s9] =	stream.linear.scatter [tilespmem:s16], [sflag:$0x5], $0x4000, $0x38;
	[tilespmem:$0x1E800] =	vst v63  }
0x38: {  	_ =	swait.ge [sflag:s17], $0x4000  }
0x39: {  	[sflag:s17] =	ssyncset.done $0x0  }
0x3a: {  	[sflag:s17] =	ssyncadd.s32 $0xFFFFC000  }
0x3b: {  	[bflag:$0x0] =	sbarrier.arrive $0xFFFF  }
0x3c: {  	[tilespmem:s18], [sflag:$0x5] =	stream.linear.gather [hbm4b:s10+s4], $0x1400, $0x38;
	[tilespmem:$0x1E800] =	vst v63  }
0x3d: {  	_ =	swait.ge [sflag:s17], $0x1400  }
0x3e: {  	[sflag:s17] =	ssyncset.done $0x0  }
0x3f: {  	[sflag:s17] =	ssyncadd.s32 $0xFFFFEC00  }
0x40: {  	[tilespmem:s19], [sflag:$0x5] =	stream.linear.gather [hbm4b:s11+s4], $0x1400, $0x38;
	[tilespmem:$0x1E800] =	vst v63  }
0x41: {  	_ =	swait.ge [sflag:s17], $0x1400  }
0x42: {  	[sflag:s17] =	ssyncset.done $0x0  }
0x43: {  	[sflag:s17] =	ssyncadd.s32 $0xFFFFEC00  }
0x44: {  	[tilespmem:s16], [sflag:$0x1] =	stream.indirect.gather [hbm4b:s0+s20], $0x80, s18, s20, $0xb8;
	[tilespmem:$0x1E800] =	vst v63  }
0x45: {  	_ =	swait.ge [sflag:s21], $0x4000  }
0x46: {  	[sflag:s21] =	ssyncset.done $0x0  }
0x47: {  	[sflag:s21] =	ssyncadd.s32 $0xFFFFC000  }
0x48: {  	[spmem:s3] =	stream.indirect.scatter.add.f32 [tilespmem:s16], [sflag:$0x3], $0x80, s19, s20, $0xb8;
	[tilespmem:$0x1E800] =	vst v63  }
0x49: {  	_ = 	snop  }
0x4a: {  	[tilespmem:s23], [sflag:$0x2] =	stream.indirect.gather [hbm4b:s0+s20], $0x80, s22, s20, $0xb8;
	[tilespmem:$0x1E800] =	vst v63  }
0x4b: {  	_ =	swait.ge [sflag:s24], $0x4000  }
0x4c: {  	[sflag:s24] =	ssyncset.done $0x0  }
0x4d: {  	[sflag:s24] =	ssyncadd.s32 $0xFFFFC000  }
0x4e: {  	[spmem:s3] =	stream.indirect.scatter.add.f32 [tilespmem:s23], [sflag:$0x4], $0x80, s25, s20, $0xb8;
	[tilespmem:$0x1E800] =	vst v63  }
0x4f: {  	_ =	swait.ge [sflag:s26], $0x4000  }
0x50: {  	[sflag:s26] =	ssyncset.done $0x0  }
0x51: {  	s31 =	simm.s32 $0xFFFFB800;
	[sflag:s26] =	ssyncadd.s32 $0xFFFFC000  }
0x52: {  	[tilespmem:s16], [sflag:$0x1] =	stream.indirect.gather [hbm4b:s0+s20], $0x80, s28, s20, $0xb8;
	[tilespmem:$0x1E800] =	vst v63  }
.LBB2_4:
0x53: {  	_ =	swait.ge [sflag:s21], $0x4000  }
0x54: {  	s1 =	sshra.s32 s31, $0x2;
	[sflag:s21] =	ssyncset.done $0x0  }
0x55: {  	s2 =	sadd.s32 $0x16700, s1;
	[sflag:s21] =	ssyncadd.s32 $0xFFFFC000  }
0x56: {  	[spmem:s3] =	stream.indirect.scatter.add.f32 [tilespmem:s16], [sflag:$0x3], $0x80, s2, s20, $0xb8;
	[tilespmem:$0x1E800] =	vst v63  }
0x57: {  	_ =	swait.ge [sflag:s29], $0x4000  }
0x58: {  	[sflag:s29] =	ssyncset.done $0x0  }
0x59: {  	s6 =	sadd.s32 $0x15380, s1;
	[sflag:s29] =	ssyncadd.s32 $0xFFFFC000  }
0x5a: {  	[tilespmem:s23], [sflag:$0x2] =	stream.indirect.gather [hbm4b:s0+s20], $0x80, s6, s20, $0xb8;
	[tilespmem:$0x1E800] =	vst v63  }
0x5b: {  	_ =	swait.ge [sflag:s24], $0x4000  }
0x5c: {  	p0 =	seq.s32 s31, $0x0;
	[sflag:s24] =	ssyncset.done $0x0  }
.Ltmp3:
0x5d: {  	s6 =	sadd.s32 $0x16780, s1;
	[sflag:s24] =	ssyncadd.s32 $0xFFFFC000;
	(pc) =	sbr.rel @p0 .LBB2_6-.Ltmp3, $4  }
0x5e: {  	[spmem:s3] =	stream.indirect.scatter.add.f32 [tilespmem:s23], [sflag:$0x4], $0x80, s6, s20, $0xb8;
	[tilespmem:$0x1E800] =	vst v63  }
0x5f: {  	_ =	swait.ge [sflag:s26], $0x4000  }
0x60: {  	[sflag:s26] =	ssyncset.done $0x0  }
0x61: {  	[sflag:s26] =	ssyncadd.s32 $0xFFFFC000  }
.Ltmp4:
0x62: {  	(pc) =	sbr.rel .LBB2_4-.Ltmp4, $3  }
0x63: {  	_ =	sdelay $0x1  }
0x64: {  	s1 =	sadd.s32 $0x15400, s1;
	s31 =	sadd.s32 $0x400, s31  }
0x65: {  	[tilespmem:s16], [sflag:$0x1] =	stream.indirect.gather [hbm4b:s0+s20], $0x80, s1, s20, $0xb8;
	[tilespmem:$0x1E800] =	vst v63  }
.LBB2_6:
0x66: {  	_ =	swait.ge [sflag:s29], $0x4000  }
0x67: {  	[sflag:s29] =	ssyncset.done $0x0  }
0x68: {  	[sflag:s29] =	ssyncadd.s32 $0xFFFFC000  }
0x69: {  	[tilespmem:s18], [sflag:$0x5] =	stream.linear.gather [hbm4b:s12+s4], $0x1400, $0x38;
	[tilespmem:$0x1E800] =	vst v63  }
0x6a: {  	_ =	swait.ge [sflag:s17], $0x1400  }
0x6b: {  	[sflag:s17] =	ssyncset.done $0x0  }
0x6c: {  	[sflag:s17] =	ssyncadd.s32 $0xFFFFEC00  }
0x6d: {  	[tilespmem:s19], [sflag:$0x5] =	stream.linear.gather [hbm4b:s13+s4], $0x1400, $0x38;
	[tilespmem:$0x1E800] =	vst v63  }
0x6e: {  	_ =	swait.ge [sflag:s17], $0x1400  }
0x6f: {  	[sflag:s17] =	ssyncset.done $0x0  }
0x70: {  	[sflag:s17] =	ssyncadd.s32 $0xFFFFEC00  }
0x71: {  	[tilespmem:s16], [sflag:$0x1] =	stream.indirect.gather [hbm4b:s0+s20], $0x80, s18, s20, $0xb8;
	[tilespmem:$0x1E800] =	vst v63  }
0x72: {  	_ =	swait.ge [sflag:s21], $0x4000  }
0x73: {  	[sflag:s21] =	ssyncset.done $0x0  }
0x74: {  	[sflag:s21] =	ssyncadd.s32 $0xFFFFC000  }
0x75: {  	[spmem:s3] =	stream.indirect.scatter.add.f32 [tilespmem:s16], [sflag:$0x3], $0x80, s19, s20, $0xb8;
	[tilespmem:$0x1E800] =	vst v63  }
0x76: {  	_ = 	snop  }
0x77: {  	[tilespmem:s23], [sflag:$0x2] =	stream.indirect.gather [hbm4b:s0+s20], $0x80, s22, s20, $0xb8;
	[tilespmem:$0x1E800] =	vst v63  }
0x78: {  	_ =	swait.ge [sflag:s24], $0x4000  }
0x79: {  	[sflag:s24] =	ssyncset.done $0x0  }
0x7a: {  	[sflag:s24] =	ssyncadd.s32 $0xFFFFC000  }
0x7b: {  	[spmem:s3] =	stream.indirect.scatter.add.f32 [tilespmem:s23], [sflag:$0x4], $0x80, s25, s20, $0xb8;
	[tilespmem:$0x1E800] =	vst v63  }
0x7c: {  	_ =	swait.ge [sflag:s26], $0x4000  }
0x7d: {  	[sflag:s26] =	ssyncset.done $0x0  }
0x7e: {  	s31 =	simm.s32 $0xFFFFB800;
	[sflag:s26] =	ssyncadd.s32 $0xFFFFC000  }
0x7f: {  	[tilespmem:s16], [sflag:$0x1] =	stream.indirect.gather [hbm4b:s0+s20], $0x80, s28, s20, $0xb8;
	[tilespmem:$0x1E800] =	vst v63  }
.LBB2_7:
0x80: {  	_ =	swait.ge [sflag:s21], $0x4000  }
0x81: {  	s1 =	sshra.s32 s31, $0x2;
	[sflag:s21] =	ssyncset.done $0x0  }
0x82: {  	s2 =	sadd.s32 $0x16700, s1;
	[sflag:s21] =	ssyncadd.s32 $0xFFFFC000  }
0x83: {  	[spmem:s3] =	stream.indirect.scatter.add.f32 [tilespmem:s16], [sflag:$0x3], $0x80, s2, s20, $0xb8;
	[tilespmem:$0x1E800] =	vst v63  }
0x84: {  	_ =	swait.ge [sflag:s29], $0x4000  }
0x85: {  	[sflag:s29] =	ssyncset.done $0x0  }
0x86: {  	s6 =	sadd.s32 $0x15380, s1;
	[sflag:s29] =	ssyncadd.s32 $0xFFFFC000  }
0x87: {  	[tilespmem:s23], [sflag:$0x2] =	stream.indirect.gather [hbm4b:s0+s20], $0x80, s6, s20, $0xb8;
	[tilespmem:$0x1E800] =	vst v63  }
0x88: {  	_ =	swait.ge [sflag:s24], $0x4000  }
0x89: {  	p0 =	seq.s32 s31, $0x0;
	[sflag:s24] =	ssyncset.done $0x0  }
.Ltmp5:
0x8a: {  	s6 =	sadd.s32 $0x16780, s1;
	[sflag:s24] =	ssyncadd.s32 $0xFFFFC000;
	(pc) =	sbr.rel @p0 .LBB2_9-.Ltmp5, $4  }
0x8b: {  	[spmem:s3] =	stream.indirect.scatter.add.f32 [tilespmem:s23], [sflag:$0x4], $0x80, s6, s20, $0xb8;
	[tilespmem:$0x1E800] =	vst v63  }
0x8c: {  	_ =	swait.ge [sflag:s26], $0x4000  }
0x8d: {  	[sflag:s26] =	ssyncset.done $0x0  }
0x8e: {  	[sflag:s26] =	ssyncadd.s32 $0xFFFFC000  }
.Ltmp6:
0x8f: {  	(pc) =	sbr.rel .LBB2_7-.Ltmp6, $3  }
0x90: {  	_ =	sdelay $0x1  }
0x91: {  	s1 =	sadd.s32 $0x15400, s1;
	s31 =	sadd.s32 $0x400, s31  }
0x92: {  	[tilespmem:s16], [sflag:$0x1] =	stream.indirect.gather [hbm4b:s0+s20], $0x80, s1, s20, $0xb8;
	[tilespmem:$0x1E800] =	vst v63  }
.LBB2_10:
0x93: {  	_ =	sfence.sel $0x180000  }
0x94: {  	[bflag:$0x0] =	sbarrier.arrive $0xFFFF  }
0x95: {  	_ =	strace $0x9000004D  }
0x96: {  	s0 =	stileid.u32;
	[bflag:$0x2] =	sbarrier.arrive $0xFFFF  }
0x97: {  	p0 =	sne.s32 s0, $0x0;
	s0 =	rddreg [dreg:$0x3]  }
0x98: {  	s0 =	sadd.s32 @!p0 $0x100000, s0  }
0x99: {  	[sflag:s0] =	ssyncadd.tile.s32 @!p0 $0x1;
	_ =	shalt  }
.Lfunc_end2:
_tile_overlayer_lowered:
.L_overlay_start_2:
0x9a: {  	(tag) =	ssettag $0x2  }
0x9b: {  	s0 =	rddreg [dreg:$0x0];
	s2 =	stileid.u32  }
0x9c: {  	s1 =	rddreg [dreg:$0x1];
	p0 =	sne.s32 s2, $0x0  }
0x9d: {  	s3 =	rddreg [dreg:$0x2];
	[bflag:$0x3] =	sbarrier.arrive $0xFFFF;
	s2 =	simm.s32 @!p0 $0x1C05  }
0x9e: {  	[timem:s3], [sflag:s2] =	dma.local @!p0 [hbm:s0], s1  }
0x9f: {  	s0 =	simm.s32 @!p0 $0x5  }
0xa0: {  	_ =	swait.ge @!p0 [sflag:s0], s1  }
0xa1: {  	s1 =	ssub.s32 @!p0 $0x0, s1;
	[sflag:s0] =	ssyncset.done @!p0 $0x0  }
0xa2: {  	[sflag:s0] =	ssyncadd.s32 @!p0 s1  }
0xa3: {  	[bflag:$0x3] =	sbarrier.arrive $0xFFFF  }
0xa4: {  	_ =	shalt  }

// kernel: kernel.8.cloned.1.call-start
scs
__scs_entry_jumppad:
0x0: {  	(pc) =	sbr.rel $0x88, $3  }
0x1: {  	(tag) =	ssettag $0x0;
	lr =	simm.s32 $0x1  }
0x2: {  	[smem:$0x3F99] =	sst lr;
	_ =	strace $0xD0000000  }
0x3: {  	_ = 	snop  }
0x4: {  	_ = 	snop  }
0x5: {  	_ = 	snop  }
0x6: {  	_ = 	snop  }
0x7: {  	_ = 	snop  }
__scs_overlays_trampoline_lowered:
0x8: {  	[smem:$0x3FA8] =	sst s0  }
0x9: {  	[smem:$0x3FA9] =	sst s1  }
0xa: {  	[smem:$0x3FAA] =	sst s2  }
0xb: {  	[smem:$0x3FAB] =	sst s3  }
0xc: {  	[smem:$0x3FAC] =	sst s4  }
0xd: {  	[smem:$0x3FAD] =	sst s5  }
0xe: {  	[smem:$0x3FAE] =	sst s6  }
0xf: {  	[smem:$0x3FAF] =	sst s7  }
0x10: {  	[smem:$0x3FB0] =	sst s8  }
0x11: {  	[smem:$0x3FB1] =	sst s9;
	s0 =	simm.s32 @!p0 $0x0  }
0x12: {  	s1 =	sld [smem:$0x3F97];
	s0 =	simm.s32 @p0 $0x1  }
0x13: {  	[smem:$0x3FB2] =	sst s0;
	s0 =	simm.s32 @!p1 $0x0  }
0x14: {  	s2 =	sld [smem:$0x3F96];
	s0 =	simm.s32 @p1 $0x1  }
0x15: {  	[smem:$0x3FB3] =	sst s0;
	s0 =	simm.s32 @!p2 $0x0  }
0x16: {  	s3 =	sld [smem:$0x3FDB];
	s0 =	simm.s32 @p2 $0x1  }
0x17: {  	s4 =	simm.s32 $0x1BF5;
	[smem:$0x3FB5] =	sst s0  }
0x18: {  	s0 =	sld [smem:$0x3F98];
	_ =	swait.ge [sflag:s4], $0x0  }
0x19: {  	s7 =	sld [smem:$0x3F99]  }
0x1a: {  	s8 =	sadd.s32 $0xFFFFE003, lr  }
0x1b: {  	s9 =	sadd.s32 $0xFFFFFEF7, lr;
	s5 =	simm.s32 $0xFFFFFFFF;
	p2 =	slt.u32 s8, $0xFFFFF086  }
0x1c: {  	p1 =	slt.u32 s9, $0xF7A;
	s5 =	simm.s32 @!p2 $0x0  }
0x1d: {  	s5 =	simm.s32 @p1 $0x1;
	p0 =	seq.s32 s7, s2  }
0x1e: {  	s7 =	smul.u32 @!p0 $0xF7A, s2;
	p2 =	seq.s32 @!p0 s5, $0x0  }
0x1f: {  	s9 =	smul.u32 $0xF7A, s1;
	s8 =	simm.s32 @!p0 $0x1BF5;
	p2 =	por !p2, p0  }
0x20: {  	[sflag:s8] =	ssyncset.s32 @!p0 $0xFFFFF086;
	s6 =	sadd.s32 @!p0 s3, s7;
	s7 =	simm.s32 @!p0 $0x108  }
0x21: {  	s3 =	sadd.s32 s3, s9;
	s6 =	sadd.s32 @!p0 $0x88, s6;
	s7 =	simm.s32 @p2 $0x1082  }
0x22: {  	[simem:s7], [sflag:s8] =	dma.local @!p0 [hbm:s6], $0xF7A  }
0x23: {  	s9 =	sor.u32 $0xD0000000, s2;
	s6 =	simm.s32 $0x108;
	_ =	swait.ge @!p0 [sflag:s8], $0x0  }
0x24: {  	s3 =	sadd.s32 $0x88, s3;
	s6 =	simm.s32 @!p1 $0x1082;
	[sflag:s4] =	ssyncset.s32 $0xFFFFF086  }
0x25: {  	[simem:s6], [sflag:s4] =	dma.local [hbm:s3], $0xF7A  }
0x26: {  	[smem:$0x3F99] =	sst s1;
	(tag) =	ssettag s2;
	_ =	strace s9  }
0x27: {  	s1 =	sld [smem:$0x3FA9]  }
0x28: {  	s2 =	sld [smem:$0x3FAA]  }
0x29: {  	s4 =	sld [smem:$0x3FAC]  }
0x2a: {  	p0 =	seq.s32 s5, $0x0;
	s5 =	sld [smem:$0x3FAD]  }
0x2b: {  	s6 =	sld [smem:$0x3FAE]  }
0x2c: {  	s7 =	sld [smem:$0x3FAF]  }
0x2d: {  	s3 =	simm.s32 $0x108;
	s8 =	sld [smem:$0x3FB0]  }
0x2e: {  	s3 =	simm.s32 @!p0 $0x1082;
	s9 =	sld [smem:$0x3FB1]  }
0x2f: {  	lr =	sadd.s32 s0, s3;
	s0 =	sld [smem:$0x3FA8]  }
0x30: {  	s3 =	sld [smem:$0x3FAB]  }
0x31: {  	[smem:$0x3FB4] =	sst s10  }
0x32: {  	s10 =	sld [smem:$0x3FB2];
	_ =	sdelay $0x3  }
0x33: {  	p0 =	seq.s32 s10, $0x1;
	s10 =	sld [smem:$0x3FB4];
	_ =	sdelay $0x3  }
0x34: {  	[smem:$0x3FB4] =	sst s10  }
0x35: {  	s10 =	sld [smem:$0x3FB3];
	_ =	sdelay $0x3  }
0x36: {  	p1 =	seq.s32 s10, $0x1;
	s10 =	sld [smem:$0x3FB4];
	_ =	sdelay $0x3  }
0x37: {  	[smem:$0x3FB4] =	sst s10  }
0x38: {  	s10 =	sld [smem:$0x3FB5]  }
0x39: {  	_ = 	snop;
	(pc) =	sbr.ind lr, $3  }
0x3a: {  	_ = 	snop  }
0x3b: {  	_ = 	snop  }
0x3c: {  	p2 =	seq.s32 s10, $0x1;
	s10 =	sld [smem:$0x3FB4]  }
0x3d: {  	_ =	shalt  }
0x3e: {  	_ =	shalt  }
0x3f: {  	_ =	shalt  }
0x40: {  	_ =	shalt  }
0x41: {  	_ =	shalt  }
0x42: {  	_ =	shalt  }
0x43: {  	_ =	shalt  }
0x44: {  	_ =	shalt  }
0x45: {  	_ =	shalt  }
0x46: {  	_ =	shalt  }
0x47: {  	_ =	shalt  }
0x48: {  	_ =	shalt  }
0x49: {  	_ =	shalt  }
0x4a: {  	_ =	shalt  }
0x4b: {  	_ =	shalt  }
0x4c: {  	_ =	shalt  }
0x4d: {  	_ =	shalt  }
0x4e: {  	_ =	shalt  }
0x4f: {  	_ =	shalt  }
0x50: {  	_ =	shalt  }
0x51: {  	_ =	shalt  }
0x52: {  	_ =	shalt  }
0x53: {  	_ =	shalt  }
0x54: {  	_ =	shalt  }
0x55: {  	_ =	shalt  }
0x56: {  	_ =	shalt  }
0x57: {  	_ =	shalt  }
0x58: {  	_ =	shalt  }
0x59: {  	_ =	shalt  }
0x5a: {  	_ =	shalt  }
0x5b: {  	_ =	shalt  }
0x5c: {  	_ =	shalt  }
0x5d: {  	_ =	shalt  }
0x5e: {  	_ =	shalt  }
0x5f: {  	_ =	shalt  }
0x60: {  	_ =	shalt  }
0x61: {  	_ =	shalt  }
0x62: {  	_ =	shalt  }
0x63: {  	_ =	shalt  }
0x64: {  	_ =	shalt  }
0x65: {  	_ =	shalt  }
0x66: {  	_ =	shalt  }
0x67: {  	_ =	shalt  }
0x68: {  	_ =	shalt  }
0x69: {  	_ =	shalt  }
0x6a: {  	_ =	shalt  }
0x6b: {  	_ =	shalt  }
0x6c: {  	_ =	shalt  }
0x6d: {  	_ =	shalt  }
0x6e: {  	_ =	shalt  }
0x6f: {  	_ =	shalt  }
0x70: {  	_ =	shalt  }
0x71: {  	_ =	shalt  }
0x72: {  	_ =	shalt  }
0x73: {  	_ =	shalt  }
0x74: {  	_ =	shalt  }
0x75: {  	_ =	shalt  }
0x76: {  	_ =	shalt  }
0x77: {  	_ =	shalt  }
0x78: {  	_ =	shalt  }
0x79: {  	_ =	shalt  }
0x7a: {  	_ =	shalt  }
0x7b: {  	_ =	shalt  }
0x7c: {  	_ =	shalt  }
0x7d: {  	_ =	shalt  }
0x7e: {  	_ =	shalt  }
0x7f: {  	_ =	shalt  }
0x80: {  	_ =	shalt  }
0x81: {  	_ =	shalt  }
0x82: {  	_ =	shalt  }
0x83: {  	_ =	shalt  }
0x84: {  	_ =	shalt  }
0x85: {  	_ =	shalt  }
0x86: {  	_ =	shalt  }
0x87: {  	_ =	shalt  }
.Lfunc_end0:
.L_simem_size_0:
called_computation_lowered:
.L_overlay_start_0:
0x88: {  	s2 =	sld [smem:$0x3FD9]  }
0x89: {  	s3 =	sld [smem:$0x3FFE];
	_ =	sdelay $0x1  }
0x8a: {  	s1 =	srdreg.scid  }
0x8b: {  	s0 =	sand.u32 $0x1, s1  }
0x8c: {  	s17 =	sshll.u32 s0, $0xA;
	s2 =	sadd.s32 s3, s2  }
0x8d: {  	s2 =	sadd.s32 s2, s17  }
0x8e: {  	[smem:$0x3FC0] =	sst s2  }
0x8f: {  	_ = 	snop  }
0x90: {  	(tm) =	ssettm $0x1  }
0x91: {  	s18 =	sld [smem:$0x3FFB];
	_ =	sdelay $0x3  }
0x92: {  	_ =	strace s18  }
0x93: {  	s2 =	sld [smem:$0x3FFC];
	_ =	sdelay $0x3  }
0x94: {  	_ =	strace s2  }
0x95: {  	s2 =	sld [smem:$0x3FFD];
	_ =	sdelay $0x3  }
0x96: {  	_ =	strace s2  }
0x97: {  	_ =	strace $0x8FFFFFFF  }
0x98: {  	s19 =	sld [smem:$0x3FDB];
	_ =	sdelay $0x1  }
0x99: {  	s20 =	simm.s32 $_scs_section_size  }
0x9a: {  	s4 =	simm.s32 $_size__tile_overlayer_lowered;
	s5 =	simm.s32 $_tile_overlayer_lowered  }
0x9b: {  	s6 =	simm.s32 $0x1BFF;
	s21 =	sshll.u32 s5, $0x1;
	s3 =	sadd.s32 s20, s19  }
0x9c: {  	s22 =	simm.s32 $0x0;
	s4 =	sshll.u32 s4, $0x1;
	s5 =	sadd.s32 s21, s3  }
0x9d: {  	[timem:s22], [sflag:s6] =	dma.local [hbm:s5], s4  }
0x9e: {  	_ =	swait.ge [sflag:s6], s4  }
0x9f: {  	s4 =	ssub.s32 $0x0, s4;
	[sflag:s6] =	ssyncset.done $0x0  }
0xa0: {  	[sflag:s6] =	ssyncadd.s32 s4;
	_ =	sdelay $0x1  }
0xa1: {  	s23 =	simm.s32 $0x1B8B  }
0xa2: {  	_ =	swait.ge [sflag:s23], $0x1  }
0xa3: {  	[sflag:s23] =	ssyncset.done $0x0  }
0xa4: {  	[sflag:s23] =	ssyncadd.s32 $0xFFFFFFFF  }
0xa5: {  	s4 =	sld [smem:$0x0]  }
0xa6: {  	s5 =	sand.u32 $0xFFFFFFFE, s1  }
0xa7: {  	p0 =	sne.s32 s1, s5  }
0xa8: {  	s5 =	sshll.u32 @p0 s5, $0xE  }
0xa9: {  	s5 =	sadd.s32 @p0 $0x11B8D, s5;
	s6 =	sshll.u32 @p0 s4, $0x11  }
0xaa: {  	s5 =	sor.u32 @p0 s6, s5  }
0xab: {  	[sflag:s5] =	ssyncadd.remote.s32 @p0 $0x1;
	_ =	sdelay $0x1  }
0xac: {  	s5 =	simm.s32 @p0 $0x1B8D  }
0xad: {  	_ =	swait.eq @p0 [sflag:s5], $0x1  }
0xae: {  	[sflag:s5] =	ssyncadd.s32 @p0 $0xFFFFFFFF  }
0xaf: {  	s6 =	sshll.u32 @!p0 s1, $0xE  }
0xb0: {  	s6 =	sor.u32 @!p0 $0x4000, s6;
	s5 =	simm.s32 @!p0 $0x1B8D  }
0xb1: {  	s4 =	sshll.u32 @!p0 s4, $0x11;
	s6 =	sadd.s32 @!p0 $0x11B8D, s6;
	_ =	swait.eq @!p0 [sflag:s5], $0x1  }
0xb2: {  	s4 =	sor.u32 @!p0 s4, s6;
	[sflag:s5] =	ssyncadd.s32 @!p0 $0xFFFFFFFF  }
0xb3: {  	s25 =	simm.s32 $0x1B8E;
	s24 =	sld [smem:$0x3FFE];
	[sflag:s4] =	ssyncadd.remote.s32 @!p0 $0x1  }
0xb4: {  	s26 =	simm.s32 $execute0_lowered;
	[smem:$0x3FD2] =	sst s25  }
0xb5: {  	s5 =	sshll.u32 s26, $0x1;
	_ =	strace $0x80000049;
	[dreg:$0x1] =	wrdreg $0xFFFFFFFF  }
0xb6: {  	s28 =	simm.s32 $_size_execute0_lowered;
	s3 =	sadd.s32 s3, s5;
	[dreg:$0x0] =	wrdreg $0x0  }
0xb7: {  	s5 =	sshll.u32 s28, $0x1;
	[dreg:$0x2] =	wrdreg s3  }
0xb8: {  	[dreg:$0x3] =	wrdreg s5  }
0xb9: {  	[dreg:$0x4] =	wrdreg $0xC0  }
0xba: {  	_ =	task [dreg:s22], $0x5FFFF  }
0xbb: {  	[dreg:$0x1] =	wrdreg $0xFFFFFFFF  }
0xbc: {  	[dreg:$0x0] =	wrdreg $0x60  }
0xbd: {  	[dreg:$0x2] =	wrdreg s24  }
0xbe: {  	[dreg:$0x3] =	wrdreg $0x0  }
0xbf: {  	[dreg:$0x4] =	wrdreg $0x9  }
0xc0: {  	_ =	task.clear_ibuf [dreg:s22], $0x5FFFF;
	_ =	strace $0x90000049  }
0xc1: {  	s29 =	simm.s32 $0x9;
	_ =	strace $0x8000004B  }
0xc2: {  	_ =	swait.ge [sflag:s29], $0x1  }
0xc3: {  	[sflag:s29] =	ssyncadd.s32 $0xFFFFFFFF  }
0xc4: {  	_ =	strace $0x9000004B  }
0xc5: {  	_ =	sfence  }
0xc6: {  	s30 =	sld [smem:$0x0];
	_ =	sdelay $0x2  }
0xc7: {  	s31 =	sshll.u32 s1, $0xD;
	s1 =	sshrl.u32 s1, $0x2  }
0xc8: {  	s4 =	sand.u32 $0x4000, s31;
	s1 =	sadd.s32 s1, s30  }
0xc9: {  	s0 =	sor.u32 s4, s0;
	s1 =	sshll.u32 s1, $0x11  }
0xca: {  	s0 =	sor.u32 s1, s0  }
0xcb: {  	s0 =	sadd.s32 $0x8F2B, s0  }
0xcc: {  	[sflag:s0] =	ssyncadd.remote.s32 $0x1  }
0xcd: {  	_ =	sfence.sel $0xFFFF  }
0xce: {  	[dreg:$0x0] =	wrdreg $0xFFFFFFFF;
	(pc) =	sbr.abs _section_cstart, $3  }
0xcf: {  	[dreg:$0x1] =	wrdreg $0xFFFFFFFF  }
0xd0: {  	_ =	task.clear_ibuf [dreg:s22], $0x2FFFF;
	_ =	strace $0x9FFFFFFF  }
0xd1: {  	(tm) =	ssettm $0x7FFFFFFF  }
tec
execute0_lowered:
.L_overlay_start_1:
0x0: {  	(tag) =	ssettag $0x1  }
0x1: {  	s1 =	srdreg.scid  }
0x2: {  	s0 =	stileid.u32;
	s4 =	rddreg [dreg:$0x0]  }
0x3: {  	s2 =	rddreg [dreg:$0x1];
	s7 =	smul.u32 $0x14000, s0  }
0x4: {  	s3 =	simm.s32 $0x0;
	s15 =	simm.s32 $0x14000;
	s9 =	smul.u32 $0x50000, s0  }
0x5: {  	s16 =	simm.s32 $0x0;
	s8 =	sand.u32 $0x1, s1;
	s13 =	smul.u32 $0xA0, s0  }
0x6: {  	s26 =	sshll.u32 s0, $0x1;
	[smem:$0x7FF] =	sst s3;
	s6 =	smul.u32 $0x140000, s8  }
0x7: {  	s1 =	sor.u32 s8, s26;
	s29 =	ssub.s32 $0x2, s8;
	s14 =	smul.u32 $0x50, s8  }
0x8: {  	s5 =	smul.u32 $0x500, s1;
	s1 =	rddreg [dreg:$0x2];
	_ =	strace $0x8000004A  }
0x9: {  	s30 =	sshrl.u32 s9, $0x2;
	s31 =	sshrl.u32 s29, $0x1;
	s28 =	sadd.s32 s6, s7  }
0xa: {  	s12 =	ssub.s32 s29, s31;
	s10 =	sadd.s32 s5, s4;
	s5 =	sshrl.u32 s28, $0x3  }
0xb: {  	s11 =	sadd.s32 s5, s4;
	s4 =	sadd.s32 s30, s2;
	s9 =	sadd.s32 $0xBE00, s10  }
0xc: {  	s5 =	sadd.s32 $0x4000, s4;
	s6 =	sadd.s32 $0x8000, s4;
	s7 =	sadd.s32 $0xC000, s4  }
0xd: {  	s8 =	sadd.s32 $0x10000, s4;
	s10 =	sadd.s32 $0x65E00, s11;
	s11 =	smax.u32 s12, $0x1  }
0xe: {  	v0 =	vimm.f32 $0.0e+00;
	v1 =	vimm.f32 $1.000000000e+00;
	s12 =	sadd.s32 s14, s13;
	s13 =	simm.s32 $0x16800;
	s14 =	simm.s32 $0x2  }
.LBB2_1:
0xf: {  	s17 =	sand.u32 $0xFE00, s3  }
0x10: {  	s18 =	sand.u32 $0x70, s3;
	s19 =	sshrl.u32 s17, $0x2  }
0x11: {  	s17 =	simm.s32 $0x40;
	s19 =	sor.u32 s18, s19;
	s18 =	simm.s32 $0x0  }
.LBB2_2:
0x12: {  	p0 =	sne.s32 s17, $0xFFC0  }
0x13: {  	[tilespmem:s19+$0x16800] =	vst v0;
	s18 =	sadd.s32 $0x10, s18;
	s19 =	smov.u32 s17;
	s17 =	sadd.s32 $0x40, s17  }
.Ltmp0:
0x14: {  	(pc) =	sbr.rel @p0 .LBB2_2-.Ltmp0, $4  }
0x15: {  	_ = 	snop  }
0x16: {  	s19 =	sand.u32 $0xFE00, s19  }
0x17: {  	s20 =	sand.u32 $0x70, s18;
	s19 =	sshrl.u32 s19, $0x2  }
0x18: {  	s19 =	sor.u32 s20, s19  }
0x19: {  	[tilespmem:s19+$0x16800] =	vst v0  }
0x1a: {  	[spmem:s4] =	stream.linear.scatter [tilespmem:s13], [sflag:$0x2], $0x4000, $0x38;
	[tilespmem:$0x1A800] =	vst v63  }
0x1b: {  	_ =	swait.ge [sflag:s14], $0x4000  }
0x1c: {  	[sflag:s14] =	ssyncset.done $0x0  }
0x1d: {  	[sflag:s14] =	ssyncadd.s32 $0xFFFFC000  }
0x1e: {  	[spmem:s5] =	stream.linear.scatter [tilespmem:s13], [sflag:$0x2], $0x4000, $0x38;
	[tilespmem:$0x1A800] =	vst v63  }
0x1f: {  	_ =	swait.ge [sflag:s14], $0x4000  }
0x20: {  	[sflag:s14] =	ssyncset.done $0x0  }
0x21: {  	[sflag:s14] =	ssyncadd.s32 $0xFFFFC000  }
0x22: {  	[spmem:s6] =	stream.linear.scatter [tilespmem:s13], [sflag:$0x2], $0x4000, $0x38;
	[tilespmem:$0x1A800] =	vst v63  }
0x23: {  	_ =	swait.ge [sflag:s14], $0x4000  }
0x24: {  	[sflag:s14] =	ssyncset.done $0x0  }
0x25: {  	[sflag:s14] =	ssyncadd.s32 $0xFFFFC000  }
0x26: {  	[spmem:s7] =	stream.linear.scatter [tilespmem:s13], [sflag:$0x2], $0x4000, $0x38;
	[tilespmem:$0x1A800] =	vst v63  }
0x27: {  	_ =	swait.ge [sflag:s14], $0x4000  }
0x28: {  	[sflag:s14] =	ssyncset.done $0x0  }
0x29: {  	s17 =	simm.s32 $0x0;
	[sflag:s14] =	ssyncadd.s32 $0xFFFFC000  }
0x2a: {  	[spmem:s8] =	stream.linear.scatter [tilespmem:s13], [sflag:$0x2], $0x4000, $0x38;
	[tilespmem:$0x1A800] =	vst v63  }
0x2b: {  	s18 =	sand.u32 $0xFE00, s17;
	_ =	swait.ge [sflag:s14], $0x4000  }
0x2c: {  	s31 =	sand.u32 $0x70, s17;
	s20 =	sshrl.u32 s18, $0x2;
	[sflag:s14] =	ssyncset.done $0x0  }
0x2d: {  	s18 =	simm.s32 $0x40;
	s19 =	sor.u32 s31, s20;
	[sflag:s14] =	ssyncadd.s32 $0xFFFFC000  }
.LBB2_4:
0x2e: {  	p0 =	sne.s32 s18, $0xFFC0  }
0x2f: {  	[tilespmem:s19+$0x16800] =	vst v1;
	s17 =	sadd.s32 $0x10, s17;
	s19 =	smov.u32 s18;
	s18 =	sadd.s32 $0x40, s18  }
.Ltmp1:
0x30: {  	(pc) =	sbr.rel @p0 .LBB2_4-.Ltmp1, $4  }
0x31: {  	_ = 	snop  }
0x32: {  	s19 =	sand.u32 $0xFE00, s19  }
0x33: {  	s20 =	sand.u32 $0x70, s17;
	s19 =	sshrl.u32 s19, $0x2  }
0x34: {  	s19 =	sor.u32 s20, s19  }
0x35: {  	[tilespmem:s19+$0x16800] =	vst v1;
	s17 =	simm.s32 $0x0  }
0x36: {  	[tilespmem:s15], [sflag:$0x2] =	stream.linear.gather [hbm4b:s9+s17], $0x2800, $0x38;
	[tilespmem:$0x1A800] =	vst v63  }
0x37: {  	_ =	swait.ge [sflag:s14], $0x2800  }
0x38: {  	p1 =	sgt.u32 s12, $0x9C3;
	[sflag:s14] =	ssyncset.done $0x0  }
0x39: {  	s17 =	simm.s32 @!p1 $0x80;
	[sflag:s14] =	ssyncadd.s32 $0xFFFFD800  }
0x3a: {  	s18 =	simm.s32 @!p1 $0x14000;
	s19 =	simm.s32 @!p1 $0x16800;
	[bflag:$0x0] =	sbarrier.arrive $0xFFFF  }
0x3b: {  	[spmem:s2] =	stream.indirect.scatter.add.f32 @!p1 [tilespmem:s19], [sflag:$0x1], $0x80, s18, s17, $0xb8;
	[tilespmem:$0x1A800] =	vst v63  }
0x3c: {  	s18 =	simm.s32 @!p1 $0x14080  }
0x3d: {  	[spmem:s2] =	stream.indirect.scatter.add.f32 @!p1 [tilespmem:s19], [sflag:$0x1], $0x80, s18, s17, $0xb8;
	[tilespmem:$0x1A800] =	vst v63  }
0x3e: {  	p0 =	sgt.u32 @!p1 s12, $0x9BF;
	s18 =	simm.s32 @!p1 $0x14100  }
0x3f: {  	[spmem:s2] =	stream.indirect.scatter.add.f32 @!p1 [tilespmem:s19], [sflag:$0x1], $0x80, s18, s17, $0xb8;
	[tilespmem:$0x1A800] =	vst v63  }
0x40: {  	p0 =	por p0, p1;
	s18 =	simm.s32 @!p1 $0x14180  }
0x41: {  	[spmem:s2] =	stream.indirect.scatter.add.f32 @!p1 [tilespmem:s19], [sflag:$0x1], $0x80, s18, s17, $0xb8;
	[tilespmem:$0x1A800] =	vst v63  }
0x42: {  	s17 =	simm.s32 @!p0 $0x14200;
	s18 =	simm.s32 @!p0 $0x80;
	s19 =	simm.s32 @!p0 $0x16800  }
0x43: {  	[spmem:s2] =	stream.indirect.scatter.add.f32 @!p0 [tilespmem:s19], [sflag:$0x1], $0x80, s17, s18, $0xb8;
	[tilespmem:$0x1A800] =	vst v63  }
0x44: {  	s17 =	simm.s32 @!p0 $0x14280  }
0x45: {  	[spmem:s2] =	stream.indirect.scatter.add.f32 @!p0 [tilespmem:s19], [sflag:$0x1], $0x80, s17, s18, $0xb8;
	[tilespmem:$0x1A800] =	vst v63  }
0x46: {  	s17 =	simm.s32 @!p0 $0x14300  }
0x47: {  	[spmem:s2] =	stream.indirect.scatter.add.f32 @!p0 [tilespmem:s19], [sflag:$0x1], $0x80, s17, s18, $0xb8;
	[tilespmem:$0x1A800] =	vst v63  }
0x48: {  	s20 =	simm.s32 @!p1 $0x1;
	s17 =	simm.s32 @!p0 $0x14380  }
0x49: {  	[spmem:s2] =	stream.indirect.scatter.add.f32 @!p0 [tilespmem:s19], [sflag:$0x1], $0x80, s17, s18, $0xb8;
	[tilespmem:$0x1A800] =	vst v63  }
0x4a: {  	_ =	swait.ge @!p1 [sflag:s20], $0x4000  }
0x4b: {  	[sflag:s20] =	ssyncset.done @!p1 $0x0  }
0x4c: {  	[sflag:s20] =	ssyncadd.s32 @!p1 $0xFFFFC000  }
0x4d: {  	_ =	swait.ge @!p1 [sflag:s20], $0x4000  }
0x4e: {  	[sflag:s20] =	ssyncset.done @!p1 $0x0  }
0x4f: {  	[sflag:s20] =	ssyncadd.s32 @!p1 $0xFFFFC000  }
0x50: {  	_ =	swait.ge @!p1 [sflag:s20], $0x4000  }
0x51: {  	[sflag:s20] =	ssyncset.done @!p1 $0x0  }
0x52: {  	[sflag:s20] =	ssyncadd.s32 @!p1 $0xFFFFC000  }
0x53: {  	_ =	swait.ge @!p1 [sflag:s20], $0x4000  }
0x54: {  	[sflag:s20] =	ssyncset.done @!p1 $0x0  }
0x55: {  	[sflag:s20] =	ssyncadd.s32 @!p1 $0xFFFFC000;
	s20 =	simm.s32 @!p0 $0x1  }
0x56: {  	_ =	swait.ge @!p0 [sflag:s20], $0x4000  }
0x57: {  	[sflag:s20] =	ssyncset.done @!p0 $0x0  }
0x58: {  	[sflag:s20] =	ssyncadd.s32 @!p0 $0xFFFFC000  }
0x59: {  	_ =	swait.ge @!p0 [sflag:s20], $0x4000  }
0x5a: {  	[sflag:s20] =	ssyncset.done @!p0 $0x0  }
0x5b: {  	s17 =	simm.s32 $0x1000;
	s18 =	sadd.s32 $0x8, s12;
	[sflag:s20] =	ssyncadd.s32 @!p0 $0xFFFFC000  }
0x5c: {  	s19 =	simm.s32 $0x2000;
	p1 =	sgt.u32 s18, $0x9C3;
	_ =	swait.ge @!p0 [sflag:s20], $0x4000  }
0x5d: {  	s22 =	simm.s32 @!p1 $0x400;
	s21 =	simm.s32 @!p1 $0x80;
	[sflag:s20] =	ssyncset.done @!p0 $0x0  }
.LBB2_6:
0x5e: {  	s23 =	sadd.s32 @!p1 $0x14000, s22  }
0x5f: {  	s24 =	simm.s32 @!p1 $0x16800;
	[sflag:s20] =	ssyncadd.s32 @!p0 $0xFFFFC000;
	s25 =	smov.u32 s19  }
0x60: {  	s19 =	sadd.s32 $0x1000, s19;
	p3 =	sgt.u32 @!p1 s18, $0x9BF;
	_ =	swait.ge @!p0 [sflag:s20], $0x4000  }
0x61: {  	p2 =	sne.s32 s19, $0xA000;
	[sflag:s20] =	ssyncset.done @!p0 $0x0  }
0x62: {  	[sflag:s20] =	ssyncadd.s32 @!p0 $0xFFFFC000  }
0x63: {  	[spmem:s2] =	stream.indirect.scatter.add.f32 @!p1 [tilespmem:s24], [sflag:$0x1], $0x80, s23, s21, $0xb8;
	[tilespmem:$0x1A800] =	vst v63  }
0x64: {  	s20 =	sadd.s32 @!p1 $0x14080, s22  }
0x65: {  	[spmem:s2] =	stream.indirect.scatter.add.f32 @!p1 [tilespmem:s24], [sflag:$0x1], $0x80, s20, s21, $0xb8;
	[tilespmem:$0x1A800] =	vst v63  }
0x66: {  	p0 =	por p3, p1;
	s20 =	sadd.s32 @!p1 $0x14100, s22  }
0x67: {  	[spmem:s2] =	stream.indirect.scatter.add.f32 @!p1 [tilespmem:s24], [sflag:$0x1], $0x80, s20, s21, $0xb8;
	[tilespmem:$0x1A800] =	vst v63  }
0x68: {  	s20 =	sadd.s32 @!p1 $0x14180, s22;
	s22 =	sshra.s32 @!p0 s17, $0x2;
	s17 =	smov.u32 s25  }
0x69: {  	[spmem:s2] =	stream.indirect.scatter.add.f32 @!p1 [tilespmem:s24], [sflag:$0x1], $0x80, s20, s21, $0xb8;
	[tilespmem:$0x1A800] =	vst v63  }
0x6a: {  	s23 =	simm.s32 @!p0 $0x16800;
	s20 =	sadd.s32 @!p0 $0x14200, s22;
	s21 =	simm.s32 @!p0 $0x80  }
0x6b: {  	[spmem:s2] =	stream.indirect.scatter.add.f32 @!p0 [tilespmem:s23], [sflag:$0x1], $0x80, s20, s21, $0xb8;
	[tilespmem:$0x1A800] =	vst v63  }
0x6c: {  	s24 =	sadd.s32 @!p0 $0x14300, s22;
	s20 =	sadd.s32 @!p0 $0x14280, s22;
	s22 =	sadd.s32 @!p0 $0x14380, s22  }
0x6d: {  	[spmem:s2] =	stream.indirect.scatter.add.f32 @!p0 [tilespmem:s23], [sflag:$0x1], $0x80, s20, s21, $0xb8;
	[tilespmem:$0x1A800] =	vst v63  }
0x6e: {  	_ = 	snop  }
0x6f: {  	[spmem:s2] =	stream.indirect.scatter.add.f32 @!p0 [tilespmem:s23], [sflag:$0x1], $0x80, s24, s21, $0xb8;
	[tilespmem:$0x1A800] =	vst v63  }
0x70: {  	s20 =	simm.s32 @!p1 $0x1  }
0x71: {  	[spmem:s2] =	stream.indirect.scatter.add.f32 @!p0 [tilespmem:s23], [sflag:$0x1], $0x80, s22, s21, $0xb8;
	[tilespmem:$0x1A800] =	vst v63  }
0x72: {  	_ =	swait.ge @!p1 [sflag:s20], $0x4000  }
0x73: {  	[sflag:s20] =	ssyncset.done @!p1 $0x0  }
0x74: {  	[sflag:s20] =	ssyncadd.s32 @!p1 $0xFFFFC000  }
0x75: {  	_ =	swait.ge @!p1 [sflag:s20], $0x4000  }
0x76: {  	[sflag:s20] =	ssyncset.done @!p1 $0x0  }
0x77: {  	[sflag:s20] =	ssyncadd.s32 @!p1 $0xFFFFC000  }
0x78: {  	_ =	swait.ge @!p1 [sflag:s20], $0x4000  }
0x79: {  	[sflag:s20] =	ssyncset.done @!p1 $0x0  }
0x7a: {  	[sflag:s20] =	ssyncadd.s32 @!p1 $0xFFFFC000  }
0x7b: {  	_ =	swait.ge @!p1 [sflag:s20], $0x4000  }
0x7c: {  	[sflag:s20] =	ssyncset.done @!p1 $0x0  }
0x7d: {  	[sflag:s20] =	ssyncadd.s32 @!p1 $0xFFFFC000;
	s20 =	simm.s32 @!p0 $0x1  }
0x7e: {  	_ =	swait.ge @!p0 [sflag:s20], $0x4000  }
0x7f: {  	[sflag:s20] =	ssyncset.done @!p0 $0x0  }
0x80: {  	[sflag:s20] =	ssyncadd.s32 @!p0 $0xFFFFC000  }
.Ltmp2:
0x81: {  	_ =	swait.ge @!p0 [sflag:s20], $0x4000;
	(pc) =	sbr.rel @p2 .LBB2_6-.Ltmp2, $4  }
0x82: {  	[sflag:s20] =	ssyncset.done @!p0 $0x0  }
0x83: {  	s18 =	sadd.s32 $0x8, s18;
	[sflag:s20] =	ssyncadd.s32 @!p0 $0xFFFFC000  }
0x84: {  	p1 =	sgt.u32 s18, $0x9C3;
	_ =	swait.ge @!p0 [sflag:s20], $0x4000  }
0x85: {  	s22 =	sshra.s32 @!p1 s17, $0x2;
	s21 =	simm.s32 @!p1 $0x80;
	[sflag:s20] =	ssyncset.done @!p0 $0x0  }
0x86: {  	[sflag:s20] =	ssyncadd.s32 @!p0 $0xFFFFC000  }
0x87: {  	_ =	swait.ge @!p0 [sflag:s20], $0x4000  }
0x88: {  	[sflag:s20] =	ssyncset.done @!p0 $0x0  }
0x89: {  	s19 =	sadd.s32 @!p1 $0x14000, s22;
	s23 =	simm.s32 @!p1 $0x16800;
	[sflag:s20] =	ssyncadd.s32 @!p0 $0xFFFFC000  }
0x8a: {  	[spmem:s2] =	stream.indirect.scatter.add.f32 @!p1 [tilespmem:s23], [sflag:$0x1], $0x80, s19, s21, $0xb8;
	[tilespmem:$0x1A800] =	vst v63  }
0x8b: {  	p0 =	sgt.u32 @!p1 s18, $0x9BF;
	s18 =	sadd.s32 @!p1 $0x14080, s22  }
0x8c: {  	[spmem:s2] =	stream.indirect.scatter.add.f32 @!p1 [tilespmem:s23], [sflag:$0x1], $0x80, s18, s21, $0xb8;
	[tilespmem:$0x1A800] =	vst v63  }
0x8d: {  	p0 =	por p0, p1;
	s18 =	sadd.s32 @!p1 $0x14100, s22  }
0x8e: {  	[spmem:s2] =	stream.indirect.scatter.add.f32 @!p1 [tilespmem:s23], [sflag:$0x1], $0x80, s18, s21, $0xb8;
	[tilespmem:$0x1A800] =	vst v63  }
0x8f: {  	s17 =	sshra.s32 @!p0 s17, $0x2;
	s18 =	sadd.s32 @!p1 $0x14180, s22  }
0x90: {  	[spmem:s2] =	stream.indirect.scatter.add.f32 @!p1 [tilespmem:s23], [sflag:$0x1], $0x80, s18, s21, $0xb8;
	[tilespmem:$0x1A800] =	vst v63  }
0x91: {  	s19 =	simm.s32 @!p0 $0x80;
	s20 =	simm.s32 @!p0 $0x16800;
	s18 =	sadd.s32 @!p0 $0x14200, s17  }
0x92: {  	[spmem:s2] =	stream.indirect.scatter.add.f32 @!p0 [tilespmem:s20], [sflag:$0x1], $0x80, s18, s19, $0xb8;
	[tilespmem:$0x1A800] =	vst v63  }
0x93: {  	s18 =	sadd.s32 @!p0 $0x14280, s17  }
0x94: {  	[spmem:s2] =	stream.indirect.scatter.add.f32 @!p0 [tilespmem:s20], [sflag:$0x1], $0x80, s18, s19, $0xb8;
	[tilespmem:$0x1A800] =	vst v63  }
0x95: {  	s18 =	sadd.s32 @!p0 $0x14300, s17  }
0x96: {  	[spmem:s2] =	stream.indirect.scatter.add.f32 @!p0 [tilespmem:s20], [sflag:$0x1], $0x80, s18, s19, $0xb8;
	[tilespmem:$0x1A800] =	vst v63  }
0x97: {  	s17 =	sadd.s32 @!p0 $0x14380, s17;
	s18 =	simm.s32 @!p1 $0x1  }
0x98: {  	[spmem:s2] =	stream.indirect.scatter.add.f32 @!p0 [tilespmem:s20], [sflag:$0x1], $0x80, s17, s19, $0xb8;
	[tilespmem:$0x1A800] =	vst v63  }
0x99: {  	_ =	swait.ge @!p1 [sflag:s18], $0x4000  }
0x9a: {  	[sflag:s18] =	ssyncset.done @!p1 $0x0  }
0x9b: {  	[sflag:s18] =	ssyncadd.s32 @!p1 $0xFFFFC000  }
0x9c: {  	_ =	swait.ge @!p1 [sflag:s18], $0x4000  }
0x9d: {  	[sflag:s18] =	ssyncset.done @!p1 $0x0  }
0x9e: {  	[sflag:s18] =	ssyncadd.s32 @!p1 $0xFFFFC000  }
0x9f: {  	_ =	swait.ge @!p1 [sflag:s18], $0x4000  }
0xa0: {  	[sflag:s18] =	ssyncset.done @!p1 $0x0  }
0xa1: {  	[sflag:s18] =	ssyncadd.s32 @!p1 $0xFFFFC000  }
0xa2: {  	_ =	swait.ge @!p1 [sflag:s18], $0x4000  }
0xa3: {  	[sflag:s18] =	ssyncset.done @!p1 $0x0  }
0xa4: {  	s17 =	simm.s32 @!p0 $0x1;
	[sflag:s18] =	ssyncadd.s32 @!p1 $0xFFFFC000  }
0xa5: {  	_ =	swait.ge @!p0 [sflag:s17], $0x4000  }
0xa6: {  	[sflag:s17] =	ssyncset.done @!p0 $0x0  }
0xa7: {  	[sflag:s17] =	ssyncadd.s32 @!p0 $0xFFFFC000  }
0xa8: {  	_ =	swait.ge @!p0 [sflag:s17], $0x4000  }
0xa9: {  	[sflag:s17] =	ssyncset.done @!p0 $0x0  }
0xaa: {  	[sflag:s17] =	ssyncadd.s32 @!p0 $0xFFFFC000  }
0xab: {  	_ =	swait.ge @!p0 [sflag:s17], $0x4000  }
0xac: {  	[sflag:s17] =	ssyncset.done @!p0 $0x0  }
0xad: {  	[sflag:s17] =	ssyncadd.s32 @!p0 $0xFFFFC000  }
0xae: {  	_ =	swait.ge @!p0 [sflag:s17], $0x4000  }
0xaf: {  	s30 =	sshll.u32 s0, $0x6;
	s16 =	sadd.s32 $0x1, s16;
	[sflag:s17] =	ssyncset.done @!p0 $0x0  }
0xb0: {  	s31 =	sshrl.u32 s4, $0x3;
	[sflag:s17] =	ssyncadd.s32 @!p0 $0xFFFFC000;
	p0 =	sne.s32 s16, s11  }
.Ltmp3:
0xb1: {  	s17 =	sor.u32 $0x1C02, s30;
	[bflag:$0x0] =	sbarrier.arrive $0xFFFF;
	(pc) =	sbr.rel @p0 .LBB2_1-.Ltmp3, $4  }
0xb2: {  	[hbm:s10], [sflag:s17] =	dma.local [spmem:s31], $0x2800  }
0xb3: {  	_ =	swait.ge [sflag:s14], $0x2800  }
0xb4: {  	[sflag:s14] =	ssyncset.done $0x0  }
0xb5: {  	[sflag:s14] =	ssyncadd.s32 $0xFFFFD800  }
0xb6: {  	_ =	sfence.sel $0x180000  }
0xb7: {  	[bflag:$0x0] =	sbarrier.arrive $0xFFFF  }
0xb8: {  	p0 =	sne.s32 s0, $0x0;
	_ =	strace $0x9000004A  }
0xb9: {  	s0 =	sadd.s32 @!p0 $0x100000, s1;
	[bflag:$0x2] =	sbarrier.arrive $0xFFFF  }
0xba: {  	[sflag:s0] =	ssyncadd.tile.s32 @!p0 $0x1;
	_ =	shalt  }
.Lfunc_end2:
_tile_overlayer_lowered:
.L_overlay_start_2:
0xbb: {  	(tag) =	ssettag $0x2  }
0xbc: {  	s0 =	rddreg [dreg:$0x0];
	s2 =	stileid.u32  }
0xbd: {  	s1 =	rddreg [dreg:$0x1];
	p0 =	sne.s32 s2, $0x0  }
0xbe: {  	s3 =	rddreg [dreg:$0x2];
	[bflag:$0x3] =	sbarrier.arrive $0xFFFF;
	s2 =	simm.s32 @!p0 $0x1C02  }
0xbf: {  	[timem:s3], [sflag:s2] =	dma.local @!p0 [hbm:s0], s1  }
0xc0: {  	s0 =	simm.s32 @!p0 $0x2  }
0xc1: {  	_ =	swait.ge @!p0 [sflag:s0], s1  }
0xc2: {  	s1 =	ssub.s32 @!p0 $0x0, s1;
	[sflag:s0] =	ssyncset.done @!p0 $0x0  }
0xc3: {  	[sflag:s0] =	ssyncadd.s32 @!p0 s1  }
0xc4: {  	[bflag:$0x3] =	sbarrier.arrive $0xFFFF  }
0xc5: {  	_ =	shalt  }

</sc_bundles>
